<compile_context>
chip_gen: v7x
topology: tpu7x:2x2x1
jax: 0.10.2.dev20260603
libtpu: 0.0.44.dev20260713+nightly
codegen_flags: <defaults>
</compile_context>

<pallas_src>
import functools

import jax
import jax.numpy as jnp
from jax import lax
from jax.experimental import pallas as pl
from jax.experimental.pallas import tpu as pltpu

from jax.experimental.pallas import tpu_sc as plsc

_D = 128
_N = 200


def _sc_gather(idx, table):
    b = idx.shape[0]
    info = plsc.get_sparse_core_info()
    ncores = info.num_cores
    nw = ncores * info.num_subcores
    b_per_w = b // nw
    mesh = plsc.VectorSubcoreMesh(
        core_axis_name="c", subcore_axis_name="s", num_cores=ncores
    )

    @functools.partial(
        pl.kernel,
        mesh=mesh,
        out_type=jax.ShapeDtypeStruct((b, table.shape[1]), jnp.float32),
        scratch_types=[
            pltpu.VMEM((b_per_w,), jnp.int32),
            pltpu.VMEM((b_per_w, table.shape[1]), jnp.float32),
            pltpu.SemaphoreType.DMA,
            pltpu.SemaphoreType.DMA,
        ],
    )
    def k(idx_hbm, table_hbm, out_hbm, idx_v, rows_v, sem0, sem1):
        wid = lax.axis_index("s") * ncores + lax.axis_index("c")
        base = wid * b_per_w
        h = b_per_w // 2
        pltpu.sync_copy(idx_hbm.at[pl.ds(base, b_per_w)], idx_v)
        g0 = pltpu.make_async_copy(
            table_hbm.at[idx_v.at[pl.ds(0, h)]], rows_v.at[pl.ds(0, h)], sem0
        )
        g1 = pltpu.make_async_copy(
            table_hbm.at[idx_v.at[pl.ds(h, h)]], rows_v.at[pl.ds(h, h)], sem1
        )
        g0.start()
        g1.start()
        g0.wait()
        w0 = pltpu.make_async_copy(
            rows_v.at[pl.ds(0, h)], out_hbm.at[pl.ds(base, h)], sem0
        )
        w0.start()
        g1.wait()
        w1 = pltpu.make_async_copy(
            rows_v.at[pl.ds(h, h)], out_hbm.at[pl.ds(base + h, h)], sem1
        )
        w1.start()
        w0.wait()
        w1.wait()

    return k(idx, table)


_NDMA = 16


def _bcast_body(x_ref, o_ref, sem):
    def cp(n):
        return pltpu.make_async_copy(x_ref, o_ref.at[:, n, :], sem)

    for n in range(_N):
        cp(n).start()
        if n >= _NDMA:
            cp(n - _NDMA).wait()
    for n in range(_N - _NDMA, _N):
        cp(n).wait()


def _tc_broadcast(x):
    b = x.shape[0]
    return pl.pallas_call(
        _bcast_body,
        in_specs=[pl.BlockSpec(memory_space=pltpu.VMEM)],
        out_specs=pl.BlockSpec(memory_space=pl.ANY),
        out_shape=jax.ShapeDtypeStruct((b, _N, _D), jnp.float32),
        scratch_shapes=[pltpu.SemaphoreType.DMA],
    )(x)


def kernel(attr_idx, embedding):
    idx = attr_idx.astype(jnp.int32)
    x = _sc_gather(idx, embedding)
    return _tc_broadcast(x)

# --- scband reference (transcript-rebuilt; emitter-appended) ---
"""Pipeline reference for scband-conditional-query-33775622816204 (READ-ONLY COPY).

The authoritative reference and input builder live on the scoring server;
editing this copy changes nothing except your own understanding.
"""

import jax, jax.numpy as jnp
import numpy as np

NUM_ATTR = 100000
HIDDEN_DIM = 128
SEQ_LENGTH = 200
BATCH = 4096

def setup_inputs(seed: int = 0) -> dict:
    key = jax.random.key(seed)
    k_idx, k_emb = jax.random.split(key)
    attr_idx = jax.random.randint(k_idx, (BATCH,), 0, NUM_ATTR, dtype=jnp.int64 if jax.config.jax_enable_x64 else jnp.int32)
    embedding = jax.random.normal(k_emb, (NUM_ATTR, HIDDEN_DIM), dtype=jnp.float32)
    return {"attr_idx": attr_idx, "embedding": embedding}

def reference(attr_idx, embedding):
    # x = self.embedding(attr_idx)  -> gather rows
    x = jnp.take(embedding, attr_idx, axis=0)  # [B, D]
    # einops.repeat(x, 'b d -> b n d', n=seq_length)
    out = jnp.broadcast_to(x[:, None, :], (x.shape[0], SEQ_LENGTH, x.shape[1]))
    return out

if __name__ == "__main__":
    import jax
    _d = setup_inputs()
    print(jax.jit(kernel)(*tuple(_d.values())))

</pallas_src>

<mosaic_0001>
#map = affine_map<(d0, d1) -> (0)>
#map1 = affine_map<(d0, d1) -> (0, 0)>
module attributes {stable_mosaic.version = 14 : i64} {
  func.func @k(%arg0: i32, %arg1: i32, %arg2: memref<4096xi32, #tpu.memory_space<hbm>>, %arg3: memref<100000x128xf32, #tpu.memory_space<hbm>>, %arg4: memref<4096x128xf32, #tpu.memory_space<hbm>>, %arg5: memref<128xi32, #tpu.memory_space<vmem>>, %arg6: memref<128x128xf32, #tpu.memory_space<vmem>>, %arg7: memref<!tpu.dma_semaphore, #tpu.memory_space<semaphore_mem>>, %arg8: memref<!tpu.dma_semaphore, #tpu.memory_space<semaphore_mem>>) attributes {dimension_semantics = [#tpu.dimension_semantics<core_parallel>, #tpu.dimension_semantics<subcore_parallel>], iteration_bounds = array<i64: 2, 16>, scalar_prefetch = 0 : i64, scratch_operands = 4 : i64, tpu.core_type = #tpu.core_type<sc_vector_subcore>, window_params = [{transform_indices = #map}, {transform_indices = #map1}, {transform_indices = #map1}]} {
    %mul3A = arith.constant 2 : i32
    %mul3A_0 = arith.muli %arg1, %mul3A : i32
    %add3A = arith.addi %mul3A_0, %arg0 : i32
    %mul3A_1 = arith.constant 128 : i32
    %mul3A_2 = arith.muli %add3A, %mul3A_1 : i32
    "tpu.region"() ({
      %run_scoped3A = tpu.sem_alloc : memref<!tpu.dma_semaphore, #tpu.memory_space<semaphore_mem>>
      %dma_start3A_75 = tpu.memref_slice %arg2[%mul3A_2] : memref<4096xi32, #tpu.memory_space<hbm>> -> memref<128xi32, #tpu.memory_space<hbm>>
      %dma_start3A_76 = tpu.memref_slice %arg2[%mul3A_2] : memref<4096xi32, #tpu.memory_space<hbm>> -> memref<128xi32, #tpu.memory_space<hbm>>
      tpu.enqueue_dma source(%dma_start3A_76 : memref<128xi32, #tpu.memory_space<hbm>>) target(%arg5 : memref<128xi32, #tpu.memory_space<vmem>>) target_semaphore(%run_scoped3A : memref<!tpu.dma_semaphore, #tpu.memory_space<semaphore_mem>>)
      %dma_wait3A_77 = tpu.memref_slice %arg2[%mul3A_2] : memref<4096xi32, #tpu.memory_space<hbm>> -> memref<128xi32, #tpu.memory_space<hbm>>
      %dma_wait3A_78 = tpu.memref_slice %arg2[%mul3A_2] : memref<4096xi32, #tpu.memory_space<hbm>> -> memref<128xi32, #tpu.memory_space<hbm>>
      tpu.wait_dma2 semaphore(%run_scoped3A : memref<!tpu.dma_semaphore, #tpu.memory_space<semaphore_mem>>) src(%dma_wait3A_78 : memref<128xi32, #tpu.memory_space<hbm>>) dst(%arg5 : memref<128xi32, #tpu.memory_space<vmem>>)
      tpu.yield
    }) : () -> ()
    %dma_start3A = arith.constant 0 : i32
    %dma_start3A_3 = arith.constant 0 : i32
    %dma_start3A_4 = tpu.memref_slice %arg6[%dma_start3A, %dma_start3A_3] : memref<128x128xf32, #tpu.memory_space<vmem>> -> memref<64x128xf32, #tpu.memory_space<vmem>>
    %dma_start3A_5 = arith.constant 0 : i32
    %dma_start3A_6 = tpu.memref_slice %arg5[%dma_start3A_5] : memref<128xi32, #tpu.memory_space<vmem>> -> memref<64xi32, #tpu.memory_space<vmem>>
    %dma_start3A_7 = arith.constant 0 : i32
    %dma_start3A_8 = arith.constant 0 : i32
    %dma_start3A_9 = tpu.memref_slice %arg3[%dma_start3A_7, %dma_start3A_8] : memref<100000x128xf32, #tpu.memory_space<hbm>> -> memref<100000x128xf32, #tpu.memory_space<hbm>>
    tpu.enqueue_indirect_dma source(%dma_start3A_9 : memref<100000x128xf32, #tpu.memory_space<hbm>>) target(%dma_start3A_4 : memref<64x128xf32, #tpu.memory_space<vmem>>) offsets(%dma_start3A_6 : memref<64xi32, #tpu.memory_space<vmem>>) semaphore(%arg7 : memref<!tpu.dma_semaphore, #tpu.memory_space<semaphore_mem>>)
    %dma_start3A_10 = arith.constant 64 : i32
    %dma_start3A_11 = arith.constant 0 : i32
    %dma_start3A_12 = tpu.memref_slice %arg6[%dma_start3A_10, %dma_start3A_11] : memref<128x128xf32, #tpu.memory_space<vmem>> -> memref<64x128xf32, #tpu.memory_space<vmem>>
    %dma_start3A_13 = arith.constant 64 : i32
    %dma_start3A_14 = tpu.memref_slice %arg5[%dma_start3A_13] : memref<128xi32, #tpu.memory_space<vmem>> -> memref<64xi32, #tpu.memory_space<vmem>>
    %dma_start3A_15 = arith.constant 0 : i32
    %dma_start3A_16 = arith.constant 0 : i32
    %dma_start3A_17 = tpu.memref_slice %arg3[%dma_start3A_15, %dma_start3A_16] : memref<100000x128xf32, #tpu.memory_space<hbm>> -> memref<100000x128xf32, #tpu.memory_space<hbm>>
    tpu.enqueue_indirect_dma source(%dma_start3A_17 : memref<100000x128xf32, #tpu.memory_space<hbm>>) target(%dma_start3A_12 : memref<64x128xf32, #tpu.memory_space<vmem>>) offsets(%dma_start3A_14 : memref<64xi32, #tpu.memory_space<vmem>>) semaphore(%arg8 : memref<!tpu.dma_semaphore, #tpu.memory_space<semaphore_mem>>)
    %dma_wait3A = arith.constant 0 : i32
    %dma_wait3A_18 = arith.constant 0 : i32
    %dma_wait3A_19 = tpu.memref_slice %arg6[%dma_wait3A, %dma_wait3A_18] : memref<128x128xf32, #tpu.memory_space<vmem>> -> memref<64x128xf32, #tpu.memory_space<vmem>>
    %dma_wait3A_20 = arith.constant 0 : i32
    %dma_wait3A_21 = tpu.memref_slice %arg5[%dma_wait3A_20] : memref<128xi32, #tpu.memory_space<vmem>> -> memref<64xi32, #tpu.memory_space<vmem>>
    %dma_wait3A_22 = arith.constant 0 : i32
    %dma_wait3A_23 = arith.constant 0 : i32
    %dma_wait3A_24 = tpu.memref_slice %arg3[%dma_wait3A_22, %dma_wait3A_23] : memref<100000x128xf32, #tpu.memory_space<hbm>> -> memref<100000x128xf32, #tpu.memory_space<hbm>>
    tpu.wait_indirect_dma semaphore(%arg7 : memref<!tpu.dma_semaphore, #tpu.memory_space<semaphore_mem>>) src(%dma_wait3A_24 : memref<100000x128xf32, #tpu.memory_space<hbm>>) dst(%dma_wait3A_19 : memref<64x128xf32, #tpu.memory_space<vmem>>)
    %dma_start3A_25 = arith.constant 0 : i32
    %dma_start3A_26 = arith.constant 0 : i32
    %dma_start3A_27 = tpu.memref_slice %arg6[%dma_start3A_25, %dma_start3A_26] : memref<128x128xf32, #tpu.memory_space<vmem>> -> memref<64x128xf32, #tpu.memory_space<vmem>>
    %dma_start3A_28 = arith.constant 0 : i32
    %dma_start3A_29 = tpu.memref_slice %arg4[%mul3A_2, %dma_start3A_28] : memref<4096x128xf32, #tpu.memory_space<hbm>> -> memref<64x128xf32, #tpu.memory_space<hbm>>
    %dma_start3A_30 = arith.constant 0 : i32
    %dma_start3A_31 = tpu.memref_slice %arg4[%mul3A_2, %dma_start3A_30] : memref<4096x128xf32, #tpu.memory_space<hbm>> -> memref<64x128xf32, #tpu.memory_space<hbm>>
    %dma_start3A_32 = arith.constant 0 : i32
    %dma_start3A_33 = arith.constant 0 : i32
    %dma_start3A_34 = tpu.memref_slice %arg6[%dma_start3A_32, %dma_start3A_33] : memref<128x128xf32, #tpu.memory_space<vmem>> -> memref<64x128xf32, #tpu.memory_space<vmem>>
    tpu.enqueue_dma source(%dma_start3A_34 : memref<64x128xf32, #tpu.memory_space<vmem>>) target(%dma_start3A_31 : memref<64x128xf32, #tpu.memory_space<hbm>>) target_semaphore(%arg7 : memref<!tpu.dma_semaphore, #tpu.memory_space<semaphore_mem>>)
    %dma_wait3A_35 = arith.constant 64 : i32
    %dma_wait3A_36 = arith.constant 0 : i32
    %dma_wait3A_37 = tpu.memref_slice %arg6[%dma_wait3A_35, %dma_wait3A_36] : memref<128x128xf32, #tpu.memory_space<vmem>> -> memref<64x128xf32, #tpu.memory_space<vmem>>
    %dma_wait3A_38 = arith.constant 64 : i32
    %dma_wait3A_39 = tpu.memref_slice %arg5[%dma_wait3A_38] : memref<128xi32, #tpu.memory_space<vmem>> -> memref<64xi32, #tpu.memory_space<vmem>>
    %dma_wait3A_40 = arith.constant 0 : i32
    %dma_wait3A_41 = arith.constant 0 : i32
    %dma_wait3A_42 = tpu.memref_slice %arg3[%dma_wait3A_40, %dma_wait3A_41] : memref<100000x128xf32, #tpu.memory_space<hbm>> -> memref<100000x128xf32, #tpu.memory_space<hbm>>
    tpu.wait_indirect_dma semaphore(%arg8 : memref<!tpu.dma_semaphore, #tpu.memory_space<semaphore_mem>>) src(%dma_wait3A_42 : memref<100000x128xf32, #tpu.memory_space<hbm>>) dst(%dma_wait3A_37 : memref<64x128xf32, #tpu.memory_space<vmem>>)
    %add3A_43 = arith.constant 64 : i32
    %add3A_44 = arith.addi %mul3A_2, %add3A_43 : i32
    %dma_start3A_45 = arith.constant 64 : i32
    %dma_start3A_46 = arith.constant 0 : i32
    %dma_start3A_47 = tpu.memref_slice %arg6[%dma_start3A_45, %dma_start3A_46] : memref<128x128xf32, #tpu.memory_space<vmem>> -> memref<64x128xf32, #tpu.memory_space<vmem>>
    %dma_start3A_48 = arith.constant 0 : i32
    %dma_start3A_49 = tpu.memref_slice %arg4[%add3A_44, %dma_start3A_48] : memref<4096x128xf32, #tpu.memory_space<hbm>> -> memref<64x128xf32, #tpu.memory_space<hbm>>
    %dma_start3A_50 = arith.constant 0 : i32
    %dma_start3A_51 = tpu.memref_slice %arg4[%add3A_44, %dma_start3A_50] : memref<4096x128xf32, #tpu.memory_space<hbm>> -> memref<64x128xf32, #tpu.memory_space<hbm>>
    %dma_start3A_52 = arith.constant 64 : i32
    %dma_start3A_53 = arith.constant 0 : i32
    %dma_start3A_54 = tpu.memref_slice %arg6[%dma_start3A_52, %dma_start3A_53] : memref<128x128xf32, #tpu.memory_space<vmem>> -> memref<64x128xf32, #tpu.memory_space<vmem>>
    tpu.enqueue_dma source(%dma_start3A_54 : memref<64x128xf32, #tpu.memory_space<vmem>>) target(%dma_start3A_51 : memref<64x128xf32, #tpu.memory_space<hbm>>) target_semaphore(%arg8 : memref<!tpu.dma_semaphore, #tpu.memory_space<semaphore_mem>>)
    %dma_wait3A_55 = arith.constant 0 : i32
    %dma_wait3A_56 = arith.constant 0 : i32
    %dma_wait3A_57 = tpu.memref_slice %arg6[%dma_wait3A_55, %dma_wait3A_56] : memref<128x128xf32, #tpu.memory_space<vmem>> -> memref<64x128xf32, #tpu.memory_space<vmem>>
    %dma_wait3A_58 = arith.constant 0 : i32
    %dma_wait3A_59 = tpu.memref_slice %arg4[%mul3A_2, %dma_wait3A_58] : memref<4096x128xf32, #tpu.memory_space<hbm>> -> memref<64x128xf32, #tpu.memory_space<hbm>>
    %dma_wait3A_60 = arith.constant 0 : i32
    %dma_wait3A_61 = tpu.memref_slice %arg4[%mul3A_2, %dma_wait3A_60] : memref<4096x128xf32, #tpu.memory_space<hbm>> -> memref<64x128xf32, #tpu.memory_space<hbm>>
    %dma_wait3A_62 = arith.constant 0 : i32
    %dma_wait3A_63 = arith.constant 0 : i32
    %dma_wait3A_64 = tpu.memref_slice %arg6[%dma_wait3A_62, %dma_wait3A_63] : memref<128x128xf32, #tpu.memory_space<vmem>> -> memref<64x128xf32, #tpu.memory_space<vmem>>
    tpu.wait_dma2 semaphore(%arg7 : memref<!tpu.dma_semaphore, #tpu.memory_space<semaphore_mem>>) src(%dma_wait3A_64 : memref<64x128xf32, #tpu.memory_space<vmem>>) dst(%dma_wait3A_61 : memref<64x128xf32, #tpu.memory_space<hbm>>)
    %dma_wait3A_65 = arith.constant 64 : i32
    %dma_wait3A_66 = arith.constant 0 : i32
    %dma_wait3A_67 = tpu.memref_slice %arg6[%dma_wait3A_65, %dma_wait3A_66] : memref<128x128xf32, #tpu.memory_space<vmem>> -> memref<64x128xf32, #tpu.memory_space<vmem>>
    %dma_wait3A_68 = arith.constant 0 : i32
    %dma_wait3A_69 = tpu.memref_slice %arg4[%add3A_44, %dma_wait3A_68] : memref<4096x128xf32, #tpu.memory_space<hbm>> -> memref<64x128xf32, #tpu.memory_space<hbm>>
    %dma_wait3A_70 = arith.constant 0 : i32
    %dma_wait3A_71 = tpu.memref_slice %arg4[%add3A_44, %dma_wait3A_70] : memref<4096x128xf32, #tpu.memory_space<hbm>> -> memref<64x128xf32, #tpu.memory_space<hbm>>
    %dma_wait3A_72 = arith.constant 64 : i32
    %dma_wait3A_73 = arith.constant 0 : i32
    %dma_wait3A_74 = tpu.memref_slice %arg6[%dma_wait3A_72, %dma_wait3A_73] : memref<128x128xf32, #tpu.memory_space<vmem>> -> memref<64x128xf32, #tpu.memory_space<vmem>>
    tpu.wait_dma2 semaphore(%arg8 : memref<!tpu.dma_semaphore, #tpu.memory_space<semaphore_mem>>) src(%dma_wait3A_74 : memref<64x128xf32, #tpu.memory_space<vmem>>) dst(%dma_wait3A_71 : memref<64x128xf32, #tpu.memory_space<hbm>>)
    return
  }
}

module attributes {stable_mosaic.version = 14 : i64} {
  func.func @_bcast_body(%arg0: memref<4096x128xf32, #tpu.memory_space<vmem>>, %arg1: memref<4096x200x128xf32, #tpu.memory_space<any>>, %arg2: memref<!tpu.dma_semaphore, #tpu.memory_space<semaphore_mem>>) attributes {dimension_semantics = [], scalar_prefetch = 0 : i64, scratch_operands = 1 : i64, tpu.core_type = #tpu.core_type<tc>} {
    %dma_start3A = arith.constant 0 : i32
    %dma_start3A_0 = arith.constant 0 : i32
    %dma_start3A_1 = arith.constant 0 : i32
    %dma_start3A_2 = tpu.memref_slice %arg1[%dma_start3A_0, %dma_start3A, %dma_start3A_1] : memref<4096x200x128xf32, #tpu.memory_space<any>> -> memref<4096x1x128xf32, #tpu.memory_space<any>>
    %dma_start3A_3 = tpu.memref_squeeze %dma_start3A_2 : memref<4096x1x128xf32, #tpu.memory_space<any>> -> memref<4096x128xf32, #tpu.memory_space<any>>
    tpu.enqueue_dma source(%arg0 : memref<4096x128xf32, #tpu.memory_space<vmem>>) target(%dma_start3A_3 : memref<4096x128xf32, #tpu.memory_space<any>>) target_semaphore(%arg2 : memref<!tpu.dma_semaphore, #tpu.memory_space<semaphore_mem>>)
    %dma_start3A_4 = arith.constant 1 : i32
    %dma_start3A_5 = arith.constant 0 : i32
    %dma_start3A_6 = arith.constant 0 : i32
    %dma_start3A_7 = tpu.memref_slice %arg1[%dma_start3A_5, %dma_start3A_4, %dma_start3A_6] : memref<4096x200x128xf32, #tpu.memory_space<any>> -> memref<4096x1x128xf32, #tpu.memory_space<any>>
    %dma_start3A_8 = tpu.memref_squeeze %dma_start3A_7 : memref<4096x1x128xf32, #tpu.memory_space<any>> -> memref<4096x128xf32, #tpu.memory_space<any>>
    tpu.enqueue_dma source(%arg0 : memref<4096x128xf32, #tpu.memory_space<vmem>>) target(%dma_start3A_8 : memref<4096x128xf32, #tpu.memory_space<any>>) target_semaphore(%arg2 : memref<!tpu.dma_semaphore, #tpu.memory_space<semaphore_mem>>)
    %dma_start3A_9 = arith.constant 2 : i32
    %dma_start3A_10 = arith.constant 0 : i32
    %dma_start3A_11 = arith.constant 0 : i32
    %dma_start3A_12 = tpu.memref_slice %arg1[%dma_start3A_10, %dma_start3A_9, %dma_start3A_11] : memref<4096x200x128xf32, #tpu.memory_space<any>> -> memref<4096x1x128xf32, #tpu.memory_space<any>>
    %dma_start3A_13 = tpu.memref_squeeze %dma_start3A_12 : memref<4096x1x128xf32, #tpu.memory_space<any>> -> memref<4096x128xf32, #tpu.memory_space<any>>
    tpu.enqueue_dma source(%arg0 : memref<4096x128xf32, #tpu.memory_space<vmem>>) target(%dma_start3A_13 : memref<4096x128xf32, #tpu.memory_space<any>>) target_semaphore(%arg2 : memref<!tpu.dma_semaphore, #tpu.memory_space<semaphore_mem>>)
    %dma_start3A_14 = arith.constant 3 : i32
    %dma_start3A_15 = arith.constant 0 : i32
    %dma_start3A_16 = arith.constant 0 : i32
    %dma_start3A_17 = tpu.memref_slice %arg1[%dma_start3A_15, %dma_start3A_14, %dma_start3A_16] : memref<4096x200x128xf32, #tpu.memory_space<any>> -> memref<4096x1x128xf32, #tpu.memory_space<any>>
    %dma_start3A_18 = tpu.memref_squeeze %dma_start3A_17 : memref<4096x1x128xf32, #tpu.memory_space<any>> -> memref<4096x128xf32, #tpu.memory_space<any>>
    tpu.enqueue_dma source(%arg0 : memref<4096x128xf32, #tpu.memory_space<vmem>>) target(%dma_start3A_18 : memref<4096x128xf32, #tpu.memory_space<any>>) target_semaphore(%arg2 : memref<!tpu.dma_semaphore, #tpu.memory_space<semaphore_mem>>)
    %dma_start3A_19 = arith.constant 4 : i32
    %dma_start3A_20 = arith.constant 0 : i32
    %dma_start3A_21 = arith.constant 0 : i32
    %dma_start3A_22 = tpu.memref_slice %arg1[%dma_start3A_20, %dma_start3A_19, %dma_start3A_21] : memref<4096x200x128xf32, #tpu.memory_space<any>> -> memref<4096x1x128xf32, #tpu.memory_space<any>>
    %dma_start3A_23 = tpu.memref_squeeze %dma_start3A_22 : memref<4096x1x128xf32, #tpu.memory_space<any>> -> memref<4096x128xf32, #tpu.memory_space<any>>
    tpu.enqueue_dma source(%arg0 : memref<4096x128xf32, #tpu.memory_space<vmem>>) target(%dma_start3A_23 : memref<4096x128xf32, #tpu.memory_space<any>>) target_semaphore(%arg2 : memref<!tpu.dma_semaphore, #tpu.memory_space<semaphore_mem>>)
    %dma_start3A_24 = arith.constant 5 : i32
    %dma_start3A_25 = arith.constant 0 : i32
    %dma_start3A_26 = arith.constant 0 : i32
    %dma_start3A_27 = tpu.memref_slice %arg1[%dma_start3A_25, %dma_start3A_24, %dma_start3A_26] : memref<4096x200x128xf32, #tpu.memory_space<any>> -> memref<4096x1x128xf32, #tpu.memory_space<any>>
    %dma_start3A_28 = tpu.memref_squeeze %dma_start3A_27 : memref<4096x1x128xf32, #tpu.memory_space<any>> -> memref<4096x128xf32, #tpu.memory_space<any>>
    tpu.enqueue_dma source(%arg0 : memref<4096x128xf32, #tpu.memory_space<vmem>>) target(%dma_start3A_28 : memref<4096x128xf32, #tpu.memory_space<any>>) target_semaphore(%arg2 : memref<!tpu.dma_semaphore, #tpu.memory_space<semaphore_mem>>)
    %dma_start3A_29 = arith.constant 6 : i32
    %dma_start3A_30 = arith.constant 0 : i32
    %dma_start3A_31 = arith.constant 0 : i32
    %dma_start3A_32 = tpu.memref_slice %arg1[%dma_start3A_30, %dma_start3A_29, %dma_start3A_31] : memref<4096x200x128xf32, #tpu.memory_space<any>> -> memref<4096x1x128xf32, #tpu.memory_space<any>>
    %dma_start3A_33 = tpu.memref_squeeze %dma_start3A_32 : memref<4096x1x128xf32, #tpu.memory_space<any>> -> memref<4096x128xf32, #tpu.memory_space<any>>
    tpu.enqueue_dma source(%arg0 : memref<4096x128xf32, #tpu.memory_space<vmem>>) target(%dma_start3A_33 : memref<4096x128xf32, #tpu.memory_space<any>>) target_semaphore(%arg2 : memref<!tpu.dma_semaphore, #tpu.memory_space<semaphore_mem>>)
    %dma_start3A_34 = arith.constant 7 : i32
    %dma_start3A_35 = arith.constant 0 : i32
    %dma_start3A_36 = arith.constant 0 : i32
    %dma_start3A_37 = tpu.memref_slice %arg1[%dma_start3A_35, %dma_start3A_34, %dma_start3A_36] : memref<4096x200x128xf32, #tpu.memory_space<any>> -> memref<4096x1x128xf32, #tpu.memory_space<any>>
    %dma_start3A_38 = tpu.memref_squeeze %dma_start3A_37 : memref<4096x1x128xf32, #tpu.memory_space<any>> -> memref<4096x128xf32, #tpu.memory_space<any>>
    tpu.enqueue_dma source(%arg0 : memref<4096x128xf32, #tpu.memory_space<vmem>>) target(%dma_start3A_38 : memref<4096x128xf32, #tpu.memory_space<any>>) target_semaphore(%arg2 : memref<!tpu.dma_semaphore, #tpu.memory_space<semaphore_mem>>)
    %dma_start3A_39 = arith.constant 8 : i32
    %dma_start3A_40 = arith.constant 0 : i32
    %dma_start3A_41 = arith.constant 0 : i32
    %dma_start3A_42 = tpu.memref_slice %arg1[%dma_start3A_40, %dma_start3A_39, %dma_start3A_41] : memref<4096x200x128xf32, #tpu.memory_space<any>> -> memref<4096x1x128xf32, #tpu.memory_space<any>>
    %dma_start3A_43 = tpu.memref_squeeze %dma_start3A_42 : memref<4096x1x128xf32, #tpu.memory_space<any>> -> memref<4096x128xf32, #tpu.memory_space<any>>
    tpu.enqueue_dma source(%arg0 : memref<4096x128xf32, #tpu.memory_space<vmem>>) target(%dma_start3A_43 : memref<4096x128xf32, #tpu.memory_space<any>>) target_semaphore(%arg2 : memref<!tpu.dma_semaphore, #tpu.memory_space<semaphore_mem>>)
    %dma_start3A_44 = arith.constant 9 : i32
    %dma_start3A_45 = arith.constant 0 : i32
    %dma_start3A_46 = arith.constant 0 : i32
    %dma_start3A_47 = tpu.memref_slice %arg1[%dma_start3A_45, %dma_start3A_44, %dma_start3A_46] : memref<4096x200x128xf32, #tpu.memory_space<any>> -> memref<4096x1x128xf32, #tpu.memory_space<any>>
    %dma_start3A_48 = tpu.memref_squeeze %dma_start3A_47 : memref<4096x1x128xf32, #tpu.memory_space<any>> -> memref<4096x128xf32, #tpu.memory_space<any>>
    tpu.enqueue_dma source(%arg0 : memref<4096x128xf32, #tpu.memory_space<vmem>>) target(%dma_start3A_48 : memref<4096x128xf32, #tpu.memory_space<any>>) target_semaphore(%arg2 : memref<!tpu.dma_semaphore, #tpu.memory_space<semaphore_mem>>)
    %dma_start3A_49 = arith.constant 10 : i32
    %dma_start3A_50 = arith.constant 0 : i32
    %dma_start3A_51 = arith.constant 0 : i32
    %dma_start3A_52 = tpu.memref_slice %arg1[%dma_start3A_50, %dma_start3A_49, %dma_start3A_51] : memref<4096x200x128xf32, #tpu.memory_space<any>> -> memref<4096x1x128xf32, #tpu.memory_space<any>>
    %dma_start3A_53 = tpu.memref_squeeze %dma_start3A_52 : memref<4096x1x128xf32, #tpu.memory_space<any>> -> memref<4096x128xf32, #tpu.memory_space<any>>
    tpu.enqueue_dma source(%arg0 : memref<4096x128xf32, #tpu.memory_space<vmem>>) target(%dma_start3A_53 : memref<4096x128xf32, #tpu.memory_space<any>>) target_semaphore(%arg2 : memref<!tpu.dma_semaphore, #tpu.memory_space<semaphore_mem>>)
    %dma_start3A_54 = arith.constant 11 : i32
    %dma_start3A_55 = arith.constant 0 : i32
    %dma_start3A_56 = arith.constant 0 : i32
    %dma_start3A_57 = tpu.memref_slice %arg1[%dma_start3A_55, %dma_start3A_54, %dma_start3A_56] : memref<4096x200x128xf32, #tpu.memory_space<any>> -> memref<4096x1x128xf32, #tpu.memory_space<any>>
    %dma_start3A_58 = tpu.memref_squeeze %dma_start3A_57 : memref<4096x1x128xf32, #tpu.memory_space<any>> -> memref<4096x128xf32, #tpu.memory_space<any>>
    tpu.enqueue_dma source(%arg0 : memref<4096x128xf32, #tpu.memory_space<vmem>>) target(%dma_start3A_58 : memref<4096x128xf32, #tpu.memory_space<any>>) target_semaphore(%arg2 : memref<!tpu.dma_semaphore, #tpu.memory_space<semaphore_mem>>)
    %dma_start3A_59 = arith.constant 12 : i32
    %dma_start3A_60 = arith.constant 0 : i32
    %dma_start3A_61 = arith.constant 0 : i32
    %dma_start3A_62 = tpu.memref_slice %arg1[%dma_start3A_60, %dma_start3A_59, %dma_start3A_61] : memref<4096x200x128xf32, #tpu.memory_space<any>> -> memref<4096x1x128xf32, #tpu.memory_space<any>>
    %dma_start3A_63 = tpu.memref_squeeze %dma_start3A_62 : memref<4096x1x128xf32, #tpu.memory_space<any>> -> memref<4096x128xf32, #tpu.memory_space<any>>
    tpu.enqueue_dma source(%arg0 : memref<4096x128xf32, #tpu.memory_space<vmem>>) target(%dma_start3A_63 : memref<4096x128xf32, #tpu.memory_space<any>>) target_semaphore(%arg2 : memref<!tpu.dma_semaphore, #tpu.memory_space<semaphore_mem>>)
    %dma_start3A_64 = arith.constant 13 : i32
    %dma_start3A_65 = arith.constant 0 : i32
    %dma_start3A_66 = arith.constant 0 : i32
    %dma_start3A_67 = tpu.memref_slice %arg1[%dma_start3A_65, %dma_start3A_64, %dma_start3A_66] : memref<4096x200x128xf32, #tpu.memory_space<any>> -> memref<4096x1x128xf32, #tpu.memory_space<any>>
    %dma_start3A_68 = tpu.memref_squeeze %dma_start3A_67 : memref<4096x1x128xf32, #tpu.memory_space<any>> -> memref<4096x128xf32, #tpu.memory_space<any>>
    tpu.enqueue_dma source(%arg0 : memref<4096x128xf32, #tpu.memory_space<vmem>>) target(%dma_start3A_68 : memref<4096x128xf32, #tpu.memory_space<any>>) target_semaphore(%arg2 : memref<!tpu.dma_semaphore, #tpu.memory_space<semaphore_mem>>)
    %dma_start3A_69 = arith.constant 14 : i32
    %dma_start3A_70 = arith.constant 0 : i32
    %dma_start3A_71 = arith.constant 0 : i32
    %dma_start3A_72 = tpu.memref_slice %arg1[%dma_start3A_70, %dma_start3A_69, %dma_start3A_71] : memref<4096x200x128xf32, #tpu.memory_space<any>> -> memref<4096x1x128xf32, #tpu.memory_space<any>>
    %dma_start3A_73 = tpu.memref_squeeze %dma_start3A_72 : memref<4096x1x128xf32, #tpu.memory_space<any>> -> memref<4096x128xf32, #tpu.memory_space<any>>
    tpu.enqueue_dma source(%arg0 : memref<4096x128xf32, #tpu.memory_space<vmem>>) target(%dma_start3A_73 : memref<4096x128xf32, #tpu.memory_space<any>>) target_semaphore(%arg2 : memref<!tpu.dma_semaphore, #tpu.memory_space<semaphore_mem>>)
    %dma_start3A_74 = arith.constant 15 : i32
    %dma_start3A_75 = arith.constant 0 : i32
    %dma_start3A_76 = arith.constant 0 : i32
    %dma_start3A_77 = tpu.memref_slice %arg1[%dma_start3A_75, %dma_start3A_74, %dma_start3A_76] : memref<4096x200x128xf32, #tpu.memory_space<any>> -> memref<4096x1x128xf32, #tpu.memory_space<any>>
    %dma_start3A_78 = tpu.memref_squeeze %dma_start3A_77 : memref<4096x1x128xf32, #tpu.memory_space<any>> -> memref<4096x128xf32, #tpu.memory_space<any>>
    tpu.enqueue_dma source(%arg0 : memref<4096x128xf32, #tpu.memory_space<vmem>>) target(%dma_start3A_78 : memref<4096x128xf32, #tpu.memory_space<any>>) target_semaphore(%arg2 : memref<!tpu.dma_semaphore, #tpu.memory_space<semaphore_mem>>)
    %dma_start3A_79 = arith.constant 16 : i32
    %dma_start3A_80 = arith.constant 0 : i32
    %dma_start3A_81 = arith.constant 0 : i32
    %dma_start3A_82 = tpu.memref_slice %arg1[%dma_start3A_80, %dma_start3A_79, %dma_start3A_81] : memref<4096x200x128xf32, #tpu.memory_space<any>> -> memref<4096x1x128xf32, #tpu.memory_space<any>>
    %dma_start3A_83 = tpu.memref_squeeze %dma_start3A_82 : memref<4096x1x128xf32, #tpu.memory_space<any>> -> memref<4096x128xf32, #tpu.memory_space<any>>
    tpu.enqueue_dma source(%arg0 : memref<4096x128xf32, #tpu.memory_space<vmem>>) target(%dma_start3A_83 : memref<4096x128xf32, #tpu.memory_space<any>>) target_semaphore(%arg2 : memref<!tpu.dma_semaphore, #tpu.memory_space<semaphore_mem>>)
    %dma_wait3A = arith.constant 0 : i32
    %dma_wait3A_84 = arith.constant 0 : i32
    %dma_wait3A_85 = arith.constant 0 : i32
    %dma_wait3A_86 = tpu.memref_slice %arg1[%dma_wait3A_84, %dma_wait3A, %dma_wait3A_85] : memref<4096x200x128xf32, #tpu.memory_space<any>> -> memref<4096x1x128xf32, #tpu.memory_space<any>>
    %dma_wait3A_87 = tpu.memref_squeeze %dma_wait3A_86 : memref<4096x1x128xf32, #tpu.memory_space<any>> -> memref<4096x128xf32, #tpu.memory_space<any>>
    tpu.wait_dma2 semaphore(%arg2 : memref<!tpu.dma_semaphore, #tpu.memory_space<semaphore_mem>>) src(%arg0 : memref<4096x128xf32, #tpu.memory_space<vmem>>) dst(%dma_wait3A_87 : memref<4096x128xf32, #tpu.memory_space<any>>)
    %dma_start3A_88 = arith.constant 17 : i32
    %dma_start3A_89 = arith.constant 0 : i32
    %dma_start3A_90 = arith.constant 0 : i32
    %dma_start3A_91 = tpu.memref_slice %arg1[%dma_start3A_89, %dma_start3A_88, %dma_start3A_90] : memref<4096x200x128xf32, #tpu.memory_space<any>> -> memref<4096x1x128xf32, #tpu.memory_space<any>>
    %dma_start3A_92 = tpu.memref_squeeze %dma_start3A_91 : memref<4096x1x128xf32, #tpu.memory_space<any>> -> memref<4096x128xf32, #tpu.memory_space<any>>
    tpu.enqueue_dma source(%arg0 : memref<4096x128xf32, #tpu.memory_space<vmem>>) target(%dma_start3A_92 : memref<4096x128xf32, #tpu.memory_space<any>>) target_semaphore(%arg2 : memref<!tpu.dma_semaphore, #tpu.memory_space<semaphore_mem>>)
    %dma_wait3A_93 = arith.constant 1 : i32
    %dma_wait3A_94 = arith.constant 0 : i32
    %dma_wait3A_95 = arith.constant 0 : i32
    %dma_wait3A_96 = tpu.memref_slice %arg1[%dma_wait3A_94, %dma_wait3A_93, %dma_wait3A_95] : memref<4096x200x128xf32, #tpu.memory_space<any>> -> memref<4096x1x128xf32, #tpu.memory_space<any>>
    %dma_wait3A_97 = tpu.memref_squeeze %dma_wait3A_96 : memref<4096x1x128xf32, #tpu.memory_space<any>> -> memref<4096x128xf32, #tpu.memory_space<any>>
    tpu.wait_dma2 semaphore(%arg2 : memref<!tpu.dma_semaphore, #tpu.memory_space<semaphore_mem>>) src(%arg0 : memref<4096x128xf32, #tpu.memory_space<vmem>>) dst(%dma_wait3A_97 : memref<4096x128xf32, #tpu.memory_space<any>>)
    %dma_start3A_98 = arith.constant 18 : i32
    %dma_start3A_99 = arith.constant 0 : i32
    %dma_start3A_100 = arith.constant 0 : i32
    %dma_start3A_101 = tpu.memref_slice %arg1[%dma_start3A_99, %dma_start3A_98, %dma_start3A_100] : memref<4096x200x128xf32, #tpu.memory_space<any>> -> memref<4096x1x128xf32, #tpu.memory_space<any>>
    %dma_start3A_102 = tpu.memref_squeeze %dma_start3A_101 : memref<4096x1x128xf32, #tpu.memory_space<any>> -> memref<4096x128xf32, #tpu.memory_space<any>>
    tpu.enqueue_dma source(%arg0 : memref<4096x128xf32, #tpu.memory_space<vmem>>) target(%dma_start3A_102 : memref<4096x128xf32, #tpu.memory_space<any>>) target_semaphore(%arg2 : memref<!tpu.dma_semaphore, #tpu.memory_space<semaphore_mem>>)
    %dma_wait3A_103 = arith.constant 2 : i32
    %dma_wait3A_104 = arith.constant 0 : i32
    %dma_wait3A_105 = arith.constant 0 : i32
    %dma_wait3A_106 = tpu.memref_slice %arg1[%dma_wait3A_104, %dma_wait3A_103, %dma_wait3A_105] : memref<4096x200x128xf32, #tpu.memory_space<any>> -> memref<4096x1x128xf32, #tpu.memory_space<any>>
    %dma_wait3A_107 = tpu.memref_squeeze %dma_wait3A_106 : memref<4096x1x128xf32, #tpu.memory_space<any>> -> memref<4096x128xf32, #tpu.memory_space<any>>
    tpu.wait_dma2 semaphore(%arg2 : memref<!tpu.dma_semaphore, #tpu.memory_space<semaphore_mem>>) src(%arg0 : memref<4096x128xf32, #tpu.memory_space<vmem>>) dst(%dma_wait3A_107 : memref<4096x128xf32, #tpu.memory_space<any>>)
    %dma_start3A_108 = arith.constant 19 : i32
    %dma_start3A_109 = arith.constant 0 : i32
    %dma_start3A_110 = arith.constant 0 : i32
    %dma_start3A_111 = tpu.memref_slice %arg1[%dma_start3A_109, %dma_start3A_108, %dma_start3A_110] : memref<4096x200x128xf32, #tpu.memory_space<any>> -> memref<4096x1x128xf32, #tpu.memory_space<any>>
    %dma_start3A_112 = tpu.memref_squeeze %dma_start3A_111 : memref<4096x1x128xf32, #tpu.memory_space<any>> -> memref<4096x128xf32, #tpu.memory_space<any>>
    tpu.enqueue_dma source(%arg0 : memref<4096x128xf32, #tpu.memory_space<vmem>>) target(%dma_start3A_112 : memref<4096x128xf32, #tpu.memory_space<any>>) target_semaphore(%arg2 : memref<!tpu.dma_semaphore, #tpu.memory_space<semaphore_mem>>)
    %dma_wait3A_113 = arith.constant 3 : i32
    %dma_wait3A_114 = arith.constant 0 : i32
    %dma_wait3A_115 = arith.constant 0 : i32
    %dma_wait3A_116 = tpu.memref_slice %arg1[%dma_wait3A_114, %dma_wait3A_113, %dma_wait3A_115] : memref<4096x200x128xf32, #tpu.memory_space<any>> -> memref<4096x1x128xf32, #tpu.memory_space<any>>
    %dma_wait3A_117 = tpu.memref_squeeze %dma_wait3A_116 : memref<4096x1x128xf32, #tpu.memory_space<any>> -> memref<4096x128xf32, #tpu.memory_space<any>>
    tpu.wait_dma2 semaphore(%arg2 : memref<!tpu.dma_semaphore, #tpu.memory_space<semaphore_mem>>) src(%arg0 : memref<4096x128xf32, #tpu.memory_space<vmem>>) dst(%dma_wait3A_117 : memref<4096x128xf32, #tpu.memory_space<any>>)
    %dma_start3A_118 = arith.constant 20 : i32
    %dma_start3A_119 = arith.constant 0 : i32
    %dma_start3A_120 = arith.constant 0 : i32
    %dma_start3A_121 = tpu.memref_slice %arg1[%dma_start3A_119, %dma_start3A_118, %dma_start3A_120] : memref<4096x200x128xf32, #tpu.memory_space<any>> -> memref<4096x1x128xf32, #tpu.memory_space<any>>
    %dma_start3A_122 = tpu.memref_squeeze %dma_start3A_121 : memref<4096x1x128xf32, #tpu.memory_space<any>> -> memref<4096x128xf32, #tpu.memory_space<any>>
    tpu.enqueue_dma source(%arg0 : memref<4096x128xf32, #tpu.memory_space<vmem>>) target(%dma_start3A_122 : memref<4096x128xf32, #tpu.memory_space<any>>) target_semaphore(%arg2 : memref<!tpu.dma_semaphore, #tpu.memory_space<semaphore_mem>>)
    %dma_wait3A_123 = arith.constant 4 : i32
    %dma_wait3A_124 = arith.constant 0 : i32
    %dma_wait3A_125 = arith.constant 0 : i32
    %dma_wait3A_126 = tpu.memref_slice %arg1[%dma_wait3A_124, %dma_wait3A_123, %dma_wait3A_125] : memref<4096x200x128xf32, #tpu.memory_space<any>> -> memref<4096x1x128xf32, #tpu.memory_space<any>>
    %dma_wait3A_127 = tpu.memref_squeeze %dma_wait3A_126 : memref<4096x1x128xf32, #tpu.memory_space<any>> -> memref<4096x128xf32, #tpu.memory_space<any>>
    tpu.wait_dma2 semaphore(%arg2 : memref<!tpu.dma_semaphore, #tpu.memory_space<semaphore_mem>>) src(%arg0 : memref<4096x128xf32, #tpu.memory_space<vmem>>) dst(%dma_wait3A_127 : memref<4096x128xf32, #tpu.memory_space<any>>)
    %dma_start3A_128 = arith.constant 21 : i32
    %dma_start3A_129 = arith.constant 0 : i32
    %dma_start3A_130 = arith.constant 0 : i32
    %dma_start3A_131 = tpu.memref_slice %arg1[%dma_start3A_129, %dma_start3A_128, %dma_start3A_130] : memref<4096x200x128xf32, #tpu.memory_space<any>> -> memref<4096x1x128xf32, #tpu.memory_space<any>>
    %dma_start3A_132 = tpu.memref_squeeze %dma_start3A_131 : memref<4096x1x128xf32, #tpu.memory_space<any>> -> memref<4096x128xf32, #tpu.memory_space<any>>
    tpu.enqueue_dma source(%arg0 : memref<4096x128xf32, #tpu.memory_space<vmem>>) target(%dma_start3A_132 : memref<4096x128xf32, #tpu.memory_space<any>>) target_semaphore(%arg2 : memref<!tpu.dma_semaphore, #tpu.memory_space<semaphore_mem>>)
    %dma_wait3A_133 = arith.constant 5 : i32
    %dma_wait3A_134 = arith.constant 0 : i32
    %dma_wait3A_135 = arith.constant 0 : i32
    %dma_wait3A_136 = tpu.memref_slice %arg1[%dma_wait3A_134, %dma_wait3A_133, %dma_wait3A_135] : memref<4096x200x128xf32, #tpu.memory_space<any>> -> memref<4096x1x128xf32, #tpu.memory_space<any>>
    %dma_wait3A_137 = tpu.memref_squeeze %dma_wait3A_136 : memref<4096x1x128xf32, #tpu.memory_space<any>> -> memref<4096x128xf32, #tpu.memory_space<any>>
    tpu.wait_dma2 semaphore(%arg2 : memref<!tpu.dma_semaphore, #tpu.memory_space<semaphore_mem>>) src(%arg0 : memref<4096x128xf32, #tpu.memory_space<vmem>>) dst(%dma_wait3A_137 : memref<4096x128xf32, #tpu.memory_space<any>>)
    %dma_start3A_138 = arith.constant 22 : i32
    %dma_start3A_139 = arith.constant 0 : i32
    %dma_start3A_140 = arith.constant 0 : i32
    %dma_start3A_141 = tpu.memref_slice %arg1[%dma_start3A_139, %dma_start3A_138, %dma_start3A_140] : memref<4096x200x128xf32, #tpu.memory_space<any>> -> memref<4096x1x128xf32, #tpu.memory_space<any>>
    %dma_start3A_142 = tpu.memref_squeeze %dma_start3A_141 : memref<4096x1x128xf32, #tpu.memory_space<any>> -> memref<4096x128xf32, #tpu.memory_space<any>>
    tpu.enqueue_dma source(%arg0 : memref<4096x128xf32, #tpu.memory_space<vmem>>) target(%dma_start3A_142 : memref<4096x128xf32, #tpu.memory_space<any>>) target_semaphore(%arg2 : memref<!tpu.dma_semaphore, #tpu.memory_space<semaphore_mem>>)
    %dma_wait3A_143 = arith.constant 6 : i32
    %dma_wait3A_144 = arith.constant 0 : i32
    %dma_wait3A_145 = arith.constant 0 : i32
    %dma_wait3A_146 = tpu.memref_slice %arg1[%dma_wait3A_144, %dma_wait3A_143, %dma_wait3A_145] : memref<4096x200x128xf32, #tpu.memory_space<any>> -> memref<4096x1x128xf32, #tpu.memory_space<any>>
    %dma_wait3A_147 = tpu.memref_squeeze %dma_wait3A_146 : memref<4096x1x128xf32, #tpu.memory_space<any>> -> memref<4096x128xf32, #tpu.memory_space<any>>
    tpu.wait_dma2 semaphore(%arg2 : memref<!tpu.dma_semaphore, #tpu.memory_space<semaphore_mem>>) src(%arg0 : memref<4096x128xf32, #tpu.memory_space<vmem>>) dst(%dma_wait3A_147 : memref<4096x128xf32, #tpu.memory_space<any>>)
    %dma_start3A_148 = arith.constant 23 : i32
    %dma_start3A_149 = arith.constant 0 : i32
    %dma_start3A_150 = arith.constant 0 : i32
    %dma_start3A_151 = tpu.memref_slice %arg1[%dma_start3A_149, %dma_start3A_148, %dma_start3A_150] : memref<4096x200x128xf32, #tpu.memory_space<any>> -> memref<4096x1x128xf32, #tpu.memory_space<any>>
    %dma_start3A_152 = tpu.memref_squeeze %dma_start3A_151 : memref<4096x1x128xf32, #tpu.memory_space<any>> -> memref<4096x128xf32, #tpu.memory_space<any>>
    tpu.enqueue_dma source(%arg0 : memref<4096x128xf32, #tpu.memory_space<vmem>>) target(%dma_start3A_152 : memref<4096x128xf32, #tpu.memory_space<any>>) target_semaphore(%arg2 : memref<!tpu.dma_semaphore, #tpu.memory_space<semaphore_mem>>)
    %dma_wait3A_153 = arith.constant 7 : i32
    %dma_wait3A_154 = arith.constant 0 : i32
    %dma_wait3A_155 = arith.constant 0 : i32
    %dma_wait3A_156 = tpu.memref_slice %arg1[%dma_wait3A_154, %dma_wait3A_153, %dma_wait3A_155] : memref<4096x200x128xf32, #tpu.memory_space<any>> -> memref<4096x1x128xf32, #tpu.memory_space<any>>
    %dma_wait3A_157 = tpu.memref_squeeze %dma_wait3A_156 : memref<4096x1x128xf32, #tpu.memory_space<any>> -> memref<4096x128xf32, #tpu.memory_space<any>>
    tpu.wait_dma2 semaphore(%arg2 : memref<!tpu.dma_semaphore, #tpu.memory_space<semaphore_mem>>) src(%arg0 : memref<4096x128xf32, #tpu.memory_space<vmem>>) dst(%dma_wait3A_157 : memref<4096x128xf32, #tpu.memory_space<any>>)
    %dma_start3A_158 = arith.constant 24 : i32
    %dma_start3A_159 = arith.constant 0 : i32
    %dma_start3A_160 = arith.constant 0 : i32
    %dma_start3A_161 = tpu.memref_slice %arg1[%dma_start3A_159, %dma_start3A_158, %dma_start3A_160] : memref<4096x200x128xf32, #tpu.memory_space<any>> -> memref<4096x1x128xf32, #tpu.memory_space<any>>
    %dma_start3A_162 = tpu.memref_squeeze %dma_start3A_161 : memref<4096x1x128xf32, #tpu.memory_space<any>> -> memref<4096x128xf32, #tpu.memory_space<any>>
    tpu.enqueue_dma source(%arg0 : memref<4096x128xf32, #tpu.memory_space<vmem>>) target(%dma_start3A_162 : memref<4096x128xf32, #tpu.memory_space<any>>) target_semaphore(%arg2 : memref<!tpu.dma_semaphore, #tpu.memory_space<semaphore_mem>>)
    %dma_wait3A_163 = arith.constant 8 : i32
    %dma_wait3A_164 = arith.constant 0 : i32
    %dma_wait3A_165 = arith.constant 0 : i32
    %dma_wait3A_166 = tpu.memref_slice %arg1[%dma_wait3A_164, %dma_wait3A_163, %dma_wait3A_165] : memref<4096x200x128xf32, #tpu.memory_space<any>> -> memref<4096x1x128xf32, #tpu.memory_space<any>>
    %dma_wait3A_167 = tpu.memref_squeeze %dma_wait3A_166 : memref<4096x1x128xf32, #tpu.memory_space<any>> -> memref<4096x128xf32, #tpu.memory_space<any>>
    tpu.wait_dma2 semaphore(%arg2 : memref<!tpu.dma_semaphore, #tpu.memory_space<semaphore_mem>>) src(%arg0 : memref<4096x128xf32, #tpu.memory_space<vmem>>) dst(%dma_wait3A_167 : memref<4096x128xf32, #tpu.memory_space<any>>)
    %dma_start3A_168 = arith.constant 25 : i32
    %dma_start3A_169 = arith.constant 0 : i32
    %dma_start3A_170 = arith.constant 0 : i32
    %dma_start3A_171 = tpu.memref_slice %arg1[%dma_start3A_169, %dma_start3A_168, %dma_start3A_170] : memref<4096x200x128xf32, #tpu.memory_space<any>> -> memref<4096x1x128xf32, #tpu.memory_space<any>>
    %dma_start3A_172 = tpu.memref_squeeze %dma_start3A_171 : memref<4096x1x128xf32, #tpu.memory_space<any>> -> memref<4096x128xf32, #tpu.memory_space<any>>
    tpu.enqueue_dma source(%arg0 : memref<4096x128xf32, #tpu.memory_space<vmem>>) target(%dma_start3A_172 : memref<4096x128xf32, #tpu.memory_space<any>>) target_semaphore(%arg2 : memref<!tpu.dma_semaphore, #tpu.memory_space<semaphore_mem>>)
    %dma_wait3A_173 = arith.constant 9 : i32
    %dma_wait3A_174 = arith.constant 0 : i32
    %dma_wait3A_175 = arith.constant 0 : i32
    %dma_wait3A_176 = tpu.memref_slice %arg1[%dma_wait3A_174, %dma_wait3A_173, %dma_wait3A_175] : memref<4096x200x128xf32, #tpu.memory_space<any>> -> memref<4096x1x128xf32, #tpu.memory_space<any>>
    %dma_wait3A_177 = tpu.memref_squeeze %dma_wait3A_176 : memref<4096x1x128xf32, #tpu.memory_space<any>> -> memref<4096x128xf32, #tpu.memory_space<any>>
    tpu.wait_dma2 semaphore(%arg2 : memref<!tpu.dma_semaphore, #tpu.memory_space<semaphore_mem>>) src(%arg0 : memref<4096x128xf32, #tpu.memory_space<vmem>>) dst(%dma_wait3A_177 : memref<4096x128xf32, #tpu.memory_space<any>>)
    %dma_start3A_178 = arith.constant 26 : i32
    %dma_start3A_179 = arith.constant 0 : i32
    %dma_start3A_180 = arith.constant 0 : i32
    %dma_start3A_181 = tpu.memref_slice %arg1[%dma_start3A_179, %dma_start3A_178, %dma_start3A_180] : memref<4096x200x128xf32, #tpu.memory_space<any>> -> memref<4096x1x128xf32, #tpu.memory_space<any>>
    %dma_start3A_182 = tpu.memref_squeeze %dma_start3A_181 : memref<4096x1x128xf32, #tpu.memory_space<any>> -> memref<4096x128xf32, #tpu.memory_space<any>>
    tpu.enqueue_dma source(%arg0 : memref<4096x128xf32, #tpu.memory_space<vmem>>) target(%dma_start3A_182 : memref<4096x128xf32, #tpu.memory_space<any>>) target_semaphore(%arg2 : memref<!tpu.dma_semaphore, #tpu.memory_space<semaphore_mem>>)
    %dma_wait3A_183 = arith.constant 10 : i32
    %dma_wait3A_184 = arith.constant 0 : i32
    %dma_wait3A_185 = arith.constant 0 : i32
    %dma_wait3A_186 = tpu.memref_slice %arg1[%dma_wait3A_184, %dma_wait3A_183, %dma_wait3A_185] : memref<4096x200x128xf32, #tpu.memory_space<any>> -> memref<4096x1x128xf32, #tpu.memory_space<any>>
    %dma_wait3A_187 = tpu.memref_squeeze %dma_wait3A_186 : memref<4096x1x128xf32, #tpu.memory_space<any>> -> memref<4096x128xf32, #tpu.memory_space<any>>
    tpu.wait_dma2 semaphore(%arg2 : memref<!tpu.dma_semaphore, #tpu.memory_space<semaphore_mem>>) src(%arg0 : memref<4096x128xf32, #tpu.memory_space<vmem>>) dst(%dma_wait3A_187 : memref<4096x128xf32, #tpu.memory_space<any>>)
    %dma_start3A_188 = arith.constant 27 : i32
    %dma_start3A_189 = arith.constant 0 : i32
    %dma_start3A_190 = arith.constant 0 : i32
    %dma_start3A_191 = tpu.memref_slice %arg1[%dma_start3A_189, %dma_start3A_188, %dma_start3A_190] : memref<4096x200x128xf32, #tpu.memory_space<any>> -> memref<4096x1x128xf32, #tpu.memory_space<any>>
    %dma_start3A_192 = tpu.memref_squeeze %dma_start3A_191 : memref<4096x1x128xf32, #tpu.memory_space<any>> -> memref<4096x128xf32, #tpu.memory_space<any>>
    tpu.enqueue_dma source(%arg0 : memref<4096x128xf32, #tpu.memory_space<vmem>>) target(%dma_start3A_192 : memref<4096x128xf32, #tpu.memory_space<any>>) target_semaphore(%arg2 : memref<!tpu.dma_semaphore, #tpu.memory_space<semaphore_mem>>)
    %dma_wait3A_193 = arith.constant 11 : i32
    %dma_wait3A_194 = arith.constant 0 : i32
    %dma_wait3A_195 = arith.constant 0 : i32
    %dma_wait3A_196 = tpu.memref_slice %arg1[%dma_wait3A_194, %dma_wait3A_193, %dma_wait3A_195] : memref<4096x200x128xf32, #tpu.memory_space<any>> -> memref<4096x1x128xf32, #tpu.memory_space<any>>
    %dma_wait3A_197 = tpu.memref_squeeze %dma_wait3A_196 : memref<4096x1x128xf32, #tpu.memory_space<any>> -> memref<4096x128xf32, #tpu.memory_space<any>>
    tpu.wait_dma2 semaphore(%arg2 : memref<!tpu.dma_semaphore, #tpu.memory_space<semaphore_mem>>) src(%arg0 : memref<4096x128xf32, #tpu.memory_space<vmem>>) dst(%dma_wait3A_197 : memref<4096x128xf32, #tpu.memory_space<any>>)
    %dma_start3A_198 = arith.constant 28 : i32
    %dma_start3A_199 = arith.constant 0 : i32
    %dma_start3A_200 = arith.constant 0 : i32
    %dma_start3A_201 = tpu.memref_slice %arg1[%dma_start3A_199, %dma_start3A_198, %dma_start3A_200] : memref<4096x200x128xf32, #tpu.memory_space<any>> -> memref<4096x1x128xf32, #tpu.memory_space<any>>
    %dma_start3A_202 = tpu.memref_squeeze %dma_start3A_201 : memref<4096x1x128xf32, #tpu.memory_space<any>> -> memref<4096x128xf32, #tpu.memory_space<any>>
    tpu.enqueue_dma source(%arg0 : memref<4096x128xf32, #tpu.memory_space<vmem>>) target(%dma_start3A_202 : memref<4096x128xf32, #tpu.memory_space<any>>) target_semaphore(%arg2 : memref<!tpu.dma_semaphore, #tpu.memory_space<semaphore_mem>>)
    %dma_wait3A_203 = arith.constant 12 : i32
    %dma_wait3A_204 = arith.constant 0 : i32
    %dma_wait3A_205 = arith.constant 0 : i32
    %dma_wait3A_206 = tpu.memref_slice %arg1[%dma_wait3A_204, %dma_wait3A_203, %dma_wait3A_205] : memref<4096x200x128xf32, #tpu.memory_space<any>> -> memref<4096x1x128xf32, #tpu.memory_space<any>>
    %dma_wait3A_207 = tpu.memref_squeeze %dma_wait3A_206 : memref<4096x1x128xf32, #tpu.memory_space<any>> -> memref<4096x128xf32, #tpu.memory_space<any>>
    tpu.wait_dma2 semaphore(%arg2 : memref<!tpu.dma_semaphore, #tpu.memory_space<semaphore_mem>>) src(%arg0 : memref<4096x128xf32, #tpu.memory_space<vmem>>) dst(%dma_wait3A_207 : memref<4096x128xf32, #tpu.memory_space<any>>)
    %dma_start3A_208 = arith.constant 29 : i32
    %dma_start3A_209 = arith.constant 0 : i32
    %dma_start3A_210 = arith.constant 0 : i32
    %dma_start3A_211 = tpu.memref_slice %arg1[%dma_start3A_209, %dma_start3A_208, %dma_start3A_210] : memref<4096x200x128xf32, #tpu.memory_space<any>> -> memref<4096x1x128xf32, #tpu.memory_space<any>>
    %dma_start3A_212 = tpu.memref_squeeze %dma_start3A_211 : memref<4096x1x128xf32, #tpu.memory_space<any>> -> memref<4096x128xf32, #tpu.memory_space<any>>
    tpu.enqueue_dma source(%arg0 : memref<4096x128xf32, #tpu.memory_space<vmem>>) target(%dma_start3A_212 : memref<4096x128xf32, #tpu.memory_space<any>>) target_semaphore(%arg2 : memref<!tpu.dma_semaphore, #tpu.memory_space<semaphore_mem>>)
    %dma_wait3A_213 = arith.constant 13 : i32
    %dma_wait3A_214 = arith.constant 0 : i32
    %dma_wait3A_215 = arith.constant 0 : i32
    %dma_wait3A_216 = tpu.memref_slice %arg1[%dma_wait3A_214, %dma_wait3A_213, %dma_wait3A_215] : memref<4096x200x128xf32, #tpu.memory_space<any>> -> memref<4096x1x128xf32, #tpu.memory_space<any>>
    %dma_wait3A_217 = tpu.memref_squeeze %dma_wait3A_216 : memref<4096x1x128xf32, #tpu.memory_space<any>> -> memref<4096x128xf32, #tpu.memory_space<any>>
    tpu.wait_dma2 semaphore(%arg2 : memref<!tpu.dma_semaphore, #tpu.memory_space<semaphore_mem>>) src(%arg0 : memref<4096x128xf32, #tpu.memory_space<vmem>>) dst(%dma_wait3A_217 : memref<4096x128xf32, #tpu.memory_space<any>>)
    %dma_start3A_218 = arith.constant 30 : i32
    %dma_start3A_219 = arith.constant 0 : i32
    %dma_start3A_220 = arith.constant 0 : i32
    %dma_start3A_221 = tpu.memref_slice %arg1[%dma_start3A_219, %dma_start3A_218, %dma_start3A_220] : memref<4096x200x128xf32, #tpu.memory_space<any>> -> memref<4096x1x128xf32, #tpu.memory_space<any>>
    %dma_start3A_222 = tpu.memref_squeeze %dma_start3A_221 : memref<4096x1x128xf32, #tpu.memory_space<any>> -> memref<4096x128xf32, #tpu.memory_space<any>>
    tpu.enqueue_dma source(%arg0 : memref<4096x128xf32, #tpu.memory_space<vmem>>) target(%dma_start3A_222 : memref<4096x128xf32, #tpu.memory_space<any>>) target_semaphore(%arg2 : memref<!tpu.dma_semaphore, #tpu.memory_space<semaphore_mem>>)
    %dma_wait3A_223 = arith.constant 14 : i32
    %dma_wait3A_224 = arith.constant 0 : i32
    %dma_wait3A_225 = arith.constant 0 : i32
    %dma_wait3A_226 = tpu.memref_slice %arg1[%dma_wait3A_224, %dma_wait3A_223, %dma_wait3A_225] : memref<4096x200x128xf32, #tpu.memory_space<any>> -> memref<4096x1x128xf32, #tpu.memory_space<any>>
    %dma_wait3A_227 = tpu.memref_squeeze %dma_wait3A_226 : memref<4096x1x128xf32, #tpu.memory_space<any>> -> memref<4096x128xf32, #tpu.memory_space<any>>
    tpu.wait_dma2 semaphore(%arg2 : memref<!tpu.dma_semaphore, #tpu.memory_space<semaphore_mem>>) src(%arg0 : memref<4096x128xf32, #tpu.memory_space<vmem>>) dst(%dma_wait3A_227 : memref<4096x128xf32, #tpu.memory_space<any>>)
    %dma_start3A_228 = arith.constant 31 : i32
    %dma_start3A_229 = arith.constant 0 : i32
    %dma_start3A_230 = arith.constant 0 : i32
    %dma_start3A_231 = tpu.memref_slice %arg1[%dma_start3A_229, %dma_start3A_228, %dma_start3A_230] : memref<4096x200x128xf32, #tpu.memory_space<any>> -> memref<4096x1x128xf32, #tpu.memory_space<any>>
    %dma_start3A_232 = tpu.memref_squeeze %dma_start3A_231 : memref<4096x1x128xf32, #tpu.memory_space<any>> -> memref<4096x128xf32, #tpu.memory_space<any>>
    tpu.enqueue_dma source(%arg0 : memref<4096x128xf32, #tpu.memory_space<vmem>>) target(%dma_start3A_232 : memref<4096x128xf32, #tpu.memory_space<any>>) target_semaphore(%arg2 : memref<!tpu.dma_semaphore, #tpu.memory_space<semaphore_mem>>)
    %dma_wait3A_233 = arith.constant 15 : i32
    %dma_wait3A_234 = arith.constant 0 : i32
    %dma_wait3A_235 = arith.constant 0 : i32
    %dma_wait3A_236 = tpu.memref_slice %arg1[%dma_wait3A_234, %dma_wait3A_233, %dma_wait3A_235] : memref<4096x200x128xf32, #tpu.memory_space<any>> -> memref<4096x1x128xf32, #tpu.memory_space<any>>
    %dma_wait3A_237 = tpu.memref_squeeze %dma_wait3A_236 : memref<4096x1x128xf32, #tpu.memory_space<any>> -> memref<4096x128xf32, #tpu.memory_space<any>>
    tpu.wait_dma2 semaphore(%arg2 : memref<!tpu.dma_semaphore, #tpu.memory_space<semaphore_mem>>) src(%arg0 : memref<4096x128xf32, #tpu.memory_space<vmem>>) dst(%dma_wait3A_237 : memref<4096x128xf32, #tpu.memory_space<any>>)
    %dma_start3A_238 = arith.constant 32 : i32
    %dma_start3A_239 = arith.constant 0 : i32
    %dma_start3A_240 = arith.constant 0 : i32
    %dma_start3A_241 = tpu.memref_slice %arg1[%dma_start3A_239, %dma_start3A_238, %dma_start3A_240] : memref<4096x200x128xf32, #tpu.memory_space<any>> -> memref<4096x1x128xf32, #tpu.memory_space<any>>
    %dma_start3A_242 = tpu.memref_squeeze %dma_start3A_241 : memref<4096x1x128xf32, #tpu.memory_space<any>> -> memref<4096x128xf32, #tpu.memory_space<any>>
    tpu.enqueue_dma source(%arg0 : memref<4096x128xf32, #tpu.memory_space<vmem>>) target(%dma_start3A_242 : memref<4096x128xf32, #tpu.memory_space<any>>) target_semaphore(%arg2 : memref<!tpu.dma_semaphore, #tpu.memory_space<semaphore_mem>>)
    %dma_wait3A_243 = arith.constant 16 : i32
    %dma_wait3A_244 = arith.constant 0 : i32
    %dma_wait3A_245 = arith.constant 0 : i32
    %dma_wait3A_246 = tpu.memref_slice %arg1[%dma_wait3A_244, %dma_wait3A_243, %dma_wait3A_245] : memref<4096x200x128xf32, #tpu.memory_space<any>> -> memref<4096x1x128xf32, #tpu.memory_space<any>>
    %dma_wait3A_247 = tpu.memref_squeeze %dma_wait3A_246 : memref<4096x1x128xf32, #tpu.memory_space<any>> -> memref<4096x128xf32, #tpu.memory_space<any>>
    tpu.wait_dma2 semaphore(%arg2 : memref<!tpu.dma_semaphore, #tpu.memory_space<semaphore_mem>>) src(%arg0 : memref<4096x128xf32, #tpu.memory_space<vmem>>) dst(%dma_wait3A_247 : memref<4096x128xf32, #tpu.memory_space<any>>)
    %dma_start3A_248 = arith.constant 33 : i32
    %dma_start3A_249 = arith.constant 0 : i32
    %dma_start3A_250 = arith.constant 0 : i32
    %dma_start3A_251 = tpu.memref_slice %arg1[%dma_start3A_249, %dma_start3A_248, %dma_start3A_250] : memref<4096x200x128xf32, #tpu.memory_space<any>> -> memref<4096x1x128xf32, #tpu.memory_space<any>>
    %dma_start3A_252 = tpu.memref_squeeze %dma_start3A_251 : memref<4096x1x128xf32, #tpu.memory_space<any>> -> memref<4096x128xf32, #tpu.memory_space<any>>
    tpu.enqueue_dma source(%arg0 : memref<4096x128xf32, #tpu.memory_space<vmem>>) target(%dma_start3A_252 : memref<4096x128xf32, #tpu.memory_space<any>>) target_semaphore(%arg2 : memref<!tpu.dma_semaphore, #tpu.memory_space<semaphore_mem>>)
    %dma_wait3A_253 = arith.constant 17 : i32
    %dma_wait3A_254 = arith.constant 0 : i32
    %dma_wait3A_255 = arith.constant 0 : i32
    %dma_wait3A_256 = tpu.memref_slice %arg1[%dma_wait3A_254, %dma_wait3A_253, %dma_wait3A_255] : memref<4096x200x128xf32, #tpu.memory_space<any>> -> memref<4096x1x128xf32, #tpu.memory_space<any>>
    %dma_wait3A_257 = tpu.memref_squeeze %dma_wait3A_256 : memref<4096x1x128xf32, #tpu.memory_space<any>> -> memref<4096x128xf32, #tpu.memory_space<any>>
    tpu.wait_dma2 semaphore(%arg2 : memref<!tpu.dma_semaphore, #tpu.memory_space<semaphore_mem>>) src(%arg0 : memref<4096x128xf32, #tpu.memory_space<vmem>>) dst(%dma_wait3A_257 : memref<4096x128xf32, #tpu.memory_space<any>>)
    %dma_start3A_258 = arith.constant 34 : i32
    %dma_start3A_259 = arith.constant 0 : i32
    %dma_start3A_260 = arith.constant 0 : i32
    %dma_start3A_261 = tpu.memref_slice %arg1[%dma_start3A_259, %dma_start3A_258, %dma_start3A_260] : memref<4096x200x128xf32, #tpu.memory_space<any>> -> memref<4096x1x128xf32, #tpu.memory_space<any>>
    %dma_start3A_262 = tpu.memref_squeeze %dma_start3A_261 : memref<4096x1x128xf32, #tpu.memory_space<any>> -> memref<4096x128xf32, #tpu.memory_space<any>>
    tpu.enqueue_dma source(%arg0 : memref<4096x128xf32, #tpu.memory_space<vmem>>) target(%dma_start3A_262 : memref<4096x128xf32, #tpu.memory_space<any>>) target_semaphore(%arg2 : memref<!tpu.dma_semaphore, #tpu.memory_space<semaphore_mem>>)
    %dma_wait3A_263 = arith.constant 18 : i32
    %dma_wait3A_264 = arith.constant 0 : i32
    %dma_wait3A_265 = arith.constant 0 : i32
    %dma_wait3A_266 = tpu.memref_slice %arg1[%dma_wait3A_264, %dma_wait3A_263, %dma_wait3A_265] : memref<4096x200x128xf32, #tpu.memory_space<any>> -> memref<4096x1x128xf32, #tpu.memory_space<any>>
    %dma_wait3A_267 = tpu.memref_squeeze %dma_wait3A_266 : memref<4096x1x128xf32, #tpu.memory_space<any>> -> memref<4096x128xf32, #tpu.memory_space<any>>
    tpu.wait_dma2 semaphore(%arg2 : memref<!tpu.dma_semaphore, #tpu.memory_space<semaphore_mem>>) src(%arg0 : memref<4096x128xf32, #tpu.memory_space<vmem>>) dst(%dma_wait3A_267 : memref<4096x128xf32, #tpu.memory_space<any>>)
    %dma_start3A_268 = arith.constant 35 : i32
    %dma_start3A_269 = arith.constant 0 : i32
    %dma_start3A_270 = arith.constant 0 : i32
    %dma_start3A_271 = tpu.memref_slice %arg1[%dma_start3A_269, %dma_start3A_268, %dma_start3A_270] : memref<4096x200x128xf32, #tpu.memory_space<any>> -> memref<4096x1x128xf32, #tpu.memory_space<any>>
    %dma_start3A_272 = tpu.memref_squeeze %dma_start3A_271 : memref<4096x1x128xf32, #tpu.memory_space<any>> -> memref<4096x128xf32, #tpu.memory_space<any>>
    tpu.enqueue_dma source(%arg0 : memref<4096x128xf32, #tpu.memory_space<vmem>>) target(%dma_start3A_272 : memref<4096x128xf32, #tpu.memory_space<any>>) target_semaphore(%arg2 : memref<!tpu.dma_semaphore, #tpu.memory_space<semaphore_mem>>)
    %dma_wait3A_273 = arith.constant 19 : i32
    %dma_wait3A_274 = arith.constant 0 : i32
    %dma_wait3A_275 = arith.constant 0 : i32
    %dma_wait3A_276 = tpu.memref_slice %arg1[%dma_wait3A_274, %dma_wait3A_273, %dma_wait3A_275] : memref<4096x200x128xf32, #tpu.memory_space<any>> -> memref<4096x1x128xf32, #tpu.memory_space<any>>
    %dma_wait3A_277 = tpu.memref_squeeze %dma_wait3A_276 : memref<4096x1x128xf32, #tpu.memory_space<any>> -> memref<4096x128xf32, #tpu.memory_space<any>>
    tpu.wait_dma2 semaphore(%arg2 : memref<!tpu.dma_semaphore, #tpu.memory_space<semaphore_mem>>) src(%arg0 : memref<4096x128xf32, #tpu.memory_space<vmem>>) dst(%dma_wait3A_277 : memref<4096x128xf32, #tpu.memory_space<any>>)
    %dma_start3A_278 = arith.constant 36 : i32
    %dma_start3A_279 = arith.constant 0 : i32
    %dma_start3A_280 = arith.constant 0 : i32
    %dma_start3A_281 = tpu.memref_slice %arg1[%dma_start3A_279, %dma_start3A_278, %dma_start3A_280] : memref<4096x200x128xf32, #tpu.memory_space<any>> -> memref<4096x1x128xf32, #tpu.memory_space<any>>
    %dma_start3A_282 = tpu.memref_squeeze %dma_start3A_281 : memref<4096x1x128xf32, #tpu.memory_space<any>> -> memref<4096x128xf32, #tpu.memory_space<any>>
    tpu.enqueue_dma source(%arg0 : memref<4096x128xf32, #tpu.memory_space<vmem>>) target(%dma_start3A_282 : memref<4096x128xf32, #tpu.memory_space<any>>) target_semaphore(%arg2 : memref<!tpu.dma_semaphore, #tpu.memory_space<semaphore_mem>>)
    %dma_wait3A_283 = arith.constant 20 : i32
    %dma_wait3A_284 = arith.constant 0 : i32
    %dma_wait3A_285 = arith.constant 0 : i32
    %dma_wait3A_286 = tpu.memref_slice %arg1[%dma_wait3A_284, %dma_wait3A_283, %dma_wait3A_285] : memref<4096x200x128xf32, #tpu.memory_space<any>> -> memref<4096x1x128xf32, #tpu.memory_space<any>>
    %dma_wait3A_287 = tpu.memref_squeeze %dma_wait3A_286 : memref<4096x1x128xf32, #tpu.memory_space<any>> -> memref<4096x128xf32, #tpu.memory_space<any>>
    tpu.wait_dma2 semaphore(%arg2 : memref<!tpu.dma_semaphore, #tpu.memory_space<semaphore_mem>>) src(%arg0 : memref<4096x128xf32, #tpu.memory_space<vmem>>) dst(%dma_wait3A_287 : memref<4096x128xf32, #tpu.memory_space<any>>)
    %dma_start3A_288 = arith.constant 37 : i32
    %dma_start3A_289 = arith.constant 0 : i32
    %dma_start3A_290 = arith.constant 0 : i32
    %dma_start3A_291 = tpu.memref_slice %arg1[%dma_start3A_289, %dma_start3A_288, %dma_start3A_290] : memref<4096x200x128xf32, #tpu.memory_space<any>> -> memref<4096x1x128xf32, #tpu.memory_space<any>>
    %dma_start3A_292 = tpu.memref_squeeze %dma_start3A_291 : memref<4096x1x128xf32, #tpu.memory_space<any>> -> memref<4096x128xf32, #tpu.memory_space<any>>
    tpu.enqueue_dma source(%arg0 : memref<4096x128xf32, #tpu.memory_space<vmem>>) target(%dma_start3A_292 : memref<4096x128xf32, #tpu.memory_space<any>>) target_semaphore(%arg2 : memref<!tpu.dma_semaphore, #tpu.memory_space<semaphore_mem>>)
    %dma_wait3A_293 = arith.constant 21 : i32
    %dma_wait3A_294 = arith.constant 0 : i32
    %dma_wait3A_295 = arith.constant 0 : i32
    %dma_wait3A_296 = tpu.memref_slice %arg1[%dma_wait3A_294, %dma_wait3A_293, %dma_wait3A_295] : memref<4096x200x128xf32, #tpu.memory_space<any>> -> memref<4096x1x128xf32, #tpu.memory_space<any>>
    %dma_wait3A_297 = tpu.memref_squeeze %dma_wait3A_296 : memref<4096x1x128xf32, #tpu.memory_space<any>> -> memref<4096x128xf32, #tpu.memory_space<any>>
    tpu.wait_dma2 semaphore(%arg2 : memref<!tpu.dma_semaphore, #tpu.memory_space<semaphore_mem>>) src(%arg0 : memref<4096x128xf32, #tpu.memory_space<vmem>>) dst(%dma_wait3A_297 : memref<4096x128xf32, #tpu.memory_space<any>>)
    %dma_start3A_298 = arith.constant 38 : i32
    %dma_start3A_299 = arith.constant 0 : i32
    %dma_start3A_300 = arith.constant 0 : i32
    %dma_start3A_301 = tpu.memref_slice %arg1[%dma_start3A_299, %dma_start3A_298, %dma_start3A_300] : memref<4096x200x128xf32, #tpu.memory_space<any>> -> memref<4096x1x128xf32, #tpu.memory_space<any>>
    %dma_start3A_302 = tpu.memref_squeeze %dma_start3A_301 : memref<4096x1x128xf32, #tpu.memory_space<any>> -> memref<4096x128xf32, #tpu.memory_space<any>>
    tpu.enqueue_dma source(%arg0 : memref<4096x128xf32, #tpu.memory_space<vmem>>) target(%dma_start3A_302 : memref<4096x128xf32, #tpu.memory_space<any>>) target_semaphore(%arg2 : memref<!tpu.dma_semaphore, #tpu.memory_space<semaphore_mem>>)
    %dma_wait3A_303 = arith.constant 22 : i32
    %dma_wait3A_304 = arith.constant 0 : i32
    %dma_wait3A_305 = arith.constant 0 : i32
    %dma_wait3A_306 = tpu.memref_slice %arg1[%dma_wait3A_304, %dma_wait3A_303, %dma_wait3A_305] : memref<4096x200x128xf32, #tpu.memory_space<any>> -> memref<4096x1x128xf32, #tpu.memory_space<any>>
    %dma_wait3A_307 = tpu.memref_squeeze %dma_wait3A_306 : memref<4096x1x128xf32, #tpu.memory_space<any>> -> memref<4096x128xf32, #tpu.memory_space<any>>
    tpu.wait_dma2 semaphore(%arg2 : memref<!tpu.dma_semaphore, #tpu.memory_space<semaphore_mem>>) src(%arg0 : memref<4096x128xf32, #tpu.memory_space<vmem>>) dst(%dma_wait3A_307 : memref<4096x128xf32, #tpu.memory_space<any>>)
    %dma_start3A_308 = arith.constant 39 : i32
    %dma_start3A_309 = arith.constant 0 : i32
    %dma_start3A_310 = arith.constant 0 : i32
    %dma_start3A_311 = tpu.memref_slice %arg1[%dma_start3A_309, %dma_start3A_308, %dma_start3A_310] : memref<4096x200x128xf32, #tpu.memory_space<any>> -> memref<4096x1x128xf32, #tpu.memory_space<any>>
    %dma_start3A_312 = tpu.memref_squeeze %dma_start3A_311 : memref<4096x1x128xf32, #tpu.memory_space<any>> -> memref<4096x128xf32, #tpu.memory_space<any>>
    tpu.enqueue_dma source(%arg0 : memref<4096x128xf32, #tpu.memory_space<vmem>>) target(%dma_start3A_312 : memref<4096x128xf32, #tpu.memory_space<any>>) target_semaphore(%arg2 : memref<!tpu.dma_semaphore, #tpu.memory_space<semaphore_mem>>)
    %dma_wait3A_313 = arith.constant 23 : i32
    %dma_wait3A_314 = arith.constant 0 : i32
    %dma_wait3A_315 = arith.constant 0 : i32
    %dma_wait3A_316 = tpu.memref_slice %arg1[%dma_wait3A_314, %dma_wait3A_313, %dma_wait3A_315] : memref<4096x200x128xf32, #tpu.memory_space<any>> -> memref<4096x1x128xf32, #tpu.memory_space<any>>
    %dma_wait3A_317 = tpu.memref_squeeze %dma_wait3A_316 : memref<4096x1x128xf32, #tpu.memory_space<any>> -> memref<4096x128xf32, #tpu.memory_space<any>>
    tpu.wait_dma2 semaphore(%arg2 : memref<!tpu.dma_semaphore, #tpu.memory_space<semaphore_mem>>) src(%arg0 : memref<4096x128xf32, #tpu.memory_space<vmem>>) dst(%dma_wait3A_317 : memref<4096x128xf32, #tpu.memory_space<any>>)
    %dma_start3A_318 = arith.constant 40 : i32
    %dma_start3A_319 = arith.constant 0 : i32
    %dma_start3A_320 = arith.constant 0 : i32
    %dma_start3A_321 = tpu.memref_slice %arg1[%dma_start3A_319, %dma_start3A_318, %dma_start3A_320] : memref<4096x200x128xf32, #tpu.memory_space<any>> -> memref<4096x1x128xf32, #tpu.memory_space<any>>
    %dma_start3A_322 = tpu.memref_squeeze %dma_start3A_321 : memref<4096x1x128xf32, #tpu.memory_space<any>> -> memref<4096x128xf32, #tpu.memory_space<any>>
    tpu.enqueue_dma source(%arg0 : memref<4096x128xf32, #tpu.memory_space<vmem>>) target(%dma_start3A_322 : memref<4096x128xf32, #tpu.memory_space<any>>) target_semaphore(%arg2 : memref<!tpu.dma_semaphore, #tpu.memory_space<semaphore_mem>>)
    %dma_wait3A_323 = arith.constant 24 : i32
    %dma_wait3A_324 = arith.constant 0 : i32
    %dma_wait3A_325 = arith.constant 0 : i32
    %dma_wait3A_326 = tpu.memref_slice %arg1[%dma_wait3A_324, %dma_wait3A_323, %dma_wait3A_325] : memref<4096x200x128xf32, #tpu.memory_space<any>> -> memref<4096x1x128xf32, #tpu.memory_space<any>>
    %dma_wait3A_327 = tpu.memref_squeeze %dma_wait3A_326 : memref<4096x1x128xf32, #tpu.memory_space<any>> -> memref<4096x128xf32, #tpu.memory_space<any>>
    tpu.wait_dma2 semaphore(%arg2 : memref<!tpu.dma_semaphore, #tpu.memory_space<semaphore_mem>>) src(%arg0 : memref<4096x128xf32, #tpu.memory_space<vmem>>) dst(%dma_wait3A_327 : memref<4096x128xf32, #tpu.memory_space<any>>)
    %dma_start3A_328 = arith.constant 41 : i32
    %dma_start3A_329 = arith.constant 0 : i32
    %dma_start3A_330 = arith.constant 0 : i32
    %dma_start3A_331 = tpu.memref_slice %arg1[%dma_start3A_329, %dma_start3A_328, %dma_start3A_330] : memref<4096x200x128xf32, #tpu.memory_space<any>> -> memref<4096x1x128xf32, #tpu.memory_space<any>>
    %dma_start3A_332 = tpu.memref_squeeze %dma_start3A_331 : memref<4096x1x128xf32, #tpu.memory_space<any>> -> memref<4096x128xf32, #tpu.memory_space<any>>
    tpu.enqueue_dma source(%arg0 : memref<4096x128xf32, #tpu.memory_space<vmem>>) target(%dma_start3A_332 : memref<4096x128xf32, #tpu.memory_space<any>>) target_semaphore(%arg2 : memref<!tpu.dma_semaphore, #tpu.memory_space<semaphore_mem>>)
    %dma_wait3A_333 = arith.constant 25 : i32
    %dma_wait3A_334 = arith.constant 0 : i32
    %dma_wait3A_335 = arith.constant 0 : i32
    %dma_wait3A_336 = tpu.memref_slice %arg1[%dma_wait3A_334, %dma_wait3A_333, %dma_wait3A_335] : memref<4096x200x128xf32, #tpu.memory_space<any>> -> memref<4096x1x128xf32, #tpu.memory_space<any>>
    %dma_wait3A_337 = tpu.memref_squeeze %dma_wait3A_336 : memref<4096x1x128xf32, #tpu.memory_space<any>> -> memref<4096x128xf32, #tpu.memory_space<any>>
    tpu.wait_dma2 semaphore(%arg2 : memref<!tpu.dma_semaphore, #tpu.memory_space<semaphore_mem>>) src(%arg0 : memref<4096x128xf32, #tpu.memory_space<vmem>>) dst(%dma_wait3A_337 : memref<4096x128xf32, #tpu.memory_space<any>>)
    %dma_start3A_338 = arith.constant 42 : i32
    %dma_start3A_339 = arith.constant 0 : i32
    %dma_start3A_340 = arith.constant 0 : i32
    %dma_start3A_341 = tpu.memref_slice %arg1[%dma_start3A_339, %dma_start3A_338, %dma_start3A_340] : memref<4096x200x128xf32, #tpu.memory_space<any>> -> memref<4096x1x128xf32, #tpu.memory_space<any>>
    %dma_start3A_342 = tpu.memref_squeeze %dma_start3A_341 : memref<4096x1x128xf32, #tpu.memory_space<any>> -> memref<4096x128xf32, #tpu.memory_space<any>>
    tpu.enqueue_dma source(%arg0 : memref<4096x128xf32, #tpu.memory_space<vmem>>) target(%dma_start3A_342 : memref<4096x128xf32, #tpu.memory_space<any>>) target_semaphore(%arg2 : memref<!tpu.dma_semaphore, #tpu.memory_space<semaphore_mem>>)
    %dma_wait3A_343 = arith.constant 26 : i32
    %dma_wait3A_344 = arith.constant 0 : i32
    %dma_wait3A_345 = arith.constant 0 : i32
    %dma_wait3A_346 = tpu.memref_slice %arg1[%dma_wait3A_344, %dma_wait3A_343, %dma_wait3A_345] : memref<4096x200x128xf32, #tpu.memory_space<any>> -> memref<4096x1x128xf32, #tpu.memory_space<any>>
    %dma_wait3A_347 = tpu.memref_squeeze %dma_wait3A_346 : memref<4096x1x128xf32, #tpu.memory_space<any>> -> memref<4096x128xf32, #tpu.memory_space<any>>
    tpu.wait_dma2 semaphore(%arg2 : memref<!tpu.dma_semaphore, #tpu.memory_space<semaphore_mem>>) src(%arg0 : memref<4096x128xf32, #tpu.memory_space<vmem>>) dst(%dma_wait3A_347 : memref<4096x128xf32, #tpu.memory_space<any>>)
    %dma_start3A_348 = arith.constant 43 : i32
    %dma_start3A_349 = arith.constant 0 : i32
    %dma_start3A_350 = arith.constant 0 : i32
    %dma_start3A_351 = tpu.memref_slice %arg1[%dma_start3A_349, %dma_start3A_348, %dma_start3A_350] : memref<4096x200x128xf32, #tpu.memory_space<any>> -> memref<4096x1x128xf32, #tpu.memory_space<any>>
    %dma_start3A_352 = tpu.memref_squeeze %dma_start3A_351 : memref<4096x1x128xf32, #tpu.memory_space<any>> -> memref<4096x128xf32, #tpu.memory_space<any>>
    tpu.enqueue_dma source(%arg0 : memref<4096x128xf32, #tpu.memory_space<vmem>>) target(%dma_start3A_352 : memref<4096x128xf32, #tpu.memory_space<any>>) target_semaphore(%arg2 : memref<!tpu.dma_semaphore, #tpu.memory_space<semaphore_mem>>)
    %dma_wait3A_353 = arith.constant 27 : i32
    %dma_wait3A_354 = arith.constant 0 : i32
    %dma_wait3A_355 = arith.constant 0 : i32
    %dma_wait3A_356 = tpu.memref_slice %arg1[%dma_wait3A_354, %dma_wait3A_353, %dma_wait3A_355] : memref<4096x200x128xf32, #tpu.memory_space<any>> -> memref<4096x1x128xf32, #tpu.memory_space<any>>
    %dma_wait3A_357 = tpu.memref_squeeze %dma_wait3A_356 : memref<4096x1x128xf32, #tpu.memory_space<any>> -> memref<4096x128xf32, #tpu.memory_space<any>>
    tpu.wait_dma2 semaphore(%arg2 : memref<!tpu.dma_semaphore, #tpu.memory_space<semaphore_mem>>) src(%arg0 : memref<4096x128xf32, #tpu.memory_space<vmem>>) dst(%dma_wait3A_357 : memref<4096x128xf32, #tpu.memory_space<any>>)
    %dma_start3A_358 = arith.constant 44 : i32
    %dma_start3A_359 = arith.constant 0 : i32
    %dma_start3A_360 = arith.constant 0 : i32
    %dma_start3A_361 = tpu.memref_slice %arg1[%dma_start3A_359, %dma_start3A_358, %dma_start3A_360] : memref<4096x200x128xf32, #tpu.memory_space<any>> -> memref<4096x1x128xf32, #tpu.memory_space<any>>
    %dma_start3A_362 = tpu.memref_squeeze %dma_start3A_361 : memref<4096x1x128xf32, #tpu.memory_space<any>> -> memref<4096x128xf32, #tpu.memory_space<any>>
    tpu.enqueue_dma source(%arg0 : memref<4096x128xf32, #tpu.memory_space<vmem>>) target(%dma_start3A_362 : memref<4096x128xf32, #tpu.memory_space<any>>) target_semaphore(%arg2 : memref<!tpu.dma_semaphore, #tpu.memory_space<semaphore_mem>>)
    %dma_wait3A_363 = arith.constant 28 : i32
    %dma_wait3A_364 = arith.constant 0 : i32
    %dma_wait3A_365 = arith.constant 0 : i32
    %dma_wait3A_366 = tpu.memref_slice %arg1[%dma_wait3A_364, %dma_wait3A_363, %dma_wait3A_365] : memref<4096x200x128xf32, #tpu.memory_space<any>> -> memref<4096x1x128xf32, #tpu.memory_space<any>>
    %dma_wait3A_367 = tpu.memref_squeeze %dma_wait3A_366 : memref<4096x1x128xf32, #tpu.memory_space<any>> -> memref<4096x128xf32, #tpu.memory_space<any>>
    tpu.wait_dma2 semaphore(%arg2 : memref<!tpu.dma_semaphore, #tpu.memory_space<semaphore_mem>>) src(%arg0 : memref<4096x128xf32, #tpu.memory_space<vmem>>) dst(%dma_wait3A_367 : memref<4096x128xf32, #tpu.memory_space<any>>)
    %dma_start3A_368 = arith.constant 45 : i32
    %dma_start3A_369 = arith.constant 0 : i32
    %dma_start3A_370 = arith.constant 0 : i32
    %dma_start3A_371 = tpu.memref_slice %arg1[%dma_start3A_369, %dma_start3A_368, %dma_start3A_370] : memref<4096x200x128xf32, #tpu.memory_space<any>> -> memref<4096x1x128xf32, #tpu.memory_space<any>>
    %dma_start3A_372 = tpu.memref_squeeze %dma_start3A_371 : memref<4096x1x128xf32, #tpu.memory_space<any>> -> memref<4096x128xf32, #tpu.memory_space<any>>
    tpu.enqueue_dma source(%arg0 : memref<4096x128xf32, #tpu.memory_space<vmem>>) target(%dma_start3A_372 : memref<4096x128xf32, #tpu.memory_space<any>>) target_semaphore(%arg2 : memref<!tpu.dma_semaphore, #tpu.memory_space<semaphore_mem>>)
    %dma_wait3A_373 = arith.constant 29 : i32
    %dma_wait3A_374 = arith.constant 0 : i32
    %dma_wait3A_375 = arith.constant 0 : i32
    %dma_wait3A_376 = tpu.memref_slice %arg1[%dma_wait3A_374, %dma_wait3A_373, %dma_wait3A_375] : memref<4096x200x128xf32, #tpu.memory_space<any>> -> memref<4096x1x128xf32, #tpu.memory_space<any>>
    %dma_wait3A_377 = tpu.memref_squeeze %dma_wait3A_376 : memref<4096x1x128xf32, #tpu.memory_space<any>> -> memref<4096x128xf32, #tpu.memory_space<any>>
    tpu.wait_dma2 semaphore(%arg2 : memref<!tpu.dma_semaphore, #tpu.memory_space<semaphore_mem>>) src(%arg0 : memref<4096x128xf32, #tpu.memory_space<vmem>>) dst(%dma_wait3A_377 : memref<4096x128xf32, #tpu.memory_space<any>>)
    %dma_start3A_378 = arith.constant 46 : i32
    %dma_start3A_379 = arith.constant 0 : i32
    %dma_start3A_380 = arith.constant 0 : i32
    %dma_start3A_381 = tpu.memref_slice %arg1[%dma_start3A_379, %dma_start3A_378, %dma_start3A_380] : memref<4096x200x128xf32, #tpu.memory_space<any>> -> memref<4096x1x128xf32, #tpu.memory_space<any>>
    %dma_start3A_382 = tpu.memref_squeeze %dma_start3A_381 : memref<4096x1x128xf32, #tpu.memory_space<any>> -> memref<4096x128xf32, #tpu.memory_space<any>>
    tpu.enqueue_dma source(%arg0 : memref<4096x128xf32, #tpu.memory_space<vmem>>) target(%dma_start3A_382 : memref<4096x128xf32, #tpu.memory_space<any>>) target_semaphore(%arg2 : memref<!tpu.dma_semaphore, #tpu.memory_space<semaphore_mem>>)
    %dma_wait3A_383 = arith.constant 30 : i32
    %dma_wait3A_384 = arith.constant 0 : i32
    %dma_wait3A_385 = arith.constant 0 : i32
    %dma_wait3A_386 = tpu.memref_slice %arg1[%dma_wait3A_384, %dma_wait3A_383, %dma_wait3A_385] : memref<4096x200x128xf32, #tpu.memory_space<any>> -> memref<4096x1x128xf32, #tpu.memory_space<any>>
    %dma_wait3A_387 = tpu.memref_squeeze %dma_wait3A_386 : memref<4096x1x128xf32, #tpu.memory_space<any>> -> memref<4096x128xf32, #tpu.memory_space<any>>
    tpu.wait_dma2 semaphore(%arg2 : memref<!tpu.dma_semaphore, #tpu.memory_space<semaphore_mem>>) src(%arg0 : memref<4096x128xf32, #tpu.memory_space<vmem>>) dst(%dma_wait3A_387 : memref<4096x128xf32, #tpu.memory_space<any>>)
    %dma_start3A_388 = arith.constant 47 : i32
    %dma_start3A_389 = arith.constant 0 : i32
    %dma_start3A_390 = arith.constant 0 : i32
    %dma_start3A_391 = tpu.memref_slice %arg1[%dma_start3A_389, %dma_start3A_388, %dma_start3A_390] : memref<4096x200x128xf32, #tpu.memory_space<any>> -> memref<4096x1x128xf32, #tpu.memory_space<any>>
    %dma_start3A_392 = tpu.memref_squeeze %dma_start3A_391 : memref<4096x1x128xf32, #tpu.memory_space<any>> -> memref<4096x128xf32, #tpu.memory_space<any>>
    tpu.enqueue_dma source(%arg0 : memref<4096x128xf32, #tpu.memory_space<vmem>>) target(%dma_start3A_392 : memref<4096x128xf32, #tpu.memory_space<any>>) target_semaphore(%arg2 : memref<!tpu.dma_semaphore, #tpu.memory_space<semaphore_mem>>)
    %dma_wait3A_393 = arith.constant 31 : i32
    %dma_wait3A_394 = arith.constant 0 : i32
    %dma_wait3A_395 = arith.constant 0 : i32
    %dma_wait3A_396 = tpu.memref_slice %arg1[%dma_wait3A_394, %dma_wait3A_393, %dma_wait3A_395] : memref<4096x200x128xf32, #tpu.memory_space<any>> -> memref<4096x1x128xf32, #tpu.memory_space<any>>
    %dma_wait3A_397 = tpu.memref_squeeze %dma_wait3A_396 : memref<4096x1x128xf32, #tpu.memory_space<any>> -> memref<4096x128xf32, #tpu.memory_space<any>>
    tpu.wait_dma2 semaphore(%arg2 : memref<!tpu.dma_semaphore, #tpu.memory_space<semaphore_mem>>) src(%arg0 : memref<4096x128xf32, #tpu.memory_space<vmem>>) dst(%dma_wait3A_397 : memref<4096x128xf32, #tpu.memory_space<any>>)
    %dma_start3A_398 = arith.constant 48 : i32
    %dma_start3A_399 = arith.constant 0 : i32
    %dma_start3A_400 = arith.constant 0 : i32
    %dma_start3A_401 = tpu.memref_slice %arg1[%dma_start3A_399, %dma_start3A_398, %dma_start3A_400] : memref<4096x200x128xf32, #tpu.memory_space<any>> -> memref<4096x1x128xf32, #tpu.memory_space<any>>
    %dma_start3A_402 = tpu.memref_squeeze %dma_start3A_401 : memref<4096x1x128xf32, #tpu.memory_space<any>> -> memref<4096x128xf32, #tpu.memory_space<any>>
    tpu.enqueue_dma source(%arg0 : memref<4096x128xf32, #tpu.memory_space<vmem>>) target(%dma_start3A_402 : memref<4096x128xf32, #tpu.memory_space<any>>) target_semaphore(%arg2 : memref<!tpu.dma_semaphore, #tpu.memory_space<semaphore_mem>>)
    %dma_wait3A_403 = arith.constant 32 : i32
    %dma_wait3A_404 = arith.constant 0 : i32
    %dma_wait3A_405 = arith.constant 0 : i32
    %dma_wait3A_406 = tpu.memref_slice %arg1[%dma_wait3A_404, %dma_wait3A_403, %dma_wait3A_405] : memref<4096x200x128xf32, #tpu.memory_space<any>> -> memref<4096x1x128xf32, #tpu.memory_space<any>>
    %dma_wait3A_407 = tpu.memref_squeeze %dma_wait3A_406 : memref<4096x1x128xf32, #tpu.memory_space<any>> -> memref<4096x128xf32, #tpu.memory_space<any>>
    tpu.wait_dma2 semaphore(%arg2 : memref<!tpu.dma_semaphore, #tpu.memory_space<semaphore_mem>>) src(%arg0 : memref<4096x128xf32, #tpu.memory_space<vmem>>) dst(%dma_wait3A_407 : memref<4096x128xf32, #tpu.memory_space<any>>)
    %dma_start3A_408 = arith.constant 49 : i32
    %dma_start3A_409 = arith.constant 0 : i32
    %dma_start3A_410 = arith.constant 0 : i32
    %dma_start3A_411 = tpu.memref_slice %arg1[%dma_start3A_409, %dma_start3A_408, %dma_start3A_410] : memref<4096x200x128xf32, #tpu.memory_space<any>> -> memref<4096x1x128xf32, #tpu.memory_space<any>>
    %dma_start3A_412 = tpu.memref_squeeze %dma_start3A_411 : memref<4096x1x128xf32, #tpu.memory_space<any>> -> memref<4096x128xf32, #tpu.memory_space<any>>
    tpu.enqueue_dma source(%arg0 : memref<4096x128xf32, #tpu.memory_space<vmem>>) target(%dma_start3A_412 : memref<4096x128xf32, #tpu.memory_space<any>>) target_semaphore(%arg2 : memref<!tpu.dma_semaphore, #tpu.memory_space<semaphore_mem>>)
    %dma_wait3A_413 = arith.constant 33 : i32
    %dma_wait3A_414 = arith.constant 0 : i32
    %dma_wait3A_415 = arith.constant 0 : i32
    %dma_wait3A_416 = tpu.memref_slice %arg1[%dma_wait3A_414, %dma_wait3A_413, %dma_wait3A_415] : memref<4096x200x128xf32, #tpu.memory_space<any>> -> memref<4096x1x128xf32, #tpu.memory_space<any>>
    %dma_wait3A_417 = tpu.memref_squeeze %dma_wait3A_416 : memref<4096x1x128xf32, #tpu.memory_space<any>> -> memref<4096x128xf32, #tpu.memory_space<any>>
    tpu.wait_dma2 semaphore(%arg2 : memref<!tpu.dma_semaphore, #tpu.memory_space<semaphore_mem>>) src(%arg0 : memref<4096x128xf32, #tpu.memory_space<vmem>>) dst(%dma_wait3A_417 : memref<4096x128xf32, #tpu.memory_space<any>>)
    %dma_start3A_418 = arith.constant 50 : i32
    %dma_start3A_419 = arith.constant 0 : i32
    %dma_start3A_420 = arith.constant 0 : i32
    %dma_start3A_421 = tpu.memref_slice %arg1[%dma_start3A_419, %dma_start3A_418, %dma_start3A_420] : memref<4096x200x128xf32, #tpu.memory_space<any>> -> memref<4096x1x128xf32, #tpu.memory_space<any>>
    %dma_start3A_422 = tpu.memref_squeeze %dma_start3A_421 : memref<4096x1x128xf32, #tpu.memory_space<any>> -> memref<4096x128xf32, #tpu.memory_space<any>>
    tpu.enqueue_dma source(%arg0 : memref<4096x128xf32, #tpu.memory_space<vmem>>) target(%dma_start3A_422 : memref<4096x128xf32, #tpu.memory_space<any>>) target_semaphore(%arg2 : memref<!tpu.dma_semaphore, #tpu.memory_space<semaphore_mem>>)
    %dma_wait3A_423 = arith.constant 34 : i32
    %dma_wait3A_424 = arith.constant 0 : i32
    %dma_wait3A_425 = arith.constant 0 : i32
    %dma_wait3A_426 = tpu.memref_slice %arg1[%dma_wait3A_424, %dma_wait3A_423, %dma_wait3A_425] : memref<4096x200x128xf32, #tpu.memory_space<any>> -> memref<4096x1x128xf32, #tpu.memory_space<any>>
    %dma_wait3A_427 = tpu.memref_squeeze %dma_wait3A_426 : memref<4096x1x128xf32, #tpu.memory_space<any>> -> memref<4096x128xf32, #tpu.memory_space<any>>
    tpu.wait_dma2 semaphore(%arg2 : memref<!tpu.dma_semaphore, #tpu.memory_space<semaphore_mem>>) src(%arg0 : memref<4096x128xf32, #tpu.memory_space<vmem>>) dst(%dma_wait3A_427 : memref<4096x128xf32, #tpu.memory_space<any>>)
    %dma_start3A_428 = arith.constant 51 : i32
    %dma_start3A_429 = arith.constant 0 : i32
    %dma_start3A_430 = arith.constant 0 : i32
    %dma_start3A_431 = tpu.memref_slice %arg1[%dma_start3A_429, %dma_start3A_428, %dma_start3A_430] : memref<4096x200x128xf32, #tpu.memory_space<any>> -> memref<4096x1x128xf32, #tpu.memory_space<any>>
    %dma_start3A_432 = tpu.memref_squeeze %dma_start3A_431 : memref<4096x1x128xf32, #tpu.memory_space<any>> -> memref<4096x128xf32, #tpu.memory_space<any>>
    tpu.enqueue_dma source(%arg0 : memref<4096x128xf32, #tpu.memory_space<vmem>>) target(%dma_start3A_432 : memref<4096x128xf32, #tpu.memory_space<any>>) target_semaphore(%arg2 : memref<!tpu.dma_semaphore, #tpu.memory_space<semaphore_mem>>)
    %dma_wait3A_433 = arith.constant 35 : i32
    %dma_wait3A_434 = arith.constant 0 : i32
    %dma_wait3A_435 = arith.constant 0 : i32
    %dma_wait3A_436 = tpu.memref_slice %arg1[%dma_wait3A_434, %dma_wait3A_433, %dma_wait3A_435] : memref<4096x200x128xf32, #tpu.memory_space<any>> -> memref<4096x1x128xf32, #tpu.memory_space<any>>
    %dma_wait3A_437 = tpu.memref_squeeze %dma_wait3A_436 : memref<4096x1x128xf32, #tpu.memory_space<any>> -> memref<4096x128xf32, #tpu.memory_space<any>>
    tpu.wait_dma2 semaphore(%arg2 : memref<!tpu.dma_semaphore, #tpu.memory_space<semaphore_mem>>) src(%arg0 : memref<4096x128xf32, #tpu.memory_space<vmem>>) dst(%dma_wait3A_437 : memref<4096x128xf32, #tpu.memory_space<any>>)
    %dma_start3A_438 = arith.constant 52 : i32
    %dma_start3A_439 = arith.constant 0 : i32
    %dma_start3A_440 = arith.constant 0 : i32
    %dma_start3A_441 = tpu.memref_slice %arg1[%dma_start3A_439, %dma_start3A_438, %dma_start3A_440] : memref<4096x200x128xf32, #tpu.memory_space<any>> -> memref<4096x1x128xf32, #tpu.memory_space<any>>
    %dma_start3A_442 = tpu.memref_squeeze %dma_start3A_441 : memref<4096x1x128xf32, #tpu.memory_space<any>> -> memref<4096x128xf32, #tpu.memory_space<any>>
    tpu.enqueue_dma source(%arg0 : memref<4096x128xf32, #tpu.memory_space<vmem>>) target(%dma_start3A_442 : memref<4096x128xf32, #tpu.memory_space<any>>) target_semaphore(%arg2 : memref<!tpu.dma_semaphore, #tpu.memory_space<semaphore_mem>>)
    %dma_wait3A_443 = arith.constant 36 : i32
    %dma_wait3A_444 = arith.constant 0 : i32
    %dma_wait3A_445 = arith.constant 0 : i32
    %dma_wait3A_446 = tpu.memref_slice %arg1[%dma_wait3A_444, %dma_wait3A_443, %dma_wait3A_445] : memref<4096x200x128xf32, #tpu.memory_space<any>> -> memref<4096x1x128xf32, #tpu.memory_space<any>>
    %dma_wait3A_447 = tpu.memref_squeeze %dma_wait3A_446 : memref<4096x1x128xf32, #tpu.memory_space<any>> -> memref<4096x128xf32, #tpu.memory_space<any>>
    tpu.wait_dma2 semaphore(%arg2 : memref<!tpu.dma_semaphore, #tpu.memory_space<semaphore_mem>>) src(%arg0 : memref<4096x128xf32, #tpu.memory_space<vmem>>) dst(%dma_wait3A_447 : memref<4096x128xf32, #tpu.memory_space<any>>)
    %dma_start3A_448 = arith.constant 53 : i32
    %dma_start3A_449 = arith.constant 0 : i32
    %dma_start3A_450 = arith.constant 0 : i32
    %dma_start3A_451 = tpu.memref_slice %arg1[%dma_start3A_449, %dma_start3A_448, %dma_start3A_450] : memref<4096x200x128xf32, #tpu.memory_space<any>> -> memref<4096x1x128xf32, #tpu.memory_space<any>>
    %dma_start3A_452 = tpu.memref_squeeze %dma_start3A_451 : memref<4096x1x128xf32, #tpu.memory_space<any>> -> memref<4096x128xf32, #tpu.memory_space<any>>
    tpu.enqueue_dma source(%arg0 : memref<4096x128xf32, #tpu.memory_space<vmem>>) target(%dma_start3A_452 : memref<4096x128xf32, #tpu.memory_space<any>>) target_semaphore(%arg2 : memref<!tpu.dma_semaphore, #tpu.memory_space<semaphore_mem>>)
    %dma_wait3A_453 = arith.constant 37 : i32
    %dma_wait3A_454 = arith.constant 0 : i32
    %dma_wait3A_455 = arith.constant 0 : i32
    %dma_wait3A_456 = tpu.memref_slice %arg1[%dma_wait3A_454, %dma_wait3A_453, %dma_wait3A_455] : memref<4096x200x128xf32, #tpu.memory_space<any>> -> memref<4096x1x128xf32, #tpu.memory_space<any>>
    %dma_wait3A_457 = tpu.memref_squeeze %dma_wait3A_456 : memref<4096x1x128xf32, #tpu.memory_space<any>> -> memref<4096x128xf32, #tpu.memory_space<any>>
    tpu.wait_dma2 semaphore(%arg2 : memref<!tpu.dma_semaphore, #tpu.memory_space<semaphore_mem>>) src(%arg0 : memref<4096x128xf32, #tpu.memory_space<vmem>>) dst(%dma_wait3A_457 : memref<4096x128xf32, #tpu.memory_space<any>>)
    %dma_start3A_458 = arith.constant 54 : i32
    %dma_start3A_459 = arith.constant 0 : i32
    %dma_start3A_460 = arith.constant 0 : i32
    %dma_start3A_461 = tpu.memref_slice %arg1[%dma_start3A_459, %dma_start3A_458, %dma_start3A_460] : memref<4096x200x128xf32, #tpu.memory_space<any>> -> memref<4096x1x128xf32, #tpu.memory_space<any>>
    %dma_start3A_462 = tpu.memref_squeeze %dma_start3A_461 : memref<4096x1x128xf32, #tpu.memory_space<any>> -> memref<4096x128xf32, #tpu.memory_space<any>>
    tpu.enqueue_dma source(%arg0 : memref<4096x128xf32, #tpu.memory_space<vmem>>) target(%dma_start3A_462 : memref<4096x128xf32, #tpu.memory_space<any>>) target_semaphore(%arg2 : memref<!tpu.dma_semaphore, #tpu.memory_space<semaphore_mem>>)
    %dma_wait3A_463 = arith.constant 38 : i32
    %dma_wait3A_464 = arith.constant 0 : i32
    %dma_wait3A_465 = arith.constant 0 : i32
    %dma_wait3A_466 = tpu.memref_slice %arg1[%dma_wait3A_464, %dma_wait3A_463, %dma_wait3A_465] : memref<4096x200x128xf32, #tpu.memory_space<any>> -> memref<4096x1x128xf32, #tpu.memory_space<any>>
    %dma_wait3A_467 = tpu.memref_squeeze %dma_wait3A_466 : memref<4096x1x128xf32, #tpu.memory_space<any>> -> memref<4096x128xf32, #tpu.memory_space<any>>
    tpu.wait_dma2 semaphore(%arg2 : memref<!tpu.dma_semaphore, #tpu.memory_space<semaphore_mem>>) src(%arg0 : memref<4096x128xf32, #tpu.memory_space<vmem>>) dst(%dma_wait3A_467 : memref<4096x128xf32, #tpu.memory_space<any>>)
    %dma_start3A_468 = arith.constant 55 : i32
    %dma_start3A_469 = arith.constant 0 : i32
    %dma_start3A_470 = arith.constant 0 : i32
    %dma_start3A_471 = tpu.memref_slice %arg1[%dma_start3A_469, %dma_start3A_468, %dma_start3A_470] : memref<4096x200x128xf32, #tpu.memory_space<any>> -> memref<4096x1x128xf32, #tpu.memory_space<any>>
    %dma_start3A_472 = tpu.memref_squeeze %dma_start3A_471 : memref<4096x1x128xf32, #tpu.memory_space<any>> -> memref<4096x128xf32, #tpu.memory_space<any>>
    tpu.enqueue_dma source(%arg0 : memref<4096x128xf32, #tpu.memory_space<vmem>>) target(%dma_start3A_472 : memref<4096x128xf32, #tpu.memory_space<any>>) target_semaphore(%arg2 : memref<!tpu.dma_semaphore, #tpu.memory_space<semaphore_mem>>)
    %dma_wait3A_473 = arith.constant 39 : i32
    %dma_wait3A_474 = arith.constant 0 : i32
    %dma_wait3A_475 = arith.constant 0 : i32
    %dma_wait3A_476 = tpu.memref_slice %arg1[%dma_wait3A_474, %dma_wait3A_473, %dma_wait3A_475] : memref<4096x200x128xf32, #tpu.memory_space<any>> -> memref<4096x1x128xf32, #tpu.memory_space<any>>
    %dma_wait3A_477 = tpu.memref_squeeze %dma_wait3A_476 : memref<4096x1x128xf32, #tpu.memory_space<any>> -> memref<4096x128xf32, #tpu.memory_space<any>>
    tpu.wait_dma2 semaphore(%arg2 : memref<!tpu.dma_semaphore, #tpu.memory_space<semaphore_mem>>) src(%arg0 : memref<4096x128xf32, #tpu.memory_space<vmem>>) dst(%dma_wait3A_477 : memref<4096x128xf32, #tpu.memory_space<any>>)
    %dma_start3A_478 = arith.constant 56 : i32
    %dma_start3A_479 = arith.constant 0 : i32
    %dma_start3A_480 = arith.constant 0 : i32
    %dma_start3A_481 = tpu.memref_slice %arg1[%dma_start3A_479, %dma_start3A_478, %dma_start3A_480] : memref<4096x200x128xf32, #tpu.memory_space<any>> -> memref<4096x1x128xf32, #tpu.memory_space<any>>
    %dma_start3A_482 = tpu.memref_squeeze %dma_start3A_481 : memref<4096x1x128xf32, #tpu.memory_space<any>> -> memref<4096x128xf32, #tpu.memory_space<any>>
    tpu.enqueue_dma source(%arg0 : memref<4096x128xf32, #tpu.memory_space<vmem>>) target(%dma_start3A_482 : memref<4096x128xf32, #tpu.memory_space<any>>) target_semaphore(%arg2 : memref<!tpu.dma_semaphore, #tpu.memory_space<semaphore_mem>>)
    %dma_wait3A_483 = arith.constant 40 : i32
    %dma_wait3A_484 = arith.constant 0 : i32
    %dma_wait3A_485 = arith.constant 0 : i32
    %dma_wait3A_486 = tpu.memref_slice %arg1[%dma_wait3A_484, %dma_wait3A_483, %dma_wait3A_485] : memref<4096x200x128xf32, #tpu.memory_space<any>> -> memref<4096x1x128xf32, #tpu.memory_space<any>>
    %dma_wait3A_487 = tpu.memref_squeeze %dma_wait3A_486 : memref<4096x1x128xf32, #tpu.memory_space<any>> -> memref<4096x128xf32, #tpu.memory_space<any>>
    tpu.wait_dma2 semaphore(%arg2 : memref<!tpu.dma_semaphore, #tpu.memory_space<semaphore_mem>>) src(%arg0 : memref<4096x128xf32, #tpu.memory_space<vmem>>) dst(%dma_wait3A_487 : memref<4096x128xf32, #tpu.memory_space<any>>)
    %dma_start3A_488 = arith.constant 57 : i32
    %dma_start3A_489 = arith.constant 0 : i32
    %dma_start3A_490 = arith.constant 0 : i32
    %dma_start3A_491 = tpu.memref_slice %arg1[%dma_start3A_489, %dma_start3A_488, %dma_start3A_490] : memref<4096x200x128xf32, #tpu.memory_space<any>> -> memref<4096x1x128xf32, #tpu.memory_space<any>>
    %dma_start3A_492 = tpu.memref_squeeze %dma_start3A_491 : memref<4096x1x128xf32, #tpu.memory_space<any>> -> memref<4096x128xf32, #tpu.memory_space<any>>
    tpu.enqueue_dma source(%arg0 : memref<4096x128xf32, #tpu.memory_space<vmem>>) target(%dma_start3A_492 : memref<4096x128xf32, #tpu.memory_space<any>>) target_semaphore(%arg2 : memref<!tpu.dma_semaphore, #tpu.memory_space<semaphore_mem>>)
    %dma_wait3A_493 = arith.constant 41 : i32
    %dma_wait3A_494 = arith.constant 0 : i32
    %dma_wait3A_495 = arith.constant 0 : i32
    %dma_wait3A_496 = tpu.memref_slice %arg1[%dma_wait3A_494, %dma_wait3A_493, %dma_wait3A_495] : memref<4096x200x128xf32, #tpu.memory_space<any>> -> memref<4096x1x128xf32, #tpu.memory_space<any>>
    %dma_wait3A_497 = tpu.memref_squeeze %dma_wait3A_496 : memref<4096x1x128xf32, #tpu.memory_space<any>> -> memref<4096x128xf32, #tpu.memory_space<any>>
    tpu.wait_dma2 semaphore(%arg2 : memref<!tpu.dma_semaphore, #tpu.memory_space<semaphore_mem>>) src(%arg0 : memref<4096x128xf32, #tpu.memory_space<vmem>>) dst(%dma_wait3A_497 : memref<4096x128xf32, #tpu.memory_space<any>>)
    %dma_start3A_498 = arith.constant 58 : i32
    %dma_start3A_499 = arith.constant 0 : i32
    %dma_start3A_500 = arith.constant 0 : i32
    %dma_start3A_501 = tpu.memref_slice %arg1[%dma_start3A_499, %dma_start3A_498, %dma_start3A_500] : memref<4096x200x128xf32, #tpu.memory_space<any>> -> memref<4096x1x128xf32, #tpu.memory_space<any>>
    %dma_start3A_502 = tpu.memref_squeeze %dma_start3A_501 : memref<4096x1x128xf32, #tpu.memory_space<any>> -> memref<4096x128xf32, #tpu.memory_space<any>>
    tpu.enqueue_dma source(%arg0 : memref<4096x128xf32, #tpu.memory_space<vmem>>) target(%dma_start3A_502 : memref<4096x128xf32, #tpu.memory_space<any>>) target_semaphore(%arg2 : memref<!tpu.dma_semaphore, #tpu.memory_space<semaphore_mem>>)
    %dma_wait3A_503 = arith.constant 42 : i32
    %dma_wait3A_504 = arith.constant 0 : i32
    %dma_wait3A_505 = arith.constant 0 : i32
    %dma_wait3A_506 = tpu.memref_slice %arg1[%dma_wait3A_504, %dma_wait3A_503, %dma_wait3A_505] : memref<4096x200x128xf32, #tpu.memory_space<any>> -> memref<4096x1x128xf32, #tpu.memory_space<any>>
    %dma_wait3A_507 = tpu.memref_squeeze %dma_wait3A_506 : memref<4096x1x128xf32, #tpu.memory_space<any>> -> memref<4096x128xf32, #tpu.memory_space<any>>
    tpu.wait_dma2 semaphore(%arg2 : memref<!tpu.dma_semaphore, #tpu.memory_space<semaphore_mem>>) src(%arg0 : memref<4096x128xf32, #tpu.memory_space<vmem>>) dst(%dma_wait3A_507 : memref<4096x128xf32, #tpu.memory_space<any>>)
    %dma_start3A_508 = arith.constant 59 : i32
    %dma_start3A_509 = arith.constant 0 : i32
    %dma_start3A_510 = arith.constant 0 : i32
    %dma_start3A_511 = tpu.memref_slice %arg1[%dma_start3A_509, %dma_start3A_508, %dma_start3A_510] : memref<4096x200x128xf32, #tpu.memory_space<any>> -> memref<4096x1x128xf32, #tpu.memory_space<any>>
    %dma_start3A_512 = tpu.memref_squeeze %dma_start3A_511 : memref<4096x1x128xf32, #tpu.memory_space<any>> -> memref<4096x128xf32, #tpu.memory_space<any>>
    tpu.enqueue_dma source(%arg0 : memref<4096x128xf32, #tpu.memory_space<vmem>>) target(%dma_start3A_512 : memref<4096x128xf32, #tpu.memory_space<any>>) target_semaphore(%arg2 : memref<!tpu.dma_semaphore, #tpu.memory_space<semaphore_mem>>)
    %dma_wait3A_513 = arith.constant 43 : i32
    %dma_wait3A_514 = arith.constant 0 : i32
    %dma_wait3A_515 = arith.constant 0 : i32
    %dma_wait3A_516 = tpu.memref_slice %arg1[%dma_wait3A_514, %dma_wait3A_513, %dma_wait3A_515] : memref<4096x200x128xf32, #tpu.memory_space<any>> -> memref<4096x1x128xf32, #tpu.memory_space<any>>
    %dma_wait3A_517 = tpu.memref_squeeze %dma_wait3A_516 : memref<4096x1x128xf32, #tpu.memory_space<any>> -> memref<4096x128xf32, #tpu.memory_space<any>>
    tpu.wait_dma2 semaphore(%arg2 : memref<!tpu.dma_semaphore, #tpu.memory_space<semaphore_mem>>) src(%arg0 : memref<4096x128xf32, #tpu.memory_space<vmem>>) dst(%dma_wait3A_517 : memref<4096x128xf32, #tpu.memory_space<any>>)
    %dma_start3A_518 = arith.constant 60 : i32
    %dma_start3A_519 = arith.constant 0 : i32
    %dma_start3A_520 = arith.constant 0 : i32
    %dma_start3A_521 = tpu.memref_slice %arg1[%dma_start3A_519, %dma_start3A_518, %dma_start3A_520] : memref<4096x200x128xf32, #tpu.memory_space<any>> -> memref<4096x1x128xf32, #tpu.memory_space<any>>
    %dma_start3A_522 = tpu.memref_squeeze %dma_start3A_521 : memref<4096x1x128xf32, #tpu.memory_space<any>> -> memref<4096x128xf32, #tpu.memory_space<any>>
    tpu.enqueue_dma source(%arg0 : memref<4096x128xf32, #tpu.memory_space<vmem>>) target(%dma_start3A_522 : memref<4096x128xf32, #tpu.memory_space<any>>) target_semaphore(%arg2 : memref<!tpu.dma_semaphore, #tpu.memory_space<semaphore_mem>>)
    %dma_wait3A_523 = arith.constant 44 : i32
    %dma_wait3A_524 = arith.constant 0 : i32
    %dma_wait3A_525 = arith.constant 0 : i32
    %dma_wait3A_526 = tpu.memref_slice %arg1[%dma_wait3A_524, %dma_wait3A_523, %dma_wait3A_525] : memref<4096x200x128xf32, #tpu.memory_space<any>> -> memref<4096x1x128xf32, #tpu.memory_space<any>>
    %dma_wait3A_527 = tpu.memref_squeeze %dma_wait3A_526 : memref<4096x1x128xf32, #tpu.memory_space<any>> -> memref<4096x128xf32, #tpu.memory_space<any>>
    tpu.wait_dma2 semaphore(%arg2 : memref<!tpu.dma_semaphore, #tpu.memory_space<semaphore_mem>>) src(%arg0 : memref<4096x128xf32, #tpu.memory_space<vmem>>) dst(%dma_wait3A_527 : memref<4096x128xf32, #tpu.memory_space<any>>)
    %dma_start3A_528 = arith.constant 61 : i32
    %dma_start3A_529 = arith.constant 0 : i32
    %dma_start3A_530 = arith.constant 0 : i32
    %dma_start3A_531 = tpu.memref_slice %arg1[%dma_start3A_529, %dma_start3A_528, %dma_start3A_530] : memref<4096x200x128xf32, #tpu.memory_space<any>> -> memref<4096x1x128xf32, #tpu.memory_space<any>>
    %dma_start3A_532 = tpu.memref_squeeze %dma_start3A_531 : memref<4096x1x128xf32, #tpu.memory_space<any>> -> memref<4096x128xf32, #tpu.memory_space<any>>
    tpu.enqueue_dma source(%arg0 : memref<4096x128xf32, #tpu.memory_space<vmem>>) target(%dma_start3A_532 : memref<4096x128xf32, #tpu.memory_space<any>>) target_semaphore(%arg2 : memref<!tpu.dma_semaphore, #tpu.memory_space<semaphore_mem>>)
    %dma_wait3A_533 = arith.constant 45 : i32
    %dma_wait3A_534 = arith.constant 0 : i32
    %dma_wait3A_535 = arith.constant 0 : i32
    %dma_wait3A_536 = tpu.memref_slice %arg1[%dma_wait3A_534, %dma_wait3A_533, %dma_wait3A_535] : memref<4096x200x128xf32, #tpu.memory_space<any>> -> memref<4096x1x128xf32, #tpu.memory_space<any>>
    %dma_wait3A_537 = tpu.memref_squeeze %dma_wait3A_536 : memref<4096x1x128xf32, #tpu.memory_space<any>> -> memref<4096x128xf32, #tpu.memory_space<any>>
    tpu.wait_dma2 semaphore(%arg2 : memref<!tpu.dma_semaphore, #tpu.memory_space<semaphore_mem>>) src(%arg0 : memref<4096x128xf32, #tpu.memory_space<vmem>>) dst(%dma_wait3A_537 : memref<4096x128xf32, #tpu.memory_space<any>>)
    %dma_start3A_538 = arith.constant 62 : i32
    %dma_start3A_539 = arith.constant 0 : i32
    %dma_start3A_540 = arith.constant 0 : i32
    %dma_start3A_541 = tpu.memref_slice %arg1[%dma_start3A_539, %dma_start3A_538, %dma_start3A_540] : memref<4096x200x128xf32, #tpu.memory_space<any>> -> memref<4096x1x128xf32, #tpu.memory_space<any>>
    %dma_start3A_542 = tpu.memref_squeeze %dma_start3A_541 : memref<4096x1x128xf32, #tpu.memory_space<any>> -> memref<4096x128xf32, #tpu.memory_space<any>>
    tpu.enqueue_dma source(%arg0 : memref<4096x128xf32, #tpu.memory_space<vmem>>) target(%dma_start3A_542 : memref<4096x128xf32, #tpu.memory_space<any>>) target_semaphore(%arg2 : memref<!tpu.dma_semaphore, #tpu.memory_space<semaphore_mem>>)
    %dma_wait3A_543 = arith.constant 46 : i32
    %dma_wait3A_544 = arith.constant 0 : i32
    %dma_wait3A_545 = arith.constant 0 : i32
    %dma_wait3A_546 = tpu.memref_slice %arg1[%dma_wait3A_544, %dma_wait3A_543, %dma_wait3A_545] : memref<4096x200x128xf32, #tpu.memory_space<any>> -> memref<4096x1x128xf32, #tpu.memory_space<any>>
    %dma_wait3A_547 = tpu.memref_squeeze %dma_wait3A_546 : memref<4096x1x128xf32, #tpu.memory_space<any>> -> memref<4096x128xf32, #tpu.memory_space<any>>
    tpu.wait_dma2 semaphore(%arg2 : memref<!tpu.dma_semaphore, #tpu.memory_space<semaphore_mem>>) src(%arg0 : memref<4096x128xf32, #tpu.memory_space<vmem>>) dst(%dma_wait3A_547 : memref<4096x128xf32, #tpu.memory_space<any>>)
    %dma_start3A_548 = arith.constant 63 : i32
    %dma_start3A_549 = arith.constant 0 : i32
    %dma_start3A_550 = arith.constant 0 : i32
    %dma_start3A_551 = tpu.memref_slice %arg1[%dma_start3A_549, %dma_start3A_548, %dma_start3A_550] : memref<4096x200x128xf32, #tpu.memory_space<any>> -> memref<4096x1x128xf32, #tpu.memory_space<any>>
    %dma_start3A_552 = tpu.memref_squeeze %dma_start3A_551 : memref<4096x1x128xf32, #tpu.memory_space<any>> -> memref<4096x128xf32, #tpu.memory_space<any>>
    tpu.enqueue_dma source(%arg0 : memref<4096x128xf32, #tpu.memory_space<vmem>>) target(%dma_start3A_552 : memref<4096x128xf32, #tpu.memory_space<any>>) target_semaphore(%arg2 : memref<!tpu.dma_semaphore, #tpu.memory_space<semaphore_mem>>)
    %dma_wait3A_553 = arith.constant 47 : i32
    %dma_wait3A_554 = arith.constant 0 : i32
    %dma_wait3A_555 = arith.constant 0 : i32
    %dma_wait3A_556 = tpu.memref_slice %arg1[%dma_wait3A_554, %dma_wait3A_553, %dma_wait3A_555] : memref<4096x200x128xf32, #tpu.memory_space<any>> -> memref<4096x1x128xf32, #tpu.memory_space<any>>
    %dma_wait3A_557 = tpu.memref_squeeze %dma_wait3A_556 : memref<4096x1x128xf32, #tpu.memory_space<any>> -> memref<4096x128xf32, #tpu.memory_space<any>>
    tpu.wait_dma2 semaphore(%arg2 : memref<!tpu.dma_semaphore, #tpu.memory_space<semaphore_mem>>) src(%arg0 : memref<4096x128xf32, #tpu.memory_space<vmem>>) dst(%dma_wait3A_557 : memref<4096x128xf32, #tpu.memory_space<any>>)
    %dma_start3A_558 = arith.constant 64 : i32
    %dma_start3A_559 = arith.constant 0 : i32
    %dma_start3A_560 = arith.constant 0 : i32
    %dma_start3A_561 = tpu.memref_slice %arg1[%dma_start3A_559, %dma_start3A_558, %dma_start3A_560] : memref<4096x200x128xf32, #tpu.memory_space<any>> -> memref<4096x1x128xf32, #tpu.memory_space<any>>
    %dma_start3A_562 = tpu.memref_squeeze %dma_start3A_561 : memref<4096x1x128xf32, #tpu.memory_space<any>> -> memref<4096x128xf32, #tpu.memory_space<any>>
    tpu.enqueue_dma source(%arg0 : memref<4096x128xf32, #tpu.memory_space<vmem>>) target(%dma_start3A_562 : memref<4096x128xf32, #tpu.memory_space<any>>) target_semaphore(%arg2 : memref<!tpu.dma_semaphore, #tpu.memory_space<semaphore_mem>>)
    %dma_wait3A_563 = arith.constant 48 : i32
    %dma_wait3A_564 = arith.constant 0 : i32
    %dma_wait3A_565 = arith.constant 0 : i32
    %dma_wait3A_566 = tpu.memref_slice %arg1[%dma_wait3A_564, %dma_wait3A_563, %dma_wait3A_565] : memref<4096x200x128xf32, #tpu.memory_space<any>> -> memref<4096x1x128xf32, #tpu.memory_space<any>>
    %dma_wait3A_567 = tpu.memref_squeeze %dma_wait3A_566 : memref<4096x1x128xf32, #tpu.memory_space<any>> -> memref<4096x128xf32, #tpu.memory_space<any>>
    tpu.wait_dma2 semaphore(%arg2 : memref<!tpu.dma_semaphore, #tpu.memory_space<semaphore_mem>>) src(%arg0 : memref<4096x128xf32, #tpu.memory_space<vmem>>) dst(%dma_wait3A_567 : memref<4096x128xf32, #tpu.memory_space<any>>)
    %dma_start3A_568 = arith.constant 65 : i32
    %dma_start3A_569 = arith.constant 0 : i32
    %dma_start3A_570 = arith.constant 0 : i32
    %dma_start3A_571 = tpu.memref_slice %arg1[%dma_start3A_569, %dma_start3A_568, %dma_start3A_570] : memref<4096x200x128xf32, #tpu.memory_space<any>> -> memref<4096x1x128xf32, #tpu.memory_space<any>>
    %dma_start3A_572 = tpu.memref_squeeze %dma_start3A_571 : memref<4096x1x128xf32, #tpu.memory_space<any>> -> memref<4096x128xf32, #tpu.memory_space<any>>
    tpu.enqueue_dma source(%arg0 : memref<4096x128xf32, #tpu.memory_space<vmem>>) target(%dma_start3A_572 : memref<4096x128xf32, #tpu.memory_space<any>>) target_semaphore(%arg2 : memref<!tpu.dma_semaphore, #tpu.memory_space<semaphore_mem>>)
    %dma_wait3A_573 = arith.constant 49 : i32
    %dma_wait3A_574 = arith.constant 0 : i32
    %dma_wait3A_575 = arith.constant 0 : i32
    %dma_wait3A_576 = tpu.memref_slice %arg1[%dma_wait3A_574, %dma_wait3A_573, %dma_wait3A_575] : memref<4096x200x128xf32, #tpu.memory_space<any>> -> memref<4096x1x128xf32, #tpu.memory_space<any>>
    %dma_wait3A_577 = tpu.memref_squeeze %dma_wait3A_576 : memref<4096x1x128xf32, #tpu.memory_space<any>> -> memref<4096x128xf32, #tpu.memory_space<any>>
    tpu.wait_dma2 semaphore(%arg2 : memref<!tpu.dma_semaphore, #tpu.memory_space<semaphore_mem>>) src(%arg0 : memref<4096x128xf32, #tpu.memory_space<vmem>>) dst(%dma_wait3A_577 : memref<4096x128xf32, #tpu.memory_space<any>>)
    %dma_start3A_578 = arith.constant 66 : i32
    %dma_start3A_579 = arith.constant 0 : i32
    %dma_start3A_580 = arith.constant 0 : i32
    %dma_start3A_581 = tpu.memref_slice %arg1[%dma_start3A_579, %dma_start3A_578, %dma_start3A_580] : memref<4096x200x128xf32, #tpu.memory_space<any>> -> memref<4096x1x128xf32, #tpu.memory_space<any>>
    %dma_start3A_582 = tpu.memref_squeeze %dma_start3A_581 : memref<4096x1x128xf32, #tpu.memory_space<any>> -> memref<4096x128xf32, #tpu.memory_space<any>>
    tpu.enqueue_dma source(%arg0 : memref<4096x128xf32, #tpu.memory_space<vmem>>) target(%dma_start3A_582 : memref<4096x128xf32, #tpu.memory_space<any>>) target_semaphore(%arg2 : memref<!tpu.dma_semaphore, #tpu.memory_space<semaphore_mem>>)
    %dma_wait3A_583 = arith.constant 50 : i32
    %dma_wait3A_584 = arith.constant 0 : i32
    %dma_wait3A_585 = arith.constant 0 : i32
    %dma_wait3A_586 = tpu.memref_slice %arg1[%dma_wait3A_584, %dma_wait3A_583, %dma_wait3A_585] : memref<4096x200x128xf32, #tpu.memory_space<any>> -> memref<4096x1x128xf32, #tpu.memory_space<any>>
    %dma_wait3A_587 = tpu.memref_squeeze %dma_wait3A_586 : memref<4096x1x128xf32, #tpu.memory_space<any>> -> memref<4096x128xf32, #tpu.memory_space<any>>
    tpu.wait_dma2 semaphore(%arg2 : memref<!tpu.dma_semaphore, #tpu.memory_space<semaphore_mem>>) src(%arg0 : memref<4096x128xf32, #tpu.memory_space<vmem>>) dst(%dma_wait3A_587 : memref<4096x128xf32, #tpu.memory_space<any>>)
    %dma_start3A_588 = arith.constant 67 : i32
    %dma_start3A_589 = arith.constant 0 : i32
    %dma_start3A_590 = arith.constant 0 : i32
    %dma_start3A_591 = tpu.memref_slice %arg1[%dma_start3A_589, %dma_start3A_588, %dma_start3A_590] : memref<4096x200x128xf32, #tpu.memory_space<any>> -> memref<4096x1x128xf32, #tpu.memory_space<any>>
    %dma_start3A_592 = tpu.memref_squeeze %dma_start3A_591 : memref<4096x1x128xf32, #tpu.memory_space<any>> -> memref<4096x128xf32, #tpu.memory_space<any>>
    tpu.enqueue_dma source(%arg0 : memref<4096x128xf32, #tpu.memory_space<vmem>>) target(%dma_start3A_592 : memref<4096x128xf32, #tpu.memory_space<any>>) target_semaphore(%arg2 : memref<!tpu.dma_semaphore, #tpu.memory_space<semaphore_mem>>)
    %dma_wait3A_593 = arith.constant 51 : i32
    %dma_wait3A_594 = arith.constant 0 : i32
    %dma_wait3A_595 = arith.constant 0 : i32
    %dma_wait3A_596 = tpu.memref_slice %arg1[%dma_wait3A_594, %dma_wait3A_593, %dma_wait3A_595] : memref<4096x200x128xf32, #tpu.memory_space<any>> -> memref<4096x1x128xf32, #tpu.memory_space<any>>
    %dma_wait3A_597 = tpu.memref_squeeze %dma_wait3A_596 : memref<4096x1x128xf32, #tpu.memory_space<any>> -> memref<4096x128xf32, #tpu.memory_space<any>>
    tpu.wait_dma2 semaphore(%arg2 : memref<!tpu.dma_semaphore, #tpu.memory_space<semaphore_mem>>) src(%arg0 : memref<4096x128xf32, #tpu.memory_space<vmem>>) dst(%dma_wait3A_597 : memref<4096x128xf32, #tpu.memory_space<any>>)
    %dma_start3A_598 = arith.constant 68 : i32
    %dma_start3A_599 = arith.constant 0 : i32
    %dma_start3A_600 = arith.constant 0 : i32
    %dma_start3A_601 = tpu.memref_slice %arg1[%dma_start3A_599, %dma_start3A_598, %dma_start3A_600] : memref<4096x200x128xf32, #tpu.memory_space<any>> -> memref<4096x1x128xf32, #tpu.memory_space<any>>
    %dma_start3A_602 = tpu.memref_squeeze %dma_start3A_601 : memref<4096x1x128xf32, #tpu.memory_space<any>> -> memref<4096x128xf32, #tpu.memory_space<any>>
    tpu.enqueue_dma source(%arg0 : memref<4096x128xf32, #tpu.memory_space<vmem>>) target(%dma_start3A_602 : memref<4096x128xf32, #tpu.memory_space<any>>) target_semaphore(%arg2 : memref<!tpu.dma_semaphore, #tpu.memory_space<semaphore_mem>>)
    %dma_wait3A_603 = arith.constant 52 : i32
    %dma_wait3A_604 = arith.constant 0 : i32
    %dma_wait3A_605 = arith.constant 0 : i32
    %dma_wait3A_606 = tpu.memref_slice %arg1[%dma_wait3A_604, %dma_wait3A_603, %dma_wait3A_605] : memref<4096x200x128xf32, #tpu.memory_space<any>> -> memref<4096x1x128xf32, #tpu.memory_space<any>>
    %dma_wait3A_607 = tpu.memref_squeeze %dma_wait3A_606 : memref<4096x1x128xf32, #tpu.memory_space<any>> -> memref<4096x128xf32, #tpu.memory_space<any>>
    tpu.wait_dma2 semaphore(%arg2 : memref<!tpu.dma_semaphore, #tpu.memory_space<semaphore_mem>>) src(%arg0 : memref<4096x128xf32, #tpu.memory_space<vmem>>) dst(%dma_wait3A_607 : memref<4096x128xf32, #tpu.memory_space<any>>)
    %dma_start3A_608 = arith.constant 69 : i32
    %dma_start3A_609 = arith.constant 0 : i32
    %dma_start3A_610 = arith.constant 0 : i32
    %dma_start3A_611 = tpu.memref_slice %arg1[%dma_start3A_609, %dma_start3A_608, %dma_start3A_610] : memref<4096x200x128xf32, #tpu.memory_space<any>> -> memref<4096x1x128xf32, #tpu.memory_space<any>>
    %dma_start3A_612 = tpu.memref_squeeze %dma_start3A_611 : memref<4096x1x128xf32, #tpu.memory_space<any>> -> memref<4096x128xf32, #tpu.memory_space<any>>
    tpu.enqueue_dma source(%arg0 : memref<4096x128xf32, #tpu.memory_space<vmem>>) target(%dma_start3A_612 : memref<4096x128xf32, #tpu.memory_space<any>>) target_semaphore(%arg2 : memref<!tpu.dma_semaphore, #tpu.memory_space<semaphore_mem>>)
    %dma_wait3A_613 = arith.constant 53 : i32
    %dma_wait3A_614 = arith.constant 0 : i32
    %dma_wait3A_615 = arith.constant 0 : i32
    %dma_wait3A_616 = tpu.memref_slice %arg1[%dma_wait3A_614, %dma_wait3A_613, %dma_wait3A_615] : memref<4096x200x128xf32, #tpu.memory_space<any>> -> memref<4096x1x128xf32, #tpu.memory_space<any>>
    %dma_wait3A_617 = tpu.memref_squeeze %dma_wait3A_616 : memref<4096x1x128xf32, #tpu.memory_space<any>> -> memref<4096x128xf32, #tpu.memory_space<any>>
    tpu.wait_dma2 semaphore(%arg2 : memref<!tpu.dma_semaphore, #tpu.memory_space<semaphore_mem>>) src(%arg0 : memref<4096x128xf32, #tpu.memory_space<vmem>>) dst(%dma_wait3A_617 : memref<4096x128xf32, #tpu.memory_space<any>>)
    %dma_start3A_618 = arith.constant 70 : i32
    %dma_start3A_619 = arith.constant 0 : i32
    %dma_start3A_620 = arith.constant 0 : i32
    %dma_start3A_621 = tpu.memref_slice %arg1[%dma_start3A_619, %dma_start3A_618, %dma_start3A_620] : memref<4096x200x128xf32, #tpu.memory_space<any>> -> memref<4096x1x128xf32, #tpu.memory_space<any>>
    %dma_start3A_622 = tpu.memref_squeeze %dma_start3A_621 : memref<4096x1x128xf32, #tpu.memory_space<any>> -> memref<4096x128xf32, #tpu.memory_space<any>>
    tpu.enqueue_dma source(%arg0 : memref<4096x128xf32, #tpu.memory_space<vmem>>) target(%dma_start3A_622 : memref<4096x128xf32, #tpu.memory_space<any>>) target_semaphore(%arg2 : memref<!tpu.dma_semaphore, #tpu.memory_space<semaphore_mem>>)
    %dma_wait3A_623 = arith.constant 54 : i32
    %dma_wait3A_624 = arith.constant 0 : i32
    %dma_wait3A_625 = arith.constant 0 : i32
    %dma_wait3A_626 = tpu.memref_slice %arg1[%dma_wait3A_624, %dma_wait3A_623, %dma_wait3A_625] : memref<4096x200x128xf32, #tpu.memory_space<any>> -> memref<4096x1x128xf32, #tpu.memory_space<any>>
    %dma_wait3A_627 = tpu.memref_squeeze %dma_wait3A_626 : memref<4096x1x128xf32, #tpu.memory_space<any>> -> memref<4096x128xf32, #tpu.memory_space<any>>
    tpu.wait_dma2 semaphore(%arg2 : memref<!tpu.dma_semaphore, #tpu.memory_space<semaphore_mem>>) src(%arg0 : memref<4096x128xf32, #tpu.memory_space<vmem>>) dst(%dma_wait3A_627 : memref<4096x128xf32, #tpu.memory_space<any>>)
    %dma_start3A_628 = arith.constant 71 : i32
    %dma_start3A_629 = arith.constant 0 : i32
    %dma_start3A_630 = arith.constant 0 : i32
    %dma_start3A_631 = tpu.memref_slice %arg1[%dma_start3A_629, %dma_start3A_628, %dma_start3A_630] : memref<4096x200x128xf32, #tpu.memory_space<any>> -> memref<4096x1x128xf32, #tpu.memory_space<any>>
    %dma_start3A_632 = tpu.memref_squeeze %dma_start3A_631 : memref<4096x1x128xf32, #tpu.memory_space<any>> -> memref<4096x128xf32, #tpu.memory_space<any>>
    tpu.enqueue_dma source(%arg0 : memref<4096x128xf32, #tpu.memory_space<vmem>>) target(%dma_start3A_632 : memref<4096x128xf32, #tpu.memory_space<any>>) target_semaphore(%arg2 : memref<!tpu.dma_semaphore, #tpu.memory_space<semaphore_mem>>)
    %dma_wait3A_633 = arith.constant 55 : i32
    %dma_wait3A_634 = arith.constant 0 : i32
    %dma_wait3A_635 = arith.constant 0 : i32
    %dma_wait3A_636 = tpu.memref_slice %arg1[%dma_wait3A_634, %dma_wait3A_633, %dma_wait3A_635] : memref<4096x200x128xf32, #tpu.memory_space<any>> -> memref<4096x1x128xf32, #tpu.memory_space<any>>
    %dma_wait3A_637 = tpu.memref_squeeze %dma_wait3A_636 : memref<4096x1x128xf32, #tpu.memory_space<any>> -> memref<4096x128xf32, #tpu.memory_space<any>>
    tpu.wait_dma2 semaphore(%arg2 : memref<!tpu.dma_semaphore, #tpu.memory_space<semaphore_mem>>) src(%arg0 : memref<4096x128xf32, #tpu.memory_space<vmem>>) dst(%dma_wait3A_637 : memref<4096x128xf32, #tpu.memory_space<any>>)
    %dma_start3A_638 = arith.constant 72 : i32
    %dma_start3A_639 = arith.constant 0 : i32
    %dma_start3A_640 = arith.constant 0 : i32
    %dma_start3A_641 = tpu.memref_slice %arg1[%dma_start3A_639, %dma_start3A_638, %dma_start3A_640] : memref<4096x200x128xf32, #tpu.memory_space<any>> -> memref<4096x1x128xf32, #tpu.memory_space<any>>
    %dma_start3A_642 = tpu.memref_squeeze %dma_start3A_641 : memref<4096x1x128xf32, #tpu.memory_space<any>> -> memref<4096x128xf32, #tpu.memory_space<any>>
    tpu.enqueue_dma source(%arg0 : memref<4096x128xf32, #tpu.memory_space<vmem>>) target(%dma_start3A_642 : memref<4096x128xf32, #tpu.memory_space<any>>) target_semaphore(%arg2 : memref<!tpu.dma_semaphore, #tpu.memory_space<semaphore_mem>>)
    %dma_wait3A_643 = arith.constant 56 : i32
    %dma_wait3A_644 = arith.constant 0 : i32
    %dma_wait3A_645 = arith.constant 0 : i32
    %dma_wait3A_646 = tpu.memref_slice %arg1[%dma_wait3A_644, %dma_wait3A_643, %dma_wait3A_645] : memref<4096x200x128xf32, #tpu.memory_space<any>> -> memref<4096x1x128xf32, #tpu.memory_space<any>>
    %dma_wait3A_647 = tpu.memref_squeeze %dma_wait3A_646 : memref<4096x1x128xf32, #tpu.memory_space<any>> -> memref<4096x128xf32, #tpu.memory_space<any>>
    tpu.wait_dma2 semaphore(%arg2 : memref<!tpu.dma_semaphore, #tpu.memory_space<semaphore_mem>>) src(%arg0 : memref<4096x128xf32, #tpu.memory_space<vmem>>) dst(%dma_wait3A_647 : memref<4096x128xf32, #tpu.memory_space<any>>)
    %dma_start3A_648 = arith.constant 73 : i32
    %dma_start3A_649 = arith.constant 0 : i32
    %dma_start3A_650 = arith.constant 0 : i32
    %dma_start3A_651 = tpu.memref_slice %arg1[%dma_start3A_649, %dma_start3A_648, %dma_start3A_650] : memref<4096x200x128xf32, #tpu.memory_space<any>> -> memref<4096x1x128xf32, #tpu.memory_space<any>>
    %dma_start3A_652 = tpu.memref_squeeze %dma_start3A_651 : memref<4096x1x128xf32, #tpu.memory_space<any>> -> memref<4096x128xf32, #tpu.memory_space<any>>
    tpu.enqueue_dma source(%arg0 : memref<4096x128xf32, #tpu.memory_space<vmem>>) target(%dma_start3A_652 : memref<4096x128xf32, #tpu.memory_space<any>>) target_semaphore(%arg2 : memref<!tpu.dma_semaphore, #tpu.memory_space<semaphore_mem>>)
    %dma_wait3A_653 = arith.constant 57 : i32
    %dma_wait3A_654 = arith.constant 0 : i32
    %dma_wait3A_655 = arith.constant 0 : i32
    %dma_wait3A_656 = tpu.memref_slice %arg1[%dma_wait3A_654, %dma_wait3A_653, %dma_wait3A_655] : memref<4096x200x128xf32, #tpu.memory_space<any>> -> memref<4096x1x128xf32, #tpu.memory_space<any>>
    %dma_wait3A_657 = tpu.memref_squeeze %dma_wait3A_656 : memref<4096x1x128xf32, #tpu.memory_space<any>> -> memref<4096x128xf32, #tpu.memory_space<any>>
    tpu.wait_dma2 semaphore(%arg2 : memref<!tpu.dma_semaphore, #tpu.memory_space<semaphore_mem>>) src(%arg0 : memref<4096x128xf32, #tpu.memory_space<vmem>>) dst(%dma_wait3A_657 : memref<4096x128xf32, #tpu.memory_space<any>>)
    %dma_start3A_658 = arith.constant 74 : i32
    %dma_start3A_659 = arith.constant 0 : i32
    %dma_start3A_660 = arith.constant 0 : i32
    %dma_start3A_661 = tpu.memref_slice %arg1[%dma_start3A_659, %dma_start3A_658, %dma_start3A_660] : memref<4096x200x128xf32, #tpu.memory_space<any>> -> memref<4096x1x128xf32, #tpu.memory_space<any>>
    %dma_start3A_662 = tpu.memref_squeeze %dma_start3A_661 : memref<4096x1x128xf32, #tpu.memory_space<any>> -> memref<4096x128xf32, #tpu.memory_space<any>>
    tpu.enqueue_dma source(%arg0 : memref<4096x128xf32, #tpu.memory_space<vmem>>) target(%dma_start3A_662 : memref<4096x128xf32, #tpu.memory_space<any>>) target_semaphore(%arg2 : memref<!tpu.dma_semaphore, #tpu.memory_space<semaphore_mem>>)
    %dma_wait3A_663 = arith.constant 58 : i32
    %dma_wait3A_664 = arith.constant 0 : i32
    %dma_wait3A_665 = arith.constant 0 : i32
    %dma_wait3A_666 = tpu.memref_slice %arg1[%dma_wait3A_664, %dma_wait3A_663, %dma_wait3A_665] : memref<4096x200x128xf32, #tpu.memory_space<any>> -> memref<4096x1x128xf32, #tpu.memory_space<any>>
    %dma_wait3A_667 = tpu.memref_squeeze %dma_wait3A_666 : memref<4096x1x128xf32, #tpu.memory_space<any>> -> memref<4096x128xf32, #tpu.memory_space<any>>
    tpu.wait_dma2 semaphore(%arg2 : memref<!tpu.dma_semaphore, #tpu.memory_space<semaphore_mem>>) src(%arg0 : memref<4096x128xf32, #tpu.memory_space<vmem>>) dst(%dma_wait3A_667 : memref<4096x128xf32, #tpu.memory_space<any>>)
    %dma_start3A_668 = arith.constant 75 : i32
    %dma_start3A_669 = arith.constant 0 : i32
    %dma_start3A_670 = arith.constant 0 : i32
    %dma_start3A_671 = tpu.memref_slice %arg1[%dma_start3A_669, %dma_start3A_668, %dma_start3A_670] : memref<4096x200x128xf32, #tpu.memory_space<any>> -> memref<4096x1x128xf32, #tpu.memory_space<any>>
    %dma_start3A_672 = tpu.memref_squeeze %dma_start3A_671 : memref<4096x1x128xf32, #tpu.memory_space<any>> -> memref<4096x128xf32, #tpu.memory_space<any>>
    tpu.enqueue_dma source(%arg0 : memref<4096x128xf32, #tpu.memory_space<vmem>>) target(%dma_start3A_672 : memref<4096x128xf32, #tpu.memory_space<any>>) target_semaphore(%arg2 : memref<!tpu.dma_semaphore, #tpu.memory_space<semaphore_mem>>)
    %dma_wait3A_673 = arith.constant 59 : i32
    %dma_wait3A_674 = arith.constant 0 : i32
    %dma_wait3A_675 = arith.constant 0 : i32
    %dma_wait3A_676 = tpu.memref_slice %arg1[%dma_wait3A_674, %dma_wait3A_673, %dma_wait3A_675] : memref<4096x200x128xf32, #tpu.memory_space<any>> -> memref<4096x1x128xf32, #tpu.memory_space<any>>
    %dma_wait3A_677 = tpu.memref_squeeze %dma_wait3A_676 : memref<4096x1x128xf32, #tpu.memory_space<any>> -> memref<4096x128xf32, #tpu.memory_space<any>>
    tpu.wait_dma2 semaphore(%arg2 : memref<!tpu.dma_semaphore, #tpu.memory_space<semaphore_mem>>) src(%arg0 : memref<4096x128xf32, #tpu.memory_space<vmem>>) dst(%dma_wait3A_677 : memref<4096x128xf32, #tpu.memory_space<any>>)
    %dma_start3A_678 = arith.constant 76 : i32
    %dma_start3A_679 = arith.constant 0 : i32
    %dma_start3A_680 = arith.constant 0 : i32
    %dma_start3A_681 = tpu.memref_slice %arg1[%dma_start3A_679, %dma_start3A_678, %dma_start3A_680] : memref<4096x200x128xf32, #tpu.memory_space<any>> -> memref<4096x1x128xf32, #tpu.memory_space<any>>
    %dma_start3A_682 = tpu.memref_squeeze %dma_start3A_681 : memref<4096x1x128xf32, #tpu.memory_space<any>> -> memref<4096x128xf32, #tpu.memory_space<any>>
    tpu.enqueue_dma source(%arg0 : memref<4096x128xf32, #tpu.memory_space<vmem>>) target(%dma_start3A_682 : memref<4096x128xf32, #tpu.memory_space<any>>) target_semaphore(%arg2 : memref<!tpu.dma_semaphore, #tpu.memory_space<semaphore_mem>>)
    %dma_wait3A_683 = arith.constant 60 : i32
    %dma_wait3A_684 = arith.constant 0 : i32
    %dma_wait3A_685 = arith.constant 0 : i32
    %dma_wait3A_686 = tpu.memref_slice %arg1[%dma_wait3A_684, %dma_wait3A_683, %dma_wait3A_685] : memref<4096x200x128xf32, #tpu.memory_space<any>> -> memref<4096x1x128xf32, #tpu.memory_space<any>>
    %dma_wait3A_687 = tpu.memref_squeeze %dma_wait3A_686 : memref<4096x1x128xf32, #tpu.memory_space<any>> -> memref<4096x128xf32, #tpu.memory_space<any>>
    tpu.wait_dma2 semaphore(%arg2 : memref<!tpu.dma_semaphore, #tpu.memory_space<semaphore_mem>>) src(%arg0 : memref<4096x128xf32, #tpu.memory_space<vmem>>) dst(%dma_wait3A_687 : memref<4096x128xf32, #tpu.memory_space<any>>)
    %dma_start3A_688 = arith.constant 77 : i32
    %dma_start3A_689 = arith.constant 0 : i32
    %dma_start3A_690 = arith.constant 0 : i32
    %dma_start3A_691 = tpu.memref_slice %arg1[%dma_start3A_689, %dma_start3A_688, %dma_start3A_690] : memref<4096x200x128xf32, #tpu.memory_space<any>> -> memref<4096x1x128xf32, #tpu.memory_space<any>>
    %dma_start3A_692 = tpu.memref_squeeze %dma_start3A_691 : memref<4096x1x128xf32, #tpu.memory_space<any>> -> memref<4096x128xf32, #tpu.memory_space<any>>
    tpu.enqueue_dma source(%arg0 : memref<4096x128xf32, #tpu.memory_space<vmem>>) target(%dma_start3A_692 : memref<4096x128xf32, #tpu.memory_space<any>>) target_semaphore(%arg2 : memref<!tpu.dma_semaphore, #tpu.memory_space<semaphore_mem>>)
    %dma_wait3A_693 = arith.constant 61 : i32
    %dma_wait3A_694 = arith.constant 0 : i32
    %dma_wait3A_695 = arith.constant 0 : i32
    %dma_wait3A_696 = tpu.memref_slice %arg1[%dma_wait3A_694, %dma_wait3A_693, %dma_wait3A_695] : memref<4096x200x128xf32, #tpu.memory_space<any>> -> memref<4096x1x128xf32, #tpu.memory_space<any>>
    %dma_wait3A_697 = tpu.memref_squeeze %dma_wait3A_696 : memref<4096x1x128xf32, #tpu.memory_space<any>> -> memref<4096x128xf32, #tpu.memory_space<any>>
    tpu.wait_dma2 semaphore(%arg2 : memref<!tpu.dma_semaphore, #tpu.memory_space<semaphore_mem>>) src(%arg0 : memref<4096x128xf32, #tpu.memory_space<vmem>>) dst(%dma_wait3A_697 : memref<4096x128xf32, #tpu.memory_space<any>>)
    %dma_start3A_698 = arith.constant 78 : i32
    %dma_start3A_699 = arith.constant 0 : i32
    %dma_start3A_700 = arith.constant 0 : i32
    %dma_start3A_701 = tpu.memref_slice %arg1[%dma_start3A_699, %dma_start3A_698, %dma_start3A_700] : memref<4096x200x128xf32, #tpu.memory_space<any>> -> memref<4096x1x128xf32, #tpu.memory_space<any>>
    %dma_start3A_702 = tpu.memref_squeeze %dma_start3A_701 : memref<4096x1x128xf32, #tpu.memory_space<any>> -> memref<4096x128xf32, #tpu.memory_space<any>>
    tpu.enqueue_dma source(%arg0 : memref<4096x128xf32, #tpu.memory_space<vmem>>) target(%dma_start3A_702 : memref<4096x128xf32, #tpu.memory_space<any>>) target_semaphore(%arg2 : memref<!tpu.dma_semaphore, #tpu.memory_space<semaphore_mem>>)
    %dma_wait3A_703 = arith.constant 62 : i32
    %dma_wait3A_704 = arith.constant 0 : i32
    %dma_wait3A_705 = arith.constant 0 : i32
    %dma_wait3A_706 = tpu.memref_slice %arg1[%dma_wait3A_704, %dma_wait3A_703, %dma_wait3A_705] : memref<4096x200x128xf32, #tpu.memory_space<any>> -> memref<4096x1x128xf32, #tpu.memory_space<any>>
    %dma_wait3A_707 = tpu.memref_squeeze %dma_wait3A_706 : memref<4096x1x128xf32, #tpu.memory_space<any>> -> memref<4096x128xf32, #tpu.memory_space<any>>
    tpu.wait_dma2 semaphore(%arg2 : memref<!tpu.dma_semaphore, #tpu.memory_space<semaphore_mem>>) src(%arg0 : memref<4096x128xf32, #tpu.memory_space<vmem>>) dst(%dma_wait3A_707 : memref<4096x128xf32, #tpu.memory_space<any>>)
    %dma_start3A_708 = arith.constant 79 : i32
    %dma_start3A_709 = arith.constant 0 : i32
    %dma_start3A_710 = arith.constant 0 : i32
    %dma_start3A_711 = tpu.memref_slice %arg1[%dma_start3A_709, %dma_start3A_708, %dma_start3A_710] : memref<4096x200x128xf32, #tpu.memory_space<any>> -> memref<4096x1x128xf32, #tpu.memory_space<any>>
    %dma_start3A_712 = tpu.memref_squeeze %dma_start3A_711 : memref<4096x1x128xf32, #tpu.memory_space<any>> -> memref<4096x128xf32, #tpu.memory_space<any>>
    tpu.enqueue_dma source(%arg0 : memref<4096x128xf32, #tpu.memory_space<vmem>>) target(%dma_start3A_712 : memref<4096x128xf32, #tpu.memory_space<any>>) target_semaphore(%arg2 : memref<!tpu.dma_semaphore, #tpu.memory_space<semaphore_mem>>)
    %dma_wait3A_713 = arith.constant 63 : i32
    %dma_wait3A_714 = arith.constant 0 : i32
    %dma_wait3A_715 = arith.constant 0 : i32
    %dma_wait3A_716 = tpu.memref_slice %arg1[%dma_wait3A_714, %dma_wait3A_713, %dma_wait3A_715] : memref<4096x200x128xf32, #tpu.memory_space<any>> -> memref<4096x1x128xf32, #tpu.memory_space<any>>
    %dma_wait3A_717 = tpu.memref_squeeze %dma_wait3A_716 : memref<4096x1x128xf32, #tpu.memory_space<any>> -> memref<4096x128xf32, #tpu.memory_space<any>>
    tpu.wait_dma2 semaphore(%arg2 : memref<!tpu.dma_semaphore, #tpu.memory_space<semaphore_mem>>) src(%arg0 : memref<4096x128xf32, #tpu.memory_space<vmem>>) dst(%dma_wait3A_717 : memref<4096x128xf32, #tpu.memory_space<any>>)
    %dma_start3A_718 = arith.constant 80 : i32
    %dma_start3A_719 = arith.constant 0 : i32
    %dma_start3A_720 = arith.constant 0 : i32
    %dma_start3A_721 = tpu.memref_slice %arg1[%dma_start3A_719, %dma_start3A_718, %dma_start3A_720] : memref<4096x200x128xf32, #tpu.memory_space<any>> -> memref<4096x1x128xf32, #tpu.memory_space<any>>
    %dma_start3A_722 = tpu.memref_squeeze %dma_start3A_721 : memref<4096x1x128xf32, #tpu.memory_space<any>> -> memref<4096x128xf32, #tpu.memory_space<any>>
    tpu.enqueue_dma source(%arg0 : memref<4096x128xf32, #tpu.memory_space<vmem>>) target(%dma_start3A_722 : memref<4096x128xf32, #tpu.memory_space<any>>) target_semaphore(%arg2 : memref<!tpu.dma_semaphore, #tpu.memory_space<semaphore_mem>>)
    %dma_wait3A_723 = arith.constant 64 : i32
    %dma_wait3A_724 = arith.constant 0 : i32
    %dma_wait3A_725 = arith.constant 0 : i32
    %dma_wait3A_726 = tpu.memref_slice %arg1[%dma_wait3A_724, %dma_wait3A_723, %dma_wait3A_725] : memref<4096x200x128xf32, #tpu.memory_space<any>> -> memref<4096x1x128xf32, #tpu.memory_space<any>>
    %dma_wait3A_727 = tpu.memref_squeeze %dma_wait3A_726 : memref<4096x1x128xf32, #tpu.memory_space<any>> -> memref<4096x128xf32, #tpu.memory_space<any>>
    tpu.wait_dma2 semaphore(%arg2 : memref<!tpu.dma_semaphore, #tpu.memory_space<semaphore_mem>>) src(%arg0 : memref<4096x128xf32, #tpu.memory_space<vmem>>) dst(%dma_wait3A_727 : memref<4096x128xf32, #tpu.memory_space<any>>)
    %dma_start3A_728 = arith.constant 81 : i32
    %dma_start3A_729 = arith.constant 0 : i32
    %dma_start3A_730 = arith.constant 0 : i32
    %dma_start3A_731 = tpu.memref_slice %arg1[%dma_start3A_729, %dma_start3A_728, %dma_start3A_730] : memref<4096x200x128xf32, #tpu.memory_space<any>> -> memref<4096x1x128xf32, #tpu.memory_space<any>>
    %dma_start3A_732 = tpu.memref_squeeze %dma_start3A_731 : memref<4096x1x128xf32, #tpu.memory_space<any>> -> memref<4096x128xf32, #tpu.memory_space<any>>
    tpu.enqueue_dma source(%arg0 : memref<4096x128xf32, #tpu.memory_space<vmem>>) target(%dma_start3A_732 : memref<4096x128xf32, #tpu.memory_space<any>>) target_semaphore(%arg2 : memref<!tpu.dma_semaphore, #tpu.memory_space<semaphore_mem>>)
    %dma_wait3A_733 = arith.constant 65 : i32
    %dma_wait3A_734 = arith.constant 0 : i32
    %dma_wait3A_735 = arith.constant 0 : i32
    %dma_wait3A_736 = tpu.memref_slice %arg1[%dma_wait3A_734, %dma_wait3A_733, %dma_wait3A_735] : memref<4096x200x128xf32, #tpu.memory_space<any>> -> memref<4096x1x128xf32, #tpu.memory_space<any>>
    %dma_wait3A_737 = tpu.memref_squeeze %dma_wait3A_736 : memref<4096x1x128xf32, #tpu.memory_space<any>> -> memref<4096x128xf32, #tpu.memory_space<any>>
    tpu.wait_dma2 semaphore(%arg2 : memref<!tpu.dma_semaphore, #tpu.memory_space<semaphore_mem>>) src(%arg0 : memref<4096x128xf32, #tpu.memory_space<vmem>>) dst(%dma_wait3A_737 : memref<4096x128xf32, #tpu.memory_space<any>>)
    %dma_start3A_738 = arith.constant 82 : i32
    %dma_start3A_739 = arith.constant 0 : i32
    %dma_start3A_740 = arith.constant 0 : i32
    %dma_start3A_741 = tpu.memref_slice %arg1[%dma_start3A_739, %dma_start3A_738, %dma_start3A_740] : memref<4096x200x128xf32, #tpu.memory_space<any>> -> memref<4096x1x128xf32, #tpu.memory_space<any>>
    %dma_start3A_742 = tpu.memref_squeeze %dma_start3A_741 : memref<4096x1x128xf32, #tpu.memory_space<any>> -> memref<4096x128xf32, #tpu.memory_space<any>>
    tpu.enqueue_dma source(%arg0 : memref<4096x128xf32, #tpu.memory_space<vmem>>) target(%dma_start3A_742 : memref<4096x128xf32, #tpu.memory_space<any>>) target_semaphore(%arg2 : memref<!tpu.dma_semaphore, #tpu.memory_space<semaphore_mem>>)
    %dma_wait3A_743 = arith.constant 66 : i32
    %dma_wait3A_744 = arith.constant 0 : i32
    %dma_wait3A_745 = arith.constant 0 : i32
    %dma_wait3A_746 = tpu.memref_slice %arg1[%dma_wait3A_744, %dma_wait3A_743, %dma_wait3A_745] : memref<4096x200x128xf32, #tpu.memory_space<any>> -> memref<4096x1x128xf32, #tpu.memory_space<any>>
    %dma_wait3A_747 = tpu.memref_squeeze %dma_wait3A_746 : memref<4096x1x128xf32, #tpu.memory_space<any>> -> memref<4096x128xf32, #tpu.memory_space<any>>
    tpu.wait_dma2 semaphore(%arg2 : memref<!tpu.dma_semaphore, #tpu.memory_space<semaphore_mem>>) src(%arg0 : memref<4096x128xf32, #tpu.memory_space<vmem>>) dst(%dma_wait3A_747 : memref<4096x128xf32, #tpu.memory_space<any>>)
    %dma_start3A_748 = arith.constant 83 : i32
    %dma_start3A_749 = arith.constant 0 : i32
    %dma_start3A_750 = arith.constant 0 : i32
    %dma_start3A_751 = tpu.memref_slice %arg1[%dma_start3A_749, %dma_start3A_748, %dma_start3A_750] : memref<4096x200x128xf32, #tpu.memory_space<any>> -> memref<4096x1x128xf32, #tpu.memory_space<any>>
    %dma_start3A_752 = tpu.memref_squeeze %dma_start3A_751 : memref<4096x1x128xf32, #tpu.memory_space<any>> -> memref<4096x128xf32, #tpu.memory_space<any>>
    tpu.enqueue_dma source(%arg0 : memref<4096x128xf32, #tpu.memory_space<vmem>>) target(%dma_start3A_752 : memref<4096x128xf32, #tpu.memory_space<any>>) target_semaphore(%arg2 : memref<!tpu.dma_semaphore, #tpu.memory_space<semaphore_mem>>)
    %dma_wait3A_753 = arith.constant 67 : i32
    %dma_wait3A_754 = arith.constant 0 : i32
    %dma_wait3A_755 = arith.constant 0 : i32
    %dma_wait3A_756 = tpu.memref_slice %arg1[%dma_wait3A_754, %dma_wait3A_753, %dma_wait3A_755] : memref<4096x200x128xf32, #tpu.memory_space<any>> -> memref<4096x1x128xf32, #tpu.memory_space<any>>
    %dma_wait3A_757 = tpu.memref_squeeze %dma_wait3A_756 : memref<4096x1x128xf32, #tpu.memory_space<any>> -> memref<4096x128xf32, #tpu.memory_space<any>>
    tpu.wait_dma2 semaphore(%arg2 : memref<!tpu.dma_semaphore, #tpu.memory_space<semaphore_mem>>) src(%arg0 : memref<4096x128xf32, #tpu.memory_space<vmem>>) dst(%dma_wait3A_757 : memref<4096x128xf32, #tpu.memory_space<any>>)
    %dma_start3A_758 = arith.constant 84 : i32
    %dma_start3A_759 = arith.constant 0 : i32
    %dma_start3A_760 = arith.constant 0 : i32
    %dma_start3A_761 = tpu.memref_slice %arg1[%dma_start3A_759, %dma_start3A_758, %dma_start3A_760] : memref<4096x200x128xf32, #tpu.memory_space<any>> -> memref<4096x1x128xf32, #tpu.memory_space<any>>
    %dma_start3A_762 = tpu.memref_squeeze %dma_start3A_761 : memref<4096x1x128xf32, #tpu.memory_space<any>> -> memref<4096x128xf32, #tpu.memory_space<any>>
    tpu.enqueue_dma source(%arg0 : memref<4096x128xf32, #tpu.memory_space<vmem>>) target(%dma_start3A_762 : memref<4096x128xf32, #tpu.memory_space<any>>) target_semaphore(%arg2 : memref<!tpu.dma_semaphore, #tpu.memory_space<semaphore_mem>>)
    %dma_wait3A_763 = arith.constant 68 : i32
    %dma_wait3A_764 = arith.constant 0 : i32
    %dma_wait3A_765 = arith.constant 0 : i32
    %dma_wait3A_766 = tpu.memref_slice %arg1[%dma_wait3A_764, %dma_wait3A_763, %dma_wait3A_765] : memref<4096x200x128xf32, #tpu.memory_space<any>> -> memref<4096x1x128xf32, #tpu.memory_space<any>>
    %dma_wait3A_767 = tpu.memref_squeeze %dma_wait3A_766 : memref<4096x1x128xf32, #tpu.memory_space<any>> -> memref<4096x128xf32, #tpu.memory_space<any>>
    tpu.wait_dma2 semaphore(%arg2 : memref<!tpu.dma_semaphore, #tpu.memory_space<semaphore_mem>>) src(%arg0 : memref<4096x128xf32, #tpu.memory_space<vmem>>) dst(%dma_wait3A_767 : memref<4096x128xf32, #tpu.memory_space<any>>)
    %dma_start3A_768 = arith.constant 85 : i32
    %dma_start3A_769 = arith.constant 0 : i32
    %dma_start3A_770 = arith.constant 0 : i32
    %dma_start3A_771 = tpu.memref_slice %arg1[%dma_start3A_769, %dma_start3A_768, %dma_start3A_770] : memref<4096x200x128xf32, #tpu.memory_space<any>> -> memref<4096x1x128xf32, #tpu.memory_space<any>>
    %dma_start3A_772 = tpu.memref_squeeze %dma_start3A_771 : memref<4096x1x128xf32, #tpu.memory_space<any>> -> memref<4096x128xf32, #tpu.memory_space<any>>
    tpu.enqueue_dma source(%arg0 : memref<4096x128xf32, #tpu.memory_space<vmem>>) target(%dma_start3A_772 : memref<4096x128xf32, #tpu.memory_space<any>>) target_semaphore(%arg2 : memref<!tpu.dma_semaphore, #tpu.memory_space<semaphore_mem>>)
    %dma_wait3A_773 = arith.constant 69 : i32
    %dma_wait3A_774 = arith.constant 0 : i32
    %dma_wait3A_775 = arith.constant 0 : i32
    %dma_wait3A_776 = tpu.memref_slice %arg1[%dma_wait3A_774, %dma_wait3A_773, %dma_wait3A_775] : memref<4096x200x128xf32, #tpu.memory_space<any>> -> memref<4096x1x128xf32, #tpu.memory_space<any>>
    %dma_wait3A_777 = tpu.memref_squeeze %dma_wait3A_776 : memref<4096x1x128xf32, #tpu.memory_space<any>> -> memref<4096x128xf32, #tpu.memory_space<any>>
    tpu.wait_dma2 semaphore(%arg2 : memref<!tpu.dma_semaphore, #tpu.memory_space<semaphore_mem>>) src(%arg0 : memref<4096x128xf32, #tpu.memory_space<vmem>>) dst(%dma_wait3A_777 : memref<4096x128xf32, #tpu.memory_space<any>>)
    %dma_start3A_778 = arith.constant 86 : i32
    %dma_start3A_779 = arith.constant 0 : i32
    %dma_start3A_780 = arith.constant 0 : i32
    %dma_start3A_781 = tpu.memref_slice %arg1[%dma_start3A_779, %dma_start3A_778, %dma_start3A_780] : memref<4096x200x128xf32, #tpu.memory_space<any>> -> memref<4096x1x128xf32, #tpu.memory_space<any>>
    %dma_start3A_782 = tpu.memref_squeeze %dma_start3A_781 : memref<4096x1x128xf32, #tpu.memory_space<any>> -> memref<4096x128xf32, #tpu.memory_space<any>>
    tpu.enqueue_dma source(%arg0 : memref<4096x128xf32, #tpu.memory_space<vmem>>) target(%dma_start3A_782 : memref<4096x128xf32, #tpu.memory_space<any>>) target_semaphore(%arg2 : memref<!tpu.dma_semaphore, #tpu.memory_space<semaphore_mem>>)
    %dma_wait3A_783 = arith.constant 70 : i32
    %dma_wait3A_784 = arith.constant 0 : i32
    %dma_wait3A_785 = arith.constant 0 : i32
    %dma_wait3A_786 = tpu.memref_slice %arg1[%dma_wait3A_784, %dma_wait3A_783, %dma_wait3A_785] : memref<4096x200x128xf32, #tpu.memory_space<any>> -> memref<4096x1x128xf32, #tpu.memory_space<any>>
    %dma_wait3A_787 = tpu.memref_squeeze %dma_wait3A_786 : memref<4096x1x128xf32, #tpu.memory_space<any>> -> memref<4096x128xf32, #tpu.memory_space<any>>
    tpu.wait_dma2 semaphore(%arg2 : memref<!tpu.dma_semaphore, #tpu.memory_space<semaphore_mem>>) src(%arg0 : memref<4096x128xf32, #tpu.memory_space<vmem>>) dst(%dma_wait3A_787 : memref<4096x128xf32, #tpu.memory_space<any>>)
    %dma_start3A_788 = arith.constant 87 : i32
    %dma_start3A_789 = arith.constant 0 : i32
    %dma_start3A_790 = arith.constant 0 : i32
    %dma_start3A_791 = tpu.memref_slice %arg1[%dma_start3A_789, %dma_start3A_788, %dma_start3A_790] : memref<4096x200x128xf32, #tpu.memory_space<any>> -> memref<4096x1x128xf32, #tpu.memory_space<any>>
    %dma_start3A_792 = tpu.memref_squeeze %dma_start3A_791 : memref<4096x1x128xf32, #tpu.memory_space<any>> -> memref<4096x128xf32, #tpu.memory_space<any>>
    tpu.enqueue_dma source(%arg0 : memref<4096x128xf32, #tpu.memory_space<vmem>>) target(%dma_start3A_792 : memref<4096x128xf32, #tpu.memory_space<any>>) target_semaphore(%arg2 : memref<!tpu.dma_semaphore, #tpu.memory_space<semaphore_mem>>)
    %dma_wait3A_793 = arith.constant 71 : i32
    %dma_wait3A_794 = arith.constant 0 : i32
    %dma_wait3A_795 = arith.constant 0 : i32
    %dma_wait3A_796 = tpu.memref_slice %arg1[%dma_wait3A_794, %dma_wait3A_793, %dma_wait3A_795] : memref<4096x200x128xf32, #tpu.memory_space<any>> -> memref<4096x1x128xf32, #tpu.memory_space<any>>
    %dma_wait3A_797 = tpu.memref_squeeze %dma_wait3A_796 : memref<4096x1x128xf32, #tpu.memory_space<any>> -> memref<4096x128xf32, #tpu.memory_space<any>>
    tpu.wait_dma2 semaphore(%arg2 : memref<!tpu.dma_semaphore, #tpu.memory_space<semaphore_mem>>) src(%arg0 : memref<4096x128xf32, #tpu.memory_space<vmem>>) dst(%dma_wait3A_797 : memref<4096x128xf32, #tpu.memory_space<any>>)
    %dma_start3A_798 = arith.constant 88 : i32
    %dma_start3A_799 = arith.constant 0 : i32
    %dma_start3A_800 = arith.constant 0 : i32
    %dma_start3A_801 = tpu.memref_slice %arg1[%dma_start3A_799, %dma_start3A_798, %dma_start3A_800] : memref<4096x200x128xf32, #tpu.memory_space<any>> -> memref<4096x1x128xf32, #tpu.memory_space<any>>
    %dma_start3A_802 = tpu.memref_squeeze %dma_start3A_801 : memref<4096x1x128xf32, #tpu.memory_space<any>> -> memref<4096x128xf32, #tpu.memory_space<any>>
    tpu.enqueue_dma source(%arg0 : memref<4096x128xf32, #tpu.memory_space<vmem>>) target(%dma_start3A_802 : memref<4096x128xf32, #tpu.memory_space<any>>) target_semaphore(%arg2 : memref<!tpu.dma_semaphore, #tpu.memory_space<semaphore_mem>>)
    %dma_wait3A_803 = arith.constant 72 : i32
    %dma_wait3A_804 = arith.constant 0 : i32
    %dma_wait3A_805 = arith.constant 0 : i32
    %dma_wait3A_806 = tpu.memref_slice %arg1[%dma_wait3A_804, %dma_wait3A_803, %dma_wait3A_805] : memref<4096x200x128xf32, #tpu.memory_space<any>> -> memref<4096x1x128xf32, #tpu.memory_space<any>>
    %dma_wait3A_807 = tpu.memref_squeeze %dma_wait3A_806 : memref<4096x1x128xf32, #tpu.memory_space<any>> -> memref<4096x128xf32, #tpu.memory_space<any>>
    tpu.wait_dma2 semaphore(%arg2 : memref<!tpu.dma_semaphore, #tpu.memory_space<semaphore_mem>>) src(%arg0 : memref<4096x128xf32, #tpu.memory_space<vmem>>) dst(%dma_wait3A_807 : memref<4096x128xf32, #tpu.memory_space<any>>)
    %dma_start3A_808 = arith.constant 89 : i32
    %dma_start3A_809 = arith.constant 0 : i32
    %dma_start3A_810 = arith.constant 0 : i32
    %dma_start3A_811 = tpu.memref_slice %arg1[%dma_start3A_809, %dma_start3A_808, %dma_start3A_810] : memref<4096x200x128xf32, #tpu.memory_space<any>> -> memref<4096x1x128xf32, #tpu.memory_space<any>>
    %dma_start3A_812 = tpu.memref_squeeze %dma_start3A_811 : memref<4096x1x128xf32, #tpu.memory_space<any>> -> memref<4096x128xf32, #tpu.memory_space<any>>
    tpu.enqueue_dma source(%arg0 : memref<4096x128xf32, #tpu.memory_space<vmem>>) target(%dma_start3A_812 : memref<4096x128xf32, #tpu.memory_space<any>>) target_semaphore(%arg2 : memref<!tpu.dma_semaphore, #tpu.memory_space<semaphore_mem>>)
    %dma_wait3A_813 = arith.constant 73 : i32
    %dma_wait3A_814 = arith.constant 0 : i32
    %dma_wait3A_815 = arith.constant 0 : i32
    %dma_wait3A_816 = tpu.memref_slice %arg1[%dma_wait3A_814, %dma_wait3A_813, %dma_wait3A_815] : memref<4096x200x128xf32, #tpu.memory_space<any>> -> memref<4096x1x128xf32, #tpu.memory_space<any>>
    %dma_wait3A_817 = tpu.memref_squeeze %dma_wait3A_816 : memref<4096x1x128xf32, #tpu.memory_space<any>> -> memref<4096x128xf32, #tpu.memory_space<any>>
    tpu.wait_dma2 semaphore(%arg2 : memref<!tpu.dma_semaphore, #tpu.memory_space<semaphore_mem>>) src(%arg0 : memref<4096x128xf32, #tpu.memory_space<vmem>>) dst(%dma_wait3A_817 : memref<4096x128xf32, #tpu.memory_space<any>>)
    %dma_start3A_818 = arith.constant 90 : i32
    %dma_start3A_819 = arith.constant 0 : i32
    %dma_start3A_820 = arith.constant 0 : i32
    %dma_start3A_821 = tpu.memref_slice %arg1[%dma_start3A_819, %dma_start3A_818, %dma_start3A_820] : memref<4096x200x128xf32, #tpu.memory_space<any>> -> memref<4096x1x128xf32, #tpu.memory_space<any>>
    %dma_start3A_822 = tpu.memref_squeeze %dma_start3A_821 : memref<4096x1x128xf32, #tpu.memory_space<any>> -> memref<4096x128xf32, #tpu.memory_space<any>>
    tpu.enqueue_dma source(%arg0 : memref<4096x128xf32, #tpu.memory_space<vmem>>) target(%dma_start3A_822 : memref<4096x128xf32, #tpu.memory_space<any>>) target_semaphore(%arg2 : memref<!tpu.dma_semaphore, #tpu.memory_space<semaphore_mem>>)
    %dma_wait3A_823 = arith.constant 74 : i32
    %dma_wait3A_824 = arith.constant 0 : i32
    %dma_wait3A_825 = arith.constant 0 : i32
    %dma_wait3A_826 = tpu.memref_slice %arg1[%dma_wait3A_824, %dma_wait3A_823, %dma_wait3A_825] : memref<4096x200x128xf32, #tpu.memory_space<any>> -> memref<4096x1x128xf32, #tpu.memory_space<any>>
    %dma_wait3A_827 = tpu.memref_squeeze %dma_wait3A_826 : memref<4096x1x128xf32, #tpu.memory_space<any>> -> memref<4096x128xf32, #tpu.memory_space<any>>
    tpu.wait_dma2 semaphore(%arg2 : memref<!tpu.dma_semaphore, #tpu.memory_space<semaphore_mem>>) src(%arg0 : memref<4096x128xf32, #tpu.memory_space<vmem>>) dst(%dma_wait3A_827 : memref<4096x128xf32, #tpu.memory_space<any>>)
    %dma_start3A_828 = arith.constant 91 : i32
    %dma_start3A_829 = arith.constant 0 : i32
    %dma_start3A_830 = arith.constant 0 : i32
    %dma_start3A_831 = tpu.memref_slice %arg1[%dma_start3A_829, %dma_start3A_828, %dma_start3A_830] : memref<4096x200x128xf32, #tpu.memory_space<any>> -> memref<4096x1x128xf32, #tpu.memory_space<any>>
    %dma_start3A_832 = tpu.memref_squeeze %dma_start3A_831 : memref<4096x1x128xf32, #tpu.memory_space<any>> -> memref<4096x128xf32, #tpu.memory_space<any>>
    tpu.enqueue_dma source(%arg0 : memref<4096x128xf32, #tpu.memory_space<vmem>>) target(%dma_start3A_832 : memref<4096x128xf32, #tpu.memory_space<any>>) target_semaphore(%arg2 : memref<!tpu.dma_semaphore, #tpu.memory_space<semaphore_mem>>)
    %dma_wait3A_833 = arith.constant 75 : i32
    %dma_wait3A_834 = arith.constant 0 : i32
    %dma_wait3A_835 = arith.constant 0 : i32
    %dma_wait3A_836 = tpu.memref_slice %arg1[%dma_wait3A_834, %dma_wait3A_833, %dma_wait3A_835] : memref<4096x200x128xf32, #tpu.memory_space<any>> -> memref<4096x1x128xf32, #tpu.memory_space<any>>
    %dma_wait3A_837 = tpu.memref_squeeze %dma_wait3A_836 : memref<4096x1x128xf32, #tpu.memory_space<any>> -> memref<4096x128xf32, #tpu.memory_space<any>>
    tpu.wait_dma2 semaphore(%arg2 : memref<!tpu.dma_semaphore, #tpu.memory_space<semaphore_mem>>) src(%arg0 : memref<4096x128xf32, #tpu.memory_space<vmem>>) dst(%dma_wait3A_837 : memref<4096x128xf32, #tpu.memory_space<any>>)
    %dma_start3A_838 = arith.constant 92 : i32
    %dma_start3A_839 = arith.constant 0 : i32
    %dma_start3A_840 = arith.constant 0 : i32
    %dma_start3A_841 = tpu.memref_slice %arg1[%dma_start3A_839, %dma_start3A_838, %dma_start3A_840] : memref<4096x200x128xf32, #tpu.memory_space<any>> -> memref<4096x1x128xf32, #tpu.memory_space<any>>
    %dma_start3A_842 = tpu.memref_squeeze %dma_start3A_841 : memref<4096x1x128xf32, #tpu.memory_space<any>> -> memref<4096x128xf32, #tpu.memory_space<any>>
    tpu.enqueue_dma source(%arg0 : memref<4096x128xf32, #tpu.memory_space<vmem>>) target(%dma_start3A_842 : memref<4096x128xf32, #tpu.memory_space<any>>) target_semaphore(%arg2 : memref<!tpu.dma_semaphore, #tpu.memory_space<semaphore_mem>>)
    %dma_wait3A_843 = arith.constant 76 : i32
    %dma_wait3A_844 = arith.constant 0 : i32
    %dma_wait3A_845 = arith.constant 0 : i32
    %dma_wait3A_846 = tpu.memref_slice %arg1[%dma_wait3A_844, %dma_wait3A_843, %dma_wait3A_845] : memref<4096x200x128xf32, #tpu.memory_space<any>> -> memref<4096x1x128xf32, #tpu.memory_space<any>>
    %dma_wait3A_847 = tpu.memref_squeeze %dma_wait3A_846 : memref<4096x1x128xf32, #tpu.memory_space<any>> -> memref<4096x128xf32, #tpu.memory_space<any>>
    tpu.wait_dma2 semaphore(%arg2 : memref<!tpu.dma_semaphore, #tpu.memory_space<semaphore_mem>>) src(%arg0 : memref<4096x128xf32, #tpu.memory_space<vmem>>) dst(%dma_wait3A_847 : memref<4096x128xf32, #tpu.memory_space<any>>)
    %dma_start3A_848 = arith.constant 93 : i32
    %dma_start3A_849 = arith.constant 0 : i32
    %dma_start3A_850 = arith.constant 0 : i32
    %dma_start3A_851 = tpu.memref_slice %arg1[%dma_start3A_849, %dma_start3A_848, %dma_start3A_850] : memref<4096x200x128xf32, #tpu.memory_space<any>> -> memref<4096x1x128xf32, #tpu.memory_space<any>>
    %dma_start3A_852 = tpu.memref_squeeze %dma_start3A_851 : memref<4096x1x128xf32, #tpu.memory_space<any>> -> memref<4096x128xf32, #tpu.memory_space<any>>
    tpu.enqueue_dma source(%arg0 : memref<4096x128xf32, #tpu.memory_space<vmem>>) target(%dma_start3A_852 : memref<4096x128xf32, #tpu.memory_space<any>>) target_semaphore(%arg2 : memref<!tpu.dma_semaphore, #tpu.memory_space<semaphore_mem>>)
    %dma_wait3A_853 = arith.constant 77 : i32
    %dma_wait3A_854 = arith.constant 0 : i32
    %dma_wait3A_855 = arith.constant 0 : i32
    %dma_wait3A_856 = tpu.memref_slice %arg1[%dma_wait3A_854, %dma_wait3A_853, %dma_wait3A_855] : memref<4096x200x128xf32, #tpu.memory_space<any>> -> memref<4096x1x128xf32, #tpu.memory_space<any>>
    %dma_wait3A_857 = tpu.memref_squeeze %dma_wait3A_856 : memref<4096x1x128xf32, #tpu.memory_space<any>> -> memref<4096x128xf32, #tpu.memory_space<any>>
    tpu.wait_dma2 semaphore(%arg2 : memref<!tpu.dma_semaphore, #tpu.memory_space<semaphore_mem>>) src(%arg0 : memref<4096x128xf32, #tpu.memory_space<vmem>>) dst(%dma_wait3A_857 : memref<4096x128xf32, #tpu.memory_space<any>>)
    %dma_start3A_858 = arith.constant 94 : i32
    %dma_start3A_859 = arith.constant 0 : i32
    %dma_start3A_860 = arith.constant 0 : i32
    %dma_start3A_861 = tpu.memref_slice %arg1[%dma_start3A_859, %dma_start3A_858, %dma_start3A_860] : memref<4096x200x128xf32, #tpu.memory_space<any>> -> memref<4096x1x128xf32, #tpu.memory_space<any>>
    %dma_start3A_862 = tpu.memref_squeeze %dma_start3A_861 : memref<4096x1x128xf32, #tpu.memory_space<any>> -> memref<4096x128xf32, #tpu.memory_space<any>>
    tpu.enqueue_dma source(%arg0 : memref<4096x128xf32, #tpu.memory_space<vmem>>) target(%dma_start3A_862 : memref<4096x128xf32, #tpu.memory_space<any>>) target_semaphore(%arg2 : memref<!tpu.dma_semaphore, #tpu.memory_space<semaphore_mem>>)
    %dma_wait3A_863 = arith.constant 78 : i32
    %dma_wait3A_864 = arith.constant 0 : i32
    %dma_wait3A_865 = arith.constant 0 : i32
    %dma_wait3A_866 = tpu.memref_slice %arg1[%dma_wait3A_864, %dma_wait3A_863, %dma_wait3A_865] : memref<4096x200x128xf32, #tpu.memory_space<any>> -> memref<4096x1x128xf32, #tpu.memory_space<any>>
    %dma_wait3A_867 = tpu.memref_squeeze %dma_wait3A_866 : memref<4096x1x128xf32, #tpu.memory_space<any>> -> memref<4096x128xf32, #tpu.memory_space<any>>
    tpu.wait_dma2 semaphore(%arg2 : memref<!tpu.dma_semaphore, #tpu.memory_space<semaphore_mem>>) src(%arg0 : memref<4096x128xf32, #tpu.memory_space<vmem>>) dst(%dma_wait3A_867 : memref<4096x128xf32, #tpu.memory_space<any>>)
    %dma_start3A_868 = arith.constant 95 : i32
    %dma_start3A_869 = arith.constant 0 : i32
    %dma_start3A_870 = arith.constant 0 : i32
    %dma_start3A_871 = tpu.memref_slice %arg1[%dma_start3A_869, %dma_start3A_868, %dma_start3A_870] : memref<4096x200x128xf32, #tpu.memory_space<any>> -> memref<4096x1x128xf32, #tpu.memory_space<any>>
    %dma_start3A_872 = tpu.memref_squeeze %dma_start3A_871 : memref<4096x1x128xf32, #tpu.memory_space<any>> -> memref<4096x128xf32, #tpu.memory_space<any>>
    tpu.enqueue_dma source(%arg0 : memref<4096x128xf32, #tpu.memory_space<vmem>>) target(%dma_start3A_872 : memref<4096x128xf32, #tpu.memory_space<any>>) target_semaphore(%arg2 : memref<!tpu.dma_semaphore, #tpu.memory_space<semaphore_mem>>)
    %dma_wait3A_873 = arith.constant 79 : i32
    %dma_wait3A_874 = arith.constant 0 : i32
    %dma_wait3A_875 = arith.constant 0 : i32
    %dma_wait3A_876 = tpu.memref_slice %arg1[%dma_wait3A_874, %dma_wait3A_873, %dma_wait3A_875] : memref<4096x200x128xf32, #tpu.memory_space<any>> -> memref<4096x1x128xf32, #tpu.memory_space<any>>
    %dma_wait3A_877 = tpu.memref_squeeze %dma_wait3A_876 : memref<4096x1x128xf32, #tpu.memory_space<any>> -> memref<4096x128xf32, #tpu.memory_space<any>>
    tpu.wait_dma2 semaphore(%arg2 : memref<!tpu.dma_semaphore, #tpu.memory_space<semaphore_mem>>) src(%arg0 : memref<4096x128xf32, #tpu.memory_space<vmem>>) dst(%dma_wait3A_877 : memref<4096x128xf32, #tpu.memory_space<any>>)
    %dma_start3A_878 = arith.constant 96 : i32
    %dma_start3A_879 = arith.constant 0 : i32
    %dma_start3A_880 = arith.constant 0 : i32
    %dma_start3A_881 = tpu.memref_slice %arg1[%dma_start3A_879, %dma_start3A_878, %dma_start3A_880] : memref<4096x200x128xf32, #tpu.memory_space<any>> -> memref<4096x1x128xf32, #tpu.memory_space<any>>
    %dma_start3A_882 = tpu.memref_squeeze %dma_start3A_881 : memref<4096x1x128xf32, #tpu.memory_space<any>> -> memref<4096x128xf32, #tpu.memory_space<any>>
    tpu.enqueue_dma source(%arg0 : memref<4096x128xf32, #tpu.memory_space<vmem>>) target(%dma_start3A_882 : memref<4096x128xf32, #tpu.memory_space<any>>) target_semaphore(%arg2 : memref<!tpu.dma_semaphore, #tpu.memory_space<semaphore_mem>>)
    %dma_wait3A_883 = arith.constant 80 : i32
    %dma_wait3A_884 = arith.constant 0 : i32
    %dma_wait3A_885 = arith.constant 0 : i32
    %dma_wait3A_886 = tpu.memref_slice %arg1[%dma_wait3A_884, %dma_wait3A_883, %dma_wait3A_885] : memref<4096x200x128xf32, #tpu.memory_space<any>> -> memref<4096x1x128xf32, #tpu.memory_space<any>>
    %dma_wait3A_887 = tpu.memref_squeeze %dma_wait3A_886 : memref<4096x1x128xf32, #tpu.memory_space<any>> -> memref<4096x128xf32, #tpu.memory_space<any>>
    tpu.wait_dma2 semaphore(%arg2 : memref<!tpu.dma_semaphore, #tpu.memory_space<semaphore_mem>>) src(%arg0 : memref<4096x128xf32, #tpu.memory_space<vmem>>) dst(%dma_wait3A_887 : memref<4096x128xf32, #tpu.memory_space<any>>)
    %dma_start3A_888 = arith.constant 97 : i32
    %dma_start3A_889 = arith.constant 0 : i32
    %dma_start3A_890 = arith.constant 0 : i32
    %dma_start3A_891 = tpu.memref_slice %arg1[%dma_start3A_889, %dma_start3A_888, %dma_start3A_890] : memref<4096x200x128xf32, #tpu.memory_space<any>> -> memref<4096x1x128xf32, #tpu.memory_space<any>>
    %dma_start3A_892 = tpu.memref_squeeze %dma_start3A_891 : memref<4096x1x128xf32, #tpu.memory_space<any>> -> memref<4096x128xf32, #tpu.memory_space<any>>
    tpu.enqueue_dma source(%arg0 : memref<4096x128xf32, #tpu.memory_space<vmem>>) target(%dma_start3A_892 : memref<4096x128xf32, #tpu.memory_space<any>>) target_semaphore(%arg2 : memref<!tpu.dma_semaphore, #tpu.memory_space<semaphore_mem>>)
    %dma_wait3A_893 = arith.constant 81 : i32
    %dma_wait3A_894 = arith.constant 0 : i32
    %dma_wait3A_895 = arith.constant 0 : i32
    %dma_wait3A_896 = tpu.memref_slice %arg1[%dma_wait3A_894, %dma_wait3A_893, %dma_wait3A_895] : memref<4096x200x128xf32, #tpu.memory_space<any>> -> memref<4096x1x128xf32, #tpu.memory_space<any>>
    %dma_wait3A_897 = tpu.memref_squeeze %dma_wait3A_896 : memref<4096x1x128xf32, #tpu.memory_space<any>> -> memref<4096x128xf32, #tpu.memory_space<any>>
    tpu.wait_dma2 semaphore(%arg2 : memref<!tpu.dma_semaphore, #tpu.memory_space<semaphore_mem>>) src(%arg0 : memref<4096x128xf32, #tpu.memory_space<vmem>>) dst(%dma_wait3A_897 : memref<4096x128xf32, #tpu.memory_space<any>>)
    %dma_start3A_898 = arith.constant 98 : i32
    %dma_start3A_899 = arith.constant 0 : i32
    %dma_start3A_900 = arith.constant 0 : i32
    %dma_start3A_901 = tpu.memref_slice %arg1[%dma_start3A_899, %dma_start3A_898, %dma_start3A_900] : memref<4096x200x128xf32, #tpu.memory_space<any>> -> memref<4096x1x128xf32, #tpu.memory_space<any>>
    %dma_start3A_902 = tpu.memref_squeeze %dma_start3A_901 : memref<4096x1x128xf32, #tpu.memory_space<any>> -> memref<4096x128xf32, #tpu.memory_space<any>>
    tpu.enqueue_dma source(%arg0 : memref<4096x128xf32, #tpu.memory_space<vmem>>) target(%dma_start3A_902 : memref<4096x128xf32, #tpu.memory_space<any>>) target_semaphore(%arg2 : memref<!tpu.dma_semaphore, #tpu.memory_space<semaphore_mem>>)
    %dma_wait3A_903 = arith.constant 82 : i32
    %dma_wait3A_904 = arith.constant 0 : i32
    %dma_wait3A_905 = arith.constant 0 : i32
    %dma_wait3A_906 = tpu.memref_slice %arg1[%dma_wait3A_904, %dma_wait3A_903, %dma_wait3A_905] : memref<4096x200x128xf32, #tpu.memory_space<any>> -> memref<4096x1x128xf32, #tpu.memory_space<any>>
    %dma_wait3A_907 = tpu.memref_squeeze %dma_wait3A_906 : memref<4096x1x128xf32, #tpu.memory_space<any>> -> memref<4096x128xf32, #tpu.memory_space<any>>
    tpu.wait_dma2 semaphore(%arg2 : memref<!tpu.dma_semaphore, #tpu.memory_space<semaphore_mem>>) src(%arg0 : memref<4096x128xf32, #tpu.memory_space<vmem>>) dst(%dma_wait3A_907 : memref<4096x128xf32, #tpu.memory_space<any>>)
    %dma_start3A_908 = arith.constant 99 : i32
    %dma_start3A_909 = arith.constant 0 : i32
    %dma_start3A_910 = arith.constant 0 : i32
    %dma_start3A_911 = tpu.memref_slice %arg1[%dma_start3A_909, %dma_start3A_908, %dma_start3A_910] : memref<4096x200x128xf32, #tpu.memory_space<any>> -> memref<4096x1x128xf32, #tpu.memory_space<any>>
    %dma_start3A_912 = tpu.memref_squeeze %dma_start3A_911 : memref<4096x1x128xf32, #tpu.memory_space<any>> -> memref<4096x128xf32, #tpu.memory_space<any>>
    tpu.enqueue_dma source(%arg0 : memref<4096x128xf32, #tpu.memory_space<vmem>>) target(%dma_start3A_912 : memref<4096x128xf32, #tpu.memory_space<any>>) target_semaphore(%arg2 : memref<!tpu.dma_semaphore, #tpu.memory_space<semaphore_mem>>)
    %dma_wait3A_913 = arith.constant 83 : i32
    %dma_wait3A_914 = arith.constant 0 : i32
    %dma_wait3A_915 = arith.constant 0 : i32
    %dma_wait3A_916 = tpu.memref_slice %arg1[%dma_wait3A_914, %dma_wait3A_913, %dma_wait3A_915] : memref<4096x200x128xf32, #tpu.memory_space<any>> -> memref<4096x1x128xf32, #tpu.memory_space<any>>
    %dma_wait3A_917 = tpu.memref_squeeze %dma_wait3A_916 : memref<4096x1x128xf32, #tpu.memory_space<any>> -> memref<4096x128xf32, #tpu.memory_space<any>>
    tpu.wait_dma2 semaphore(%arg2 : memref<!tpu.dma_semaphore, #tpu.memory_space<semaphore_mem>>) src(%arg0 : memref<4096x128xf32, #tpu.memory_space<vmem>>) dst(%dma_wait3A_917 : memref<4096x128xf32, #tpu.memory_space<any>>)
    %dma_start3A_918 = arith.constant 100 : i32
    %dma_start3A_919 = arith.constant 0 : i32
    %dma_start3A_920 = arith.constant 0 : i32
    %dma_start3A_921 = tpu.memref_slice %arg1[%dma_start3A_919, %dma_start3A_918, %dma_start3A_920] : memref<4096x200x128xf32, #tpu.memory_space<any>> -> memref<4096x1x128xf32, #tpu.memory_space<any>>
    %dma_start3A_922 = tpu.memref_squeeze %dma_start3A_921 : memref<4096x1x128xf32, #tpu.memory_space<any>> -> memref<4096x128xf32, #tpu.memory_space<any>>
    tpu.enqueue_dma source(%arg0 : memref<4096x128xf32, #tpu.memory_space<vmem>>) target(%dma_start3A_922 : memref<4096x128xf32, #tpu.memory_space<any>>) target_semaphore(%arg2 : memref<!tpu.dma_semaphore, #tpu.memory_space<semaphore_mem>>)
    %dma_wait3A_923 = arith.constant 84 : i32
    %dma_wait3A_924 = arith.constant 0 : i32
    %dma_wait3A_925 = arith.constant 0 : i32
    %dma_wait3A_926 = tpu.memref_slice %arg1[%dma_wait3A_924, %dma_wait3A_923, %dma_wait3A_925] : memref<4096x200x128xf32, #tpu.memory_space<any>> -> memref<4096x1x128xf32, #tpu.memory_space<any>>
    %dma_wait3A_927 = tpu.memref_squeeze %dma_wait3A_926 : memref<4096x1x128xf32, #tpu.memory_space<any>> -> memref<4096x128xf32, #tpu.memory_space<any>>
    tpu.wait_dma2 semaphore(%arg2 : memref<!tpu.dma_semaphore, #tpu.memory_space<semaphore_mem>>) src(%arg0 : memref<4096x128xf32, #tpu.memory_space<vmem>>) dst(%dma_wait3A_927 : memref<4096x128xf32, #tpu.memory_space<any>>)
    %dma_start3A_928 = arith.constant 101 : i32
    %dma_start3A_929 = arith.constant 0 : i32
    %dma_start3A_930 = arith.constant 0 : i32
    %dma_start3A_931 = tpu.memref_slice %arg1[%dma_start3A_929, %dma_start3A_928, %dma_start3A_930] : memref<4096x200x128xf32, #tpu.memory_space<any>> -> memref<4096x1x128xf32, #tpu.memory_space<any>>
    %dma_start3A_932 = tpu.memref_squeeze %dma_start3A_931 : memref<4096x1x128xf32, #tpu.memory_space<any>> -> memref<4096x128xf32, #tpu.memory_space<any>>
    tpu.enqueue_dma source(%arg0 : memref<4096x128xf32, #tpu.memory_space<vmem>>) target(%dma_start3A_932 : memref<4096x128xf32, #tpu.memory_space<any>>) target_semaphore(%arg2 : memref<!tpu.dma_semaphore, #tpu.memory_space<semaphore_mem>>)
    %dma_wait3A_933 = arith.constant 85 : i32
    %dma_wait3A_934 = arith.constant 0 : i32
    %dma_wait3A_935 = arith.constant 0 : i32
    %dma_wait3A_936 = tpu.memref_slice %arg1[%dma_wait3A_934, %dma_wait3A_933, %dma_wait3A_935] : memref<4096x200x128xf32, #tpu.memory_space<any>> -> memref<4096x1x128xf32, #tpu.memory_space<any>>
    %dma_wait3A_937 = tpu.memref_squeeze %dma_wait3A_936 : memref<4096x1x128xf32, #tpu.memory_space<any>> -> memref<4096x128xf32, #tpu.memory_space<any>>
    tpu.wait_dma2 semaphore(%arg2 : memref<!tpu.dma_semaphore, #tpu.memory_space<semaphore_mem>>) src(%arg0 : memref<4096x128xf32, #tpu.memory_space<vmem>>) dst(%dma_wait3A_937 : memref<4096x128xf32, #tpu.memory_space<any>>)
    %dma_start3A_938 = arith.constant 102 : i32
    %dma_start3A_939 = arith.constant 0 : i32
    %dma_start3A_940 = arith.constant 0 : i32
    %dma_start3A_941 = tpu.memref_slice %arg1[%dma_start3A_939, %dma_start3A_938, %dma_start3A_940] : memref<4096x200x128xf32, #tpu.memory_space<any>> -> memref<4096x1x128xf32, #tpu.memory_space<any>>
    %dma_start3A_942 = tpu.memref_squeeze %dma_start3A_941 : memref<4096x1x128xf32, #tpu.memory_space<any>> -> memref<4096x128xf32, #tpu.memory_space<any>>
    tpu.enqueue_dma source(%arg0 : memref<4096x128xf32, #tpu.memory_space<vmem>>) target(%dma_start3A_942 : memref<4096x128xf32, #tpu.memory_space<any>>) target_semaphore(%arg2 : memref<!tpu.dma_semaphore, #tpu.memory_space<semaphore_mem>>)
    %dma_wait3A_943 = arith.constant 86 : i32
    %dma_wait3A_944 = arith.constant 0 : i32
    %dma_wait3A_945 = arith.constant 0 : i32
    %dma_wait3A_946 = tpu.memref_slice %arg1[%dma_wait3A_944, %dma_wait3A_943, %dma_wait3A_945] : memref<4096x200x128xf32, #tpu.memory_space<any>> -> memref<4096x1x128xf32, #tpu.memory_space<any>>
    %dma_wait3A_947 = tpu.memref_squeeze %dma_wait3A_946 : memref<4096x1x128xf32, #tpu.memory_space<any>> -> memref<4096x128xf32, #tpu.memory_space<any>>
    tpu.wait_dma2 semaphore(%arg2 : memref<!tpu.dma_semaphore, #tpu.memory_space<semaphore_mem>>) src(%arg0 : memref<4096x128xf32, #tpu.memory_space<vmem>>) dst(%dma_wait3A_947 : memref<4096x128xf32, #tpu.memory_space<any>>)
    %dma_start3A_948 = arith.constant 103 : i32
    %dma_start3A_949 = arith.constant 0 : i32
    %dma_start3A_950 = arith.constant 0 : i32
    %dma_start3A_951 = tpu.memref_slice %arg1[%dma_start3A_949, %dma_start3A_948, %dma_start3A_950] : memref<4096x200x128xf32, #tpu.memory_space<any>> -> memref<4096x1x128xf32, #tpu.memory_space<any>>
    %dma_start3A_952 = tpu.memref_squeeze %dma_start3A_951 : memref<4096x1x128xf32, #tpu.memory_space<any>> -> memref<4096x128xf32, #tpu.memory_space<any>>
    tpu.enqueue_dma source(%arg0 : memref<4096x128xf32, #tpu.memory_space<vmem>>) target(%dma_start3A_952 : memref<4096x128xf32, #tpu.memory_space<any>>) target_semaphore(%arg2 : memref<!tpu.dma_semaphore, #tpu.memory_space<semaphore_mem>>)
    %dma_wait3A_953 = arith.constant 87 : i32
    %dma_wait3A_954 = arith.constant 0 : i32
    %dma_wait3A_955 = arith.constant 0 : i32
    %dma_wait3A_956 = tpu.memref_slice %arg1[%dma_wait3A_954, %dma_wait3A_953, %dma_wait3A_955] : memref<4096x200x128xf32, #tpu.memory_space<any>> -> memref<4096x1x128xf32, #tpu.memory_space<any>>
    %dma_wait3A_957 = tpu.memref_squeeze %dma_wait3A_956 : memref<4096x1x128xf32, #tpu.memory_space<any>> -> memref<4096x128xf32, #tpu.memory_space<any>>
    tpu.wait_dma2 semaphore(%arg2 : memref<!tpu.dma_semaphore, #tpu.memory_space<semaphore_mem>>) src(%arg0 : memref<4096x128xf32, #tpu.memory_space<vmem>>) dst(%dma_wait3A_957 : memref<4096x128xf32, #tpu.memory_space<any>>)
    %dma_start3A_958 = arith.constant 104 : i32
    %dma_start3A_959 = arith.constant 0 : i32
    %dma_start3A_960 = arith.constant 0 : i32
    %dma_start3A_961 = tpu.memref_slice %arg1[%dma_start3A_959, %dma_start3A_958, %dma_start3A_960] : memref<4096x200x128xf32, #tpu.memory_space<any>> -> memref<4096x1x128xf32, #tpu.memory_space<any>>
    %dma_start3A_962 = tpu.memref_squeeze %dma_start3A_961 : memref<4096x1x128xf32, #tpu.memory_space<any>> -> memref<4096x128xf32, #tpu.memory_space<any>>
    tpu.enqueue_dma source(%arg0 : memref<4096x128xf32, #tpu.memory_space<vmem>>) target(%dma_start3A_962 : memref<4096x128xf32, #tpu.memory_space<any>>) target_semaphore(%arg2 : memref<!tpu.dma_semaphore, #tpu.memory_space<semaphore_mem>>)
    %dma_wait3A_963 = arith.constant 88 : i32
    %dma_wait3A_964 = arith.constant 0 : i32
    %dma_wait3A_965 = arith.constant 0 : i32
    %dma_wait3A_966 = tpu.memref_slice %arg1[%dma_wait3A_964, %dma_wait3A_963, %dma_wait3A_965] : memref<4096x200x128xf32, #tpu.memory_space<any>> -> memref<4096x1x128xf32, #tpu.memory_space<any>>
    %dma_wait3A_967 = tpu.memref_squeeze %dma_wait3A_966 : memref<4096x1x128xf32, #tpu.memory_space<any>> -> memref<4096x128xf32, #tpu.memory_space<any>>
    tpu.wait_dma2 semaphore(%arg2 : memref<!tpu.dma_semaphore, #tpu.memory_space<semaphore_mem>>) src(%arg0 : memref<4096x128xf32, #tpu.memory_space<vmem>>) dst(%dma_wait3A_967 : memref<4096x128xf32, #tpu.memory_space<any>>)
    %dma_start3A_968 = arith.constant 105 : i32
    %dma_start3A_969 = arith.constant 0 : i32
    %dma_start3A_970 = arith.constant 0 : i32
    %dma_start3A_971 = tpu.memref_slice %arg1[%dma_start3A_969, %dma_start3A_968, %dma_start3A_970] : memref<4096x200x128xf32, #tpu.memory_space<any>> -> memref<4096x1x128xf32, #tpu.memory_space<any>>
    %dma_start3A_972 = tpu.memref_squeeze %dma_start3A_971 : memref<4096x1x128xf32, #tpu.memory_space<any>> -> memref<4096x128xf32, #tpu.memory_space<any>>
    tpu.enqueue_dma source(%arg0 : memref<4096x128xf32, #tpu.memory_space<vmem>>) target(%dma_start3A_972 : memref<4096x128xf32, #tpu.memory_space<any>>) target_semaphore(%arg2 : memref<!tpu.dma_semaphore, #tpu.memory_space<semaphore_mem>>)
    %dma_wait3A_973 = arith.constant 89 : i32
    %dma_wait3A_974 = arith.constant 0 : i32
    %dma_wait3A_975 = arith.constant 0 : i32
    %dma_wait3A_976 = tpu.memref_slice %arg1[%dma_wait3A_974, %dma_wait3A_973, %dma_wait3A_975] : memref<4096x200x128xf32, #tpu.memory_space<any>> -> memref<4096x1x128xf32, #tpu.memory_space<any>>
    %dma_wait3A_977 = tpu.memref_squeeze %dma_wait3A_976 : memref<4096x1x128xf32, #tpu.memory_space<any>> -> memref<4096x128xf32, #tpu.memory_space<any>>
    tpu.wait_dma2 semaphore(%arg2 : memref<!tpu.dma_semaphore, #tpu.memory_space<semaphore_mem>>) src(%arg0 : memref<4096x128xf32, #tpu.memory_space<vmem>>) dst(%dma_wait3A_977 : memref<4096x128xf32, #tpu.memory_space<any>>)
    %dma_start3A_978 = arith.constant 106 : i32
    %dma_start3A_979 = arith.constant 0 : i32
    %dma_start3A_980 = arith.constant 0 : i32
    %dma_start3A_981 = tpu.memref_slice %arg1[%dma_start3A_979, %dma_start3A_978, %dma_start3A_980] : memref<4096x200x128xf32, #tpu.memory_space<any>> -> memref<4096x1x128xf32, #tpu.memory_space<any>>
    %dma_start3A_982 = tpu.memref_squeeze %dma_start3A_981 : memref<4096x1x128xf32, #tpu.memory_space<any>> -> memref<4096x128xf32, #tpu.memory_space<any>>
    tpu.enqueue_dma source(%arg0 : memref<4096x128xf32, #tpu.memory_space<vmem>>) target(%dma_start3A_982 : memref<4096x128xf32, #tpu.memory_space<any>>) target_semaphore(%arg2 : memref<!tpu.dma_semaphore, #tpu.memory_space<semaphore_mem>>)
    %dma_wait3A_983 = arith.constant 90 : i32
    %dma_wait3A_984 = arith.constant 0 : i32
    %dma_wait3A_985 = arith.constant 0 : i32
    %dma_wait3A_986 = tpu.memref_slice %arg1[%dma_wait3A_984, %dma_wait3A_983, %dma_wait3A_985] : memref<4096x200x128xf32, #tpu.memory_space<any>> -> memref<4096x1x128xf32, #tpu.memory_space<any>>
    %dma_wait3A_987 = tpu.memref_squeeze %dma_wait3A_986 : memref<4096x1x128xf32, #tpu.memory_space<any>> -> memref<4096x128xf32, #tpu.memory_space<any>>
    tpu.wait_dma2 semaphore(%arg2 : memref<!tpu.dma_semaphore, #tpu.memory_space<semaphore_mem>>) src(%arg0 : memref<4096x128xf32, #tpu.memory_space<vmem>>) dst(%dma_wait3A_987 : memref<4096x128xf32, #tpu.memory_space<any>>)
    %dma_start3A_988 = arith.constant 107 : i32
    %dma_start3A_989 = arith.constant 0 : i32
    %dma_start3A_990 = arith.constant 0 : i32
    %dma_start3A_991 = tpu.memref_slice %arg1[%dma_start3A_989, %dma_start3A_988, %dma_start3A_990] : memref<4096x200x128xf32, #tpu.memory_space<any>> -> memref<4096x1x128xf32, #tpu.memory_space<any>>
    %dma_start3A_992 = tpu.memref_squeeze %dma_start3A_991 : memref<4096x1x128xf32, #tpu.memory_space<any>> -> memref<4096x128xf32, #tpu.memory_space<any>>
    tpu.enqueue_dma source(%arg0 : memref<4096x128xf32, #tpu.memory_space<vmem>>) target(%dma_start3A_992 : memref<4096x128xf32, #tpu.memory_space<any>>) target_semaphore(%arg2 : memref<!tpu.dma_semaphore, #tpu.memory_space<semaphore_mem>>)
    %dma_wait3A_993 = arith.constant 91 : i32
    %dma_wait3A_994 = arith.constant 0 : i32
    %dma_wait3A_995 = arith.constant 0 : i32
    %dma_wait3A_996 = tpu.memref_slice %arg1[%dma_wait3A_994, %dma_wait3A_993, %dma_wait3A_995] : memref<4096x200x128xf32, #tpu.memory_space<any>> -> memref<4096x1x128xf32, #tpu.memory_space<any>>
    %dma_wait3A_997 = tpu.memref_squeeze %dma_wait3A_996 : memref<4096x1x128xf32, #tpu.memory_space<any>> -> memref<4096x128xf32, #tpu.memory_space<any>>
    tpu.wait_dma2 semaphore(%arg2 : memref<!tpu.dma_semaphore, #tpu.memory_space<semaphore_mem>>) src(%arg0 : memref<4096x128xf32, #tpu.memory_space<vmem>>) dst(%dma_wait3A_997 : memref<4096x128xf32, #tpu.memory_space<any>>)
    %dma_start3A_998 = arith.constant 108 : i32
    %dma_start3A_999 = arith.constant 0 : i32
    %dma_start3A_1000 = arith.constant 0 : i32
    %dma_start3A_1001 = tpu.memref_slice %arg1[%dma_start3A_999, %dma_start3A_998, %dma_start3A_1000] : memref<4096x200x128xf32, #tpu.memory_space<any>> -> memref<4096x1x128xf32, #tpu.memory_space<any>>
    %dma_start3A_1002 = tpu.memref_squeeze %dma_start3A_1001 : memref<4096x1x128xf32, #tpu.memory_space<any>> -> memref<4096x128xf32, #tpu.memory_space<any>>
    tpu.enqueue_dma source(%arg0 : memref<4096x128xf32, #tpu.memory_space<vmem>>) target(%dma_start3A_1002 : memref<4096x128xf32, #tpu.memory_space<any>>) target_semaphore(%arg2 : memref<!tpu.dma_semaphore, #tpu.memory_space<semaphore_mem>>)
    %dma_wait3A_1003 = arith.constant 92 : i32
    %dma_wait3A_1004 = arith.constant 0 : i32
    %dma_wait3A_1005 = arith.constant 0 : i32
    %dma_wait3A_1006 = tpu.memref_slice %arg1[%dma_wait3A_1004, %dma_wait3A_1003, %dma_wait3A_1005] : memref<4096x200x128xf32, #tpu.memory_space<any>> -> memref<4096x1x128xf32, #tpu.memory_space<any>>
    %dma_wait3A_1007 = tpu.memref_squeeze %dma_wait3A_1006 : memref<4096x1x128xf32, #tpu.memory_space<any>> -> memref<4096x128xf32, #tpu.memory_space<any>>
    tpu.wait_dma2 semaphore(%arg2 : memref<!tpu.dma_semaphore, #tpu.memory_space<semaphore_mem>>) src(%arg0 : memref<4096x128xf32, #tpu.memory_space<vmem>>) dst(%dma_wait3A_1007 : memref<4096x128xf32, #tpu.memory_space<any>>)
    %dma_start3A_1008 = arith.constant 109 : i32
    %dma_start3A_1009 = arith.constant 0 : i32
    %dma_start3A_1010 = arith.constant 0 : i32
    %dma_start3A_1011 = tpu.memref_slice %arg1[%dma_start3A_1009, %dma_start3A_1008, %dma_start3A_1010] : memref<4096x200x128xf32, #tpu.memory_space<any>> -> memref<4096x1x128xf32, #tpu.memory_space<any>>
    %dma_start3A_1012 = tpu.memref_squeeze %dma_start3A_1011 : memref<4096x1x128xf32, #tpu.memory_space<any>> -> memref<4096x128xf32, #tpu.memory_space<any>>
    tpu.enqueue_dma source(%arg0 : memref<4096x128xf32, #tpu.memory_space<vmem>>) target(%dma_start3A_1012 : memref<4096x128xf32, #tpu.memory_space<any>>) target_semaphore(%arg2 : memref<!tpu.dma_semaphore, #tpu.memory_space<semaphore_mem>>)
    %dma_wait3A_1013 = arith.constant 93 : i32
    %dma_wait3A_1014 = arith.constant 0 : i32
    %dma_wait3A_1015 = arith.constant 0 : i32
    %dma_wait3A_1016 = tpu.memref_slice %arg1[%dma_wait3A_1014, %dma_wait3A_1013, %dma_wait3A_1015] : memref<4096x200x128xf32, #tpu.memory_space<any>> -> memref<4096x1x128xf32, #tpu.memory_space<any>>
    %dma_wait3A_1017 = tpu.memref_squeeze %dma_wait3A_1016 : memref<4096x1x128xf32, #tpu.memory_space<any>> -> memref<4096x128xf32, #tpu.memory_space<any>>
    tpu.wait_dma2 semaphore(%arg2 : memref<!tpu.dma_semaphore, #tpu.memory_space<semaphore_mem>>) src(%arg0 : memref<4096x128xf32, #tpu.memory_space<vmem>>) dst(%dma_wait3A_1017 : memref<4096x128xf32, #tpu.memory_space<any>>)
    %dma_start3A_1018 = arith.constant 110 : i32
    %dma_start3A_1019 = arith.constant 0 : i32
    %dma_start3A_1020 = arith.constant 0 : i32
    %dma_start3A_1021 = tpu.memref_slice %arg1[%dma_start3A_1019, %dma_start3A_1018, %dma_start3A_1020] : memref<4096x200x128xf32, #tpu.memory_space<any>> -> memref<4096x1x128xf32, #tpu.memory_space<any>>
    %dma_start3A_1022 = tpu.memref_squeeze %dma_start3A_1021 : memref<4096x1x128xf32, #tpu.memory_space<any>> -> memref<4096x128xf32, #tpu.memory_space<any>>
    tpu.enqueue_dma source(%arg0 : memref<4096x128xf32, #tpu.memory_space<vmem>>) target(%dma_start3A_1022 : memref<4096x128xf32, #tpu.memory_space<any>>) target_semaphore(%arg2 : memref<!tpu.dma_semaphore, #tpu.memory_space<semaphore_mem>>)
    %dma_wait3A_1023 = arith.constant 94 : i32
    %dma_wait3A_1024 = arith.constant 0 : i32
    %dma_wait3A_1025 = arith.constant 0 : i32
    %dma_wait3A_1026 = tpu.memref_slice %arg1[%dma_wait3A_1024, %dma_wait3A_1023, %dma_wait3A_1025] : memref<4096x200x128xf32, #tpu.memory_space<any>> -> memref<4096x1x128xf32, #tpu.memory_space<any>>
    %dma_wait3A_1027 = tpu.memref_squeeze %dma_wait3A_1026 : memref<4096x1x128xf32, #tpu.memory_space<any>> -> memref<4096x128xf32, #tpu.memory_space<any>>
    tpu.wait_dma2 semaphore(%arg2 : memref<!tpu.dma_semaphore, #tpu.memory_space<semaphore_mem>>) src(%arg0 : memref<4096x128xf32, #tpu.memory_space<vmem>>) dst(%dma_wait3A_1027 : memref<4096x128xf32, #tpu.memory_space<any>>)
    %dma_start3A_1028 = arith.constant 111 : i32
    %dma_start3A_1029 = arith.constant 0 : i32
    %dma_start3A_1030 = arith.constant 0 : i32
    %dma_start3A_1031 = tpu.memref_slice %arg1[%dma_start3A_1029, %dma_start3A_1028, %dma_start3A_1030] : memref<4096x200x128xf32, #tpu.memory_space<any>> -> memref<4096x1x128xf32, #tpu.memory_space<any>>
    %dma_start3A_1032 = tpu.memref_squeeze %dma_start3A_1031 : memref<4096x1x128xf32, #tpu.memory_space<any>> -> memref<4096x128xf32, #tpu.memory_space<any>>
    tpu.enqueue_dma source(%arg0 : memref<4096x128xf32, #tpu.memory_space<vmem>>) target(%dma_start3A_1032 : memref<4096x128xf32, #tpu.memory_space<any>>) target_semaphore(%arg2 : memref<!tpu.dma_semaphore, #tpu.memory_space<semaphore_mem>>)
    %dma_wait3A_1033 = arith.constant 95 : i32
    %dma_wait3A_1034 = arith.constant 0 : i32
    %dma_wait3A_1035 = arith.constant 0 : i32
    %dma_wait3A_1036 = tpu.memref_slice %arg1[%dma_wait3A_1034, %dma_wait3A_1033, %dma_wait3A_1035] : memref<4096x200x128xf32, #tpu.memory_space<any>> -> memref<4096x1x128xf32, #tpu.memory_space<any>>
    %dma_wait3A_1037 = tpu.memref_squeeze %dma_wait3A_1036 : memref<4096x1x128xf32, #tpu.memory_space<any>> -> memref<4096x128xf32, #tpu.memory_space<any>>
    tpu.wait_dma2 semaphore(%arg2 : memref<!tpu.dma_semaphore, #tpu.memory_space<semaphore_mem>>) src(%arg0 : memref<4096x128xf32, #tpu.memory_space<vmem>>) dst(%dma_wait3A_1037 : memref<4096x128xf32, #tpu.memory_space<any>>)
    %dma_start3A_1038 = arith.constant 112 : i32
    %dma_start3A_1039 = arith.constant 0 : i32
    %dma_start3A_1040 = arith.constant 0 : i32
    %dma_start3A_1041 = tpu.memref_slice %arg1[%dma_start3A_1039, %dma_start3A_1038, %dma_start3A_1040] : memref<4096x200x128xf32, #tpu.memory_space<any>> -> memref<4096x1x128xf32, #tpu.memory_space<any>>
    %dma_start3A_1042 = tpu.memref_squeeze %dma_start3A_1041 : memref<4096x1x128xf32, #tpu.memory_space<any>> -> memref<4096x128xf32, #tpu.memory_space<any>>
    tpu.enqueue_dma source(%arg0 : memref<4096x128xf32, #tpu.memory_space<vmem>>) target(%dma_start3A_1042 : memref<4096x128xf32, #tpu.memory_space<any>>) target_semaphore(%arg2 : memref<!tpu.dma_semaphore, #tpu.memory_space<semaphore_mem>>)
    %dma_wait3A_1043 = arith.constant 96 : i32
    %dma_wait3A_1044 = arith.constant 0 : i32
    %dma_wait3A_1045 = arith.constant 0 : i32
    %dma_wait3A_1046 = tpu.memref_slice %arg1[%dma_wait3A_1044, %dma_wait3A_1043, %dma_wait3A_1045] : memref<4096x200x128xf32, #tpu.memory_space<any>> -> memref<4096x1x128xf32, #tpu.memory_space<any>>
    %dma_wait3A_1047 = tpu.memref_squeeze %dma_wait3A_1046 : memref<4096x1x128xf32, #tpu.memory_space<any>> -> memref<4096x128xf32, #tpu.memory_space<any>>
    tpu.wait_dma2 semaphore(%arg2 : memref<!tpu.dma_semaphore, #tpu.memory_space<semaphore_mem>>) src(%arg0 : memref<4096x128xf32, #tpu.memory_space<vmem>>) dst(%dma_wait3A_1047 : memref<4096x128xf32, #tpu.memory_space<any>>)
    %dma_start3A_1048 = arith.constant 113 : i32
    %dma_start3A_1049 = arith.constant 0 : i32
    %dma_start3A_1050 = arith.constant 0 : i32
    %dma_start3A_1051 = tpu.memref_slice %arg1[%dma_start3A_1049, %dma_start3A_1048, %dma_start3A_1050] : memref<4096x200x128xf32, #tpu.memory_space<any>> -> memref<4096x1x128xf32, #tpu.memory_space<any>>
    %dma_start3A_1052 = tpu.memref_squeeze %dma_start3A_1051 : memref<4096x1x128xf32, #tpu.memory_space<any>> -> memref<4096x128xf32, #tpu.memory_space<any>>
    tpu.enqueue_dma source(%arg0 : memref<4096x128xf32, #tpu.memory_space<vmem>>) target(%dma_start3A_1052 : memref<4096x128xf32, #tpu.memory_space<any>>) target_semaphore(%arg2 : memref<!tpu.dma_semaphore, #tpu.memory_space<semaphore_mem>>)
    %dma_wait3A_1053 = arith.constant 97 : i32
    %dma_wait3A_1054 = arith.constant 0 : i32
    %dma_wait3A_1055 = arith.constant 0 : i32
    %dma_wait3A_1056 = tpu.memref_slice %arg1[%dma_wait3A_1054, %dma_wait3A_1053, %dma_wait3A_1055] : memref<4096x200x128xf32, #tpu.memory_space<any>> -> memref<4096x1x128xf32, #tpu.memory_space<any>>
    %dma_wait3A_1057 = tpu.memref_squeeze %dma_wait3A_1056 : memref<4096x1x128xf32, #tpu.memory_space<any>> -> memref<4096x128xf32, #tpu.memory_space<any>>
    tpu.wait_dma2 semaphore(%arg2 : memref<!tpu.dma_semaphore, #tpu.memory_space<semaphore_mem>>) src(%arg0 : memref<4096x128xf32, #tpu.memory_space<vmem>>) dst(%dma_wait3A_1057 : memref<4096x128xf32, #tpu.memory_space<any>>)
    %dma_start3A_1058 = arith.constant 114 : i32
    %dma_start3A_1059 = arith.constant 0 : i32
    %dma_start3A_1060 = arith.constant 0 : i32
    %dma_start3A_1061 = tpu.memref_slice %arg1[%dma_start3A_1059, %dma_start3A_1058, %dma_start3A_1060] : memref<4096x200x128xf32, #tpu.memory_space<any>> -> memref<4096x1x128xf32, #tpu.memory_space<any>>
    %dma_start3A_1062 = tpu.memref_squeeze %dma_start3A_1061 : memref<4096x1x128xf32, #tpu.memory_space<any>> -> memref<4096x128xf32, #tpu.memory_space<any>>
    tpu.enqueue_dma source(%arg0 : memref<4096x128xf32, #tpu.memory_space<vmem>>) target(%dma_start3A_1062 : memref<4096x128xf32, #tpu.memory_space<any>>) target_semaphore(%arg2 : memref<!tpu.dma_semaphore, #tpu.memory_space<semaphore_mem>>)
    %dma_wait3A_1063 = arith.constant 98 : i32
    %dma_wait3A_1064 = arith.constant 0 : i32
    %dma_wait3A_1065 = arith.constant 0 : i32
    %dma_wait3A_1066 = tpu.memref_slice %arg1[%dma_wait3A_1064, %dma_wait3A_1063, %dma_wait3A_1065] : memref<4096x200x128xf32, #tpu.memory_space<any>> -> memref<4096x1x128xf32, #tpu.memory_space<any>>
    %dma_wait3A_1067 = tpu.memref_squeeze %dma_wait3A_1066 : memref<4096x1x128xf32, #tpu.memory_space<any>> -> memref<4096x128xf32, #tpu.memory_space<any>>
    tpu.wait_dma2 semaphore(%arg2 : memref<!tpu.dma_semaphore, #tpu.memory_space<semaphore_mem>>) src(%arg0 : memref<4096x128xf32, #tpu.memory_space<vmem>>) dst(%dma_wait3A_1067 : memref<4096x128xf32, #tpu.memory_space<any>>)
    %dma_start3A_1068 = arith.constant 115 : i32
    %dma_start3A_1069 = arith.constant 0 : i32
    %dma_start3A_1070 = arith.constant 0 : i32
    %dma_start3A_1071 = tpu.memref_slice %arg1[%dma_start3A_1069, %dma_start3A_1068, %dma_start3A_1070] : memref<4096x200x128xf32, #tpu.memory_space<any>> -> memref<4096x1x128xf32, #tpu.memory_space<any>>
    %dma_start3A_1072 = tpu.memref_squeeze %dma_start3A_1071 : memref<4096x1x128xf32, #tpu.memory_space<any>> -> memref<4096x128xf32, #tpu.memory_space<any>>
    tpu.enqueue_dma source(%arg0 : memref<4096x128xf32, #tpu.memory_space<vmem>>) target(%dma_start3A_1072 : memref<4096x128xf32, #tpu.memory_space<any>>) target_semaphore(%arg2 : memref<!tpu.dma_semaphore, #tpu.memory_space<semaphore_mem>>)
    %dma_wait3A_1073 = arith.constant 99 : i32
    %dma_wait3A_1074 = arith.constant 0 : i32
    %dma_wait3A_1075 = arith.constant 0 : i32
    %dma_wait3A_1076 = tpu.memref_slice %arg1[%dma_wait3A_1074, %dma_wait3A_1073, %dma_wait3A_1075] : memref<4096x200x128xf32, #tpu.memory_space<any>> -> memref<4096x1x128xf32, #tpu.memory_space<any>>
    %dma_wait3A_1077 = tpu.memref_squeeze %dma_wait3A_1076 : memref<4096x1x128xf32, #tpu.memory_space<any>> -> memref<4096x128xf32, #tpu.memory_space<any>>
    tpu.wait_dma2 semaphore(%arg2 : memref<!tpu.dma_semaphore, #tpu.memory_space<semaphore_mem>>) src(%arg0 : memref<4096x128xf32, #tpu.memory_space<vmem>>) dst(%dma_wait3A_1077 : memref<4096x128xf32, #tpu.memory_space<any>>)
    %dma_start3A_1078 = arith.constant 116 : i32
    %dma_start3A_1079 = arith.constant 0 : i32
    %dma_start3A_1080 = arith.constant 0 : i32
    %dma_start3A_1081 = tpu.memref_slice %arg1[%dma_start3A_1079, %dma_start3A_1078, %dma_start3A_1080] : memref<4096x200x128xf32, #tpu.memory_space<any>> -> memref<4096x1x128xf32, #tpu.memory_space<any>>
    %dma_start3A_1082 = tpu.memref_squeeze %dma_start3A_1081 : memref<4096x1x128xf32, #tpu.memory_space<any>> -> memref<4096x128xf32, #tpu.memory_space<any>>
    tpu.enqueue_dma source(%arg0 : memref<4096x128xf32, #tpu.memory_space<vmem>>) target(%dma_start3A_1082 : memref<4096x128xf32, #tpu.memory_space<any>>) target_semaphore(%arg2 : memref<!tpu.dma_semaphore, #tpu.memory_space<semaphore_mem>>)
    %dma_wait3A_1083 = arith.constant 100 : i32
    %dma_wait3A_1084 = arith.constant 0 : i32
    %dma_wait3A_1085 = arith.constant 0 : i32
    %dma_wait3A_1086 = tpu.memref_slice %arg1[%dma_wait3A_1084, %dma_wait3A_1083, %dma_wait3A_1085] : memref<4096x200x128xf32, #tpu.memory_space<any>> -> memref<4096x1x128xf32, #tpu.memory_space<any>>
    %dma_wait3A_1087 = tpu.memref_squeeze %dma_wait3A_1086 : memref<4096x1x128xf32, #tpu.memory_space<any>> -> memref<4096x128xf32, #tpu.memory_space<any>>
    tpu.wait_dma2 semaphore(%arg2 : memref<!tpu.dma_semaphore, #tpu.memory_space<semaphore_mem>>) src(%arg0 : memref<4096x128xf32, #tpu.memory_space<vmem>>) dst(%dma_wait3A_1087 : memref<4096x128xf32, #tpu.memory_space<any>>)
    %dma_start3A_1088 = arith.constant 117 : i32
    %dma_start3A_1089 = arith.constant 0 : i32
    %dma_start3A_1090 = arith.constant 0 : i32
    %dma_start3A_1091 = tpu.memref_slice %arg1[%dma_start3A_1089, %dma_start3A_1088, %dma_start3A_1090] : memref<4096x200x128xf32, #tpu.memory_space<any>> -> memref<4096x1x128xf32, #tpu.memory_space<any>>
    %dma_start3A_1092 = tpu.memref_squeeze %dma_start3A_1091 : memref<4096x1x128xf32, #tpu.memory_space<any>> -> memref<4096x128xf32, #tpu.memory_space<any>>
    tpu.enqueue_dma source(%arg0 : memref<4096x128xf32, #tpu.memory_space<vmem>>) target(%dma_start3A_1092 : memref<4096x128xf32, #tpu.memory_space<any>>) target_semaphore(%arg2 : memref<!tpu.dma_semaphore, #tpu.memory_space<semaphore_mem>>)
    %dma_wait3A_1093 = arith.constant 101 : i32
    %dma_wait3A_1094 = arith.constant 0 : i32
    %dma_wait3A_1095 = arith.constant 0 : i32
    %dma_wait3A_1096 = tpu.memref_slice %arg1[%dma_wait3A_1094, %dma_wait3A_1093, %dma_wait3A_1095] : memref<4096x200x128xf32, #tpu.memory_space<any>> -> memref<4096x1x128xf32, #tpu.memory_space<any>>
    %dma_wait3A_1097 = tpu.memref_squeeze %dma_wait3A_1096 : memref<4096x1x128xf32, #tpu.memory_space<any>> -> memref<4096x128xf32, #tpu.memory_space<any>>
    tpu.wait_dma2 semaphore(%arg2 : memref<!tpu.dma_semaphore, #tpu.memory_space<semaphore_mem>>) src(%arg0 : memref<4096x128xf32, #tpu.memory_space<vmem>>) dst(%dma_wait3A_1097 : memref<4096x128xf32, #tpu.memory_space<any>>)
    %dma_start3A_1098 = arith.constant 118 : i32
    %dma_start3A_1099 = arith.constant 0 : i32
    %dma_start3A_1100 = arith.constant 0 : i32
    %dma_start3A_1101 = tpu.memref_slice %arg1[%dma_start3A_1099, %dma_start3A_1098, %dma_start3A_1100] : memref<4096x200x128xf32, #tpu.memory_space<any>> -> memref<4096x1x128xf32, #tpu.memory_space<any>>
    %dma_start3A_1102 = tpu.memref_squeeze %dma_start3A_1101 : memref<4096x1x128xf32, #tpu.memory_space<any>> -> memref<4096x128xf32, #tpu.memory_space<any>>
    tpu.enqueue_dma source(%arg0 : memref<4096x128xf32, #tpu.memory_space<vmem>>) target(%dma_start3A_1102 : memref<4096x128xf32, #tpu.memory_space<any>>) target_semaphore(%arg2 : memref<!tpu.dma_semaphore, #tpu.memory_space<semaphore_mem>>)
    %dma_wait3A_1103 = arith.constant 102 : i32
    %dma_wait3A_1104 = arith.constant 0 : i32
    %dma_wait3A_1105 = arith.constant 0 : i32
    %dma_wait3A_1106 = tpu.memref_slice %arg1[%dma_wait3A_1104, %dma_wait3A_1103, %dma_wait3A_1105] : memref<4096x200x128xf32, #tpu.memory_space<any>> -> memref<4096x1x128xf32, #tpu.memory_space<any>>
    %dma_wait3A_1107 = tpu.memref_squeeze %dma_wait3A_1106 : memref<4096x1x128xf32, #tpu.memory_space<any>> -> memref<4096x128xf32, #tpu.memory_space<any>>
    tpu.wait_dma2 semaphore(%arg2 : memref<!tpu.dma_semaphore, #tpu.memory_space<semaphore_mem>>) src(%arg0 : memref<4096x128xf32, #tpu.memory_space<vmem>>) dst(%dma_wait3A_1107 : memref<4096x128xf32, #tpu.memory_space<any>>)
    %dma_start3A_1108 = arith.constant 119 : i32
    %dma_start3A_1109 = arith.constant 0 : i32
    %dma_start3A_1110 = arith.constant 0 : i32
    %dma_start3A_1111 = tpu.memref_slice %arg1[%dma_start3A_1109, %dma_start3A_1108, %dma_start3A_1110] : memref<4096x200x128xf32, #tpu.memory_space<any>> -> memref<4096x1x128xf32, #tpu.memory_space<any>>
    %dma_start3A_1112 = tpu.memref_squeeze %dma_start3A_1111 : memref<4096x1x128xf32, #tpu.memory_space<any>> -> memref<4096x128xf32, #tpu.memory_space<any>>
    tpu.enqueue_dma source(%arg0 : memref<4096x128xf32, #tpu.memory_space<vmem>>) target(%dma_start3A_1112 : memref<4096x128xf32, #tpu.memory_space<any>>) target_semaphore(%arg2 : memref<!tpu.dma_semaphore, #tpu.memory_space<semaphore_mem>>)
    %dma_wait3A_1113 = arith.constant 103 : i32
    %dma_wait3A_1114 = arith.constant 0 : i32
    %dma_wait3A_1115 = arith.constant 0 : i32
    %dma_wait3A_1116 = tpu.memref_slice %arg1[%dma_wait3A_1114, %dma_wait3A_1113, %dma_wait3A_1115] : memref<4096x200x128xf32, #tpu.memory_space<any>> -> memref<4096x1x128xf32, #tpu.memory_space<any>>
    %dma_wait3A_1117 = tpu.memref_squeeze %dma_wait3A_1116 : memref<4096x1x128xf32, #tpu.memory_space<any>> -> memref<4096x128xf32, #tpu.memory_space<any>>
    tpu.wait_dma2 semaphore(%arg2 : memref<!tpu.dma_semaphore, #tpu.memory_space<semaphore_mem>>) src(%arg0 : memref<4096x128xf32, #tpu.memory_space<vmem>>) dst(%dma_wait3A_1117 : memref<4096x128xf32, #tpu.memory_space<any>>)
    %dma_start3A_1118 = arith.constant 120 : i32
    %dma_start3A_1119 = arith.constant 0 : i32
    %dma_start3A_1120 = arith.constant 0 : i32
    %dma_start3A_1121 = tpu.memref_slice %arg1[%dma_start3A_1119, %dma_start3A_1118, %dma_start3A_1120] : memref<4096x200x128xf32, #tpu.memory_space<any>> -> memref<4096x1x128xf32, #tpu.memory_space<any>>
    %dma_start3A_1122 = tpu.memref_squeeze %dma_start3A_1121 : memref<4096x1x128xf32, #tpu.memory_space<any>> -> memref<4096x128xf32, #tpu.memory_space<any>>
    tpu.enqueue_dma source(%arg0 : memref<4096x128xf32, #tpu.memory_space<vmem>>) target(%dma_start3A_1122 : memref<4096x128xf32, #tpu.memory_space<any>>) target_semaphore(%arg2 : memref<!tpu.dma_semaphore, #tpu.memory_space<semaphore_mem>>)
    %dma_wait3A_1123 = arith.constant 104 : i32
    %dma_wait3A_1124 = arith.constant 0 : i32
    %dma_wait3A_1125 = arith.constant 0 : i32
    %dma_wait3A_1126 = tpu.memref_slice %arg1[%dma_wait3A_1124, %dma_wait3A_1123, %dma_wait3A_1125] : memref<4096x200x128xf32, #tpu.memory_space<any>> -> memref<4096x1x128xf32, #tpu.memory_space<any>>
    %dma_wait3A_1127 = tpu.memref_squeeze %dma_wait3A_1126 : memref<4096x1x128xf32, #tpu.memory_space<any>> -> memref<4096x128xf32, #tpu.memory_space<any>>
    tpu.wait_dma2 semaphore(%arg2 : memref<!tpu.dma_semaphore, #tpu.memory_space<semaphore_mem>>) src(%arg0 : memref<4096x128xf32, #tpu.memory_space<vmem>>) dst(%dma_wait3A_1127 : memref<4096x128xf32, #tpu.memory_space<any>>)
    %dma_start3A_1128 = arith.constant 121 : i32
    %dma_start3A_1129 = arith.constant 0 : i32
    %dma_start3A_1130 = arith.constant 0 : i32
    %dma_start3A_1131 = tpu.memref_slice %arg1[%dma_start3A_1129, %dma_start3A_1128, %dma_start3A_1130] : memref<4096x200x128xf32, #tpu.memory_space<any>> -> memref<4096x1x128xf32, #tpu.memory_space<any>>
    %dma_start3A_1132 = tpu.memref_squeeze %dma_start3A_1131 : memref<4096x1x128xf32, #tpu.memory_space<any>> -> memref<4096x128xf32, #tpu.memory_space<any>>
    tpu.enqueue_dma source(%arg0 : memref<4096x128xf32, #tpu.memory_space<vmem>>) target(%dma_start3A_1132 : memref<4096x128xf32, #tpu.memory_space<any>>) target_semaphore(%arg2 : memref<!tpu.dma_semaphore, #tpu.memory_space<semaphore_mem>>)
    %dma_wait3A_1133 = arith.constant 105 : i32
    %dma_wait3A_1134 = arith.constant 0 : i32
    %dma_wait3A_1135 = arith.constant 0 : i32
    %dma_wait3A_1136 = tpu.memref_slice %arg1[%dma_wait3A_1134, %dma_wait3A_1133, %dma_wait3A_1135] : memref<4096x200x128xf32, #tpu.memory_space<any>> -> memref<4096x1x128xf32, #tpu.memory_space<any>>
    %dma_wait3A_1137 = tpu.memref_squeeze %dma_wait3A_1136 : memref<4096x1x128xf32, #tpu.memory_space<any>> -> memref<4096x128xf32, #tpu.memory_space<any>>
    tpu.wait_dma2 semaphore(%arg2 : memref<!tpu.dma_semaphore, #tpu.memory_space<semaphore_mem>>) src(%arg0 : memref<4096x128xf32, #tpu.memory_space<vmem>>) dst(%dma_wait3A_1137 : memref<4096x128xf32, #tpu.memory_space<any>>)
    %dma_start3A_1138 = arith.constant 122 : i32
    %dma_start3A_1139 = arith.constant 0 : i32
    %dma_start3A_1140 = arith.constant 0 : i32
    %dma_start3A_1141 = tpu.memref_slice %arg1[%dma_start3A_1139, %dma_start3A_1138, %dma_start3A_1140] : memref<4096x200x128xf32, #tpu.memory_space<any>> -> memref<4096x1x128xf32, #tpu.memory_space<any>>
    %dma_start3A_1142 = tpu.memref_squeeze %dma_start3A_1141 : memref<4096x1x128xf32, #tpu.memory_space<any>> -> memref<4096x128xf32, #tpu.memory_space<any>>
    tpu.enqueue_dma source(%arg0 : memref<4096x128xf32, #tpu.memory_space<vmem>>) target(%dma_start3A_1142 : memref<4096x128xf32, #tpu.memory_space<any>>) target_semaphore(%arg2 : memref<!tpu.dma_semaphore, #tpu.memory_space<semaphore_mem>>)
    %dma_wait3A_1143 = arith.constant 106 : i32
    %dma_wait3A_1144 = arith.constant 0 : i32
    %dma_wait3A_1145 = arith.constant 0 : i32
    %dma_wait3A_1146 = tpu.memref_slice %arg1[%dma_wait3A_1144, %dma_wait3A_1143, %dma_wait3A_1145] : memref<4096x200x128xf32, #tpu.memory_space<any>> -> memref<4096x1x128xf32, #tpu.memory_space<any>>
    %dma_wait3A_1147 = tpu.memref_squeeze %dma_wait3A_1146 : memref<4096x1x128xf32, #tpu.memory_space<any>> -> memref<4096x128xf32, #tpu.memory_space<any>>
    tpu.wait_dma2 semaphore(%arg2 : memref<!tpu.dma_semaphore, #tpu.memory_space<semaphore_mem>>) src(%arg0 : memref<4096x128xf32, #tpu.memory_space<vmem>>) dst(%dma_wait3A_1147 : memref<4096x128xf32, #tpu.memory_space<any>>)
    %dma_start3A_1148 = arith.constant 123 : i32
    %dma_start3A_1149 = arith.constant 0 : i32
    %dma_start3A_1150 = arith.constant 0 : i32
    %dma_start3A_1151 = tpu.memref_slice %arg1[%dma_start3A_1149, %dma_start3A_1148, %dma_start3A_1150] : memref<4096x200x128xf32, #tpu.memory_space<any>> -> memref<4096x1x128xf32, #tpu.memory_space<any>>
    %dma_start3A_1152 = tpu.memref_squeeze %dma_start3A_1151 : memref<4096x1x128xf32, #tpu.memory_space<any>> -> memref<4096x128xf32, #tpu.memory_space<any>>
    tpu.enqueue_dma source(%arg0 : memref<4096x128xf32, #tpu.memory_space<vmem>>) target(%dma_start3A_1152 : memref<4096x128xf32, #tpu.memory_space<any>>) target_semaphore(%arg2 : memref<!tpu.dma_semaphore, #tpu.memory_space<semaphore_mem>>)
    %dma_wait3A_1153 = arith.constant 107 : i32
    %dma_wait3A_1154 = arith.constant 0 : i32
    %dma_wait3A_1155 = arith.constant 0 : i32
    %dma_wait3A_1156 = tpu.memref_slice %arg1[%dma_wait3A_1154, %dma_wait3A_1153, %dma_wait3A_1155] : memref<4096x200x128xf32, #tpu.memory_space<any>> -> memref<4096x1x128xf32, #tpu.memory_space<any>>
    %dma_wait3A_1157 = tpu.memref_squeeze %dma_wait3A_1156 : memref<4096x1x128xf32, #tpu.memory_space<any>> -> memref<4096x128xf32, #tpu.memory_space<any>>
    tpu.wait_dma2 semaphore(%arg2 : memref<!tpu.dma_semaphore, #tpu.memory_space<semaphore_mem>>) src(%arg0 : memref<4096x128xf32, #tpu.memory_space<vmem>>) dst(%dma_wait3A_1157 : memref<4096x128xf32, #tpu.memory_space<any>>)
    %dma_start3A_1158 = arith.constant 124 : i32
    %dma_start3A_1159 = arith.constant 0 : i32
    %dma_start3A_1160 = arith.constant 0 : i32
    %dma_start3A_1161 = tpu.memref_slice %arg1[%dma_start3A_1159, %dma_start3A_1158, %dma_start3A_1160] : memref<4096x200x128xf32, #tpu.memory_space<any>> -> memref<4096x1x128xf32, #tpu.memory_space<any>>
    %dma_start3A_1162 = tpu.memref_squeeze %dma_start3A_1161 : memref<4096x1x128xf32, #tpu.memory_space<any>> -> memref<4096x128xf32, #tpu.memory_space<any>>
    tpu.enqueue_dma source(%arg0 : memref<4096x128xf32, #tpu.memory_space<vmem>>) target(%dma_start3A_1162 : memref<4096x128xf32, #tpu.memory_space<any>>) target_semaphore(%arg2 : memref<!tpu.dma_semaphore, #tpu.memory_space<semaphore_mem>>)
    %dma_wait3A_1163 = arith.constant 108 : i32
    %dma_wait3A_1164 = arith.constant 0 : i32
    %dma_wait3A_1165 = arith.constant 0 : i32
    %dma_wait3A_1166 = tpu.memref_slice %arg1[%dma_wait3A_1164, %dma_wait3A_1163, %dma_wait3A_1165] : memref<4096x200x128xf32, #tpu.memory_space<any>> -> memref<4096x1x128xf32, #tpu.memory_space<any>>
    %dma_wait3A_1167 = tpu.memref_squeeze %dma_wait3A_1166 : memref<4096x1x128xf32, #tpu.memory_space<any>> -> memref<4096x128xf32, #tpu.memory_space<any>>
    tpu.wait_dma2 semaphore(%arg2 : memref<!tpu.dma_semaphore, #tpu.memory_space<semaphore_mem>>) src(%arg0 : memref<4096x128xf32, #tpu.memory_space<vmem>>) dst(%dma_wait3A_1167 : memref<4096x128xf32, #tpu.memory_space<any>>)
    %dma_start3A_1168 = arith.constant 125 : i32
    %dma_start3A_1169 = arith.constant 0 : i32
    %dma_start3A_1170 = arith.constant 0 : i32
    %dma_start3A_1171 = tpu.memref_slice %arg1[%dma_start3A_1169, %dma_start3A_1168, %dma_start3A_1170] : memref<4096x200x128xf32, #tpu.memory_space<any>> -> memref<4096x1x128xf32, #tpu.memory_space<any>>
    %dma_start3A_1172 = tpu.memref_squeeze %dma_start3A_1171 : memref<4096x1x128xf32, #tpu.memory_space<any>> -> memref<4096x128xf32, #tpu.memory_space<any>>
    tpu.enqueue_dma source(%arg0 : memref<4096x128xf32, #tpu.memory_space<vmem>>) target(%dma_start3A_1172 : memref<4096x128xf32, #tpu.memory_space<any>>) target_semaphore(%arg2 : memref<!tpu.dma_semaphore, #tpu.memory_space<semaphore_mem>>)
    %dma_wait3A_1173 = arith.constant 109 : i32
    %dma_wait3A_1174 = arith.constant 0 : i32
    %dma_wait3A_1175 = arith.constant 0 : i32
    %dma_wait3A_1176 = tpu.memref_slice %arg1[%dma_wait3A_1174, %dma_wait3A_1173, %dma_wait3A_1175] : memref<4096x200x128xf32, #tpu.memory_space<any>> -> memref<4096x1x128xf32, #tpu.memory_space<any>>
    %dma_wait3A_1177 = tpu.memref_squeeze %dma_wait3A_1176 : memref<4096x1x128xf32, #tpu.memory_space<any>> -> memref<4096x128xf32, #tpu.memory_space<any>>
    tpu.wait_dma2 semaphore(%arg2 : memref<!tpu.dma_semaphore, #tpu.memory_space<semaphore_mem>>) src(%arg0 : memref<4096x128xf32, #tpu.memory_space<vmem>>) dst(%dma_wait3A_1177 : memref<4096x128xf32, #tpu.memory_space<any>>)
    %dma_start3A_1178 = arith.constant 126 : i32
    %dma_start3A_1179 = arith.constant 0 : i32
    %dma_start3A_1180 = arith.constant 0 : i32
    %dma_start3A_1181 = tpu.memref_slice %arg1[%dma_start3A_1179, %dma_start3A_1178, %dma_start3A_1180] : memref<4096x200x128xf32, #tpu.memory_space<any>> -> memref<4096x1x128xf32, #tpu.memory_space<any>>
    %dma_start3A_1182 = tpu.memref_squeeze %dma_start3A_1181 : memref<4096x1x128xf32, #tpu.memory_space<any>> -> memref<4096x128xf32, #tpu.memory_space<any>>
    tpu.enqueue_dma source(%arg0 : memref<4096x128xf32, #tpu.memory_space<vmem>>) target(%dma_start3A_1182 : memref<4096x128xf32, #tpu.memory_space<any>>) target_semaphore(%arg2 : memref<!tpu.dma_semaphore, #tpu.memory_space<semaphore_mem>>)
    %dma_wait3A_1183 = arith.constant 110 : i32
    %dma_wait3A_1184 = arith.constant 0 : i32
    %dma_wait3A_1185 = arith.constant 0 : i32
    %dma_wait3A_1186 = tpu.memref_slice %arg1[%dma_wait3A_1184, %dma_wait3A_1183, %dma_wait3A_1185] : memref<4096x200x128xf32, #tpu.memory_space<any>> -> memref<4096x1x128xf32, #tpu.memory_space<any>>
    %dma_wait3A_1187 = tpu.memref_squeeze %dma_wait3A_1186 : memref<4096x1x128xf32, #tpu.memory_space<any>> -> memref<4096x128xf32, #tpu.memory_space<any>>
    tpu.wait_dma2 semaphore(%arg2 : memref<!tpu.dma_semaphore, #tpu.memory_space<semaphore_mem>>) src(%arg0 : memref<4096x128xf32, #tpu.memory_space<vmem>>) dst(%dma_wait3A_1187 : memref<4096x128xf32, #tpu.memory_space<any>>)
    %dma_start3A_1188 = arith.constant 127 : i32
    %dma_start3A_1189 = arith.constant 0 : i32
    %dma_start3A_1190 = arith.constant 0 : i32
    %dma_start3A_1191 = tpu.memref_slice %arg1[%dma_start3A_1189, %dma_start3A_1188, %dma_start3A_1190] : memref<4096x200x128xf32, #tpu.memory_space<any>> -> memref<4096x1x128xf32, #tpu.memory_space<any>>
    %dma_start3A_1192 = tpu.memref_squeeze %dma_start3A_1191 : memref<4096x1x128xf32, #tpu.memory_space<any>> -> memref<4096x128xf32, #tpu.memory_space<any>>
    tpu.enqueue_dma source(%arg0 : memref<4096x128xf32, #tpu.memory_space<vmem>>) target(%dma_start3A_1192 : memref<4096x128xf32, #tpu.memory_space<any>>) target_semaphore(%arg2 : memref<!tpu.dma_semaphore, #tpu.memory_space<semaphore_mem>>)
    %dma_wait3A_1193 = arith.constant 111 : i32
    %dma_wait3A_1194 = arith.constant 0 : i32
    %dma_wait3A_1195 = arith.constant 0 : i32
    %dma_wait3A_1196 = tpu.memref_slice %arg1[%dma_wait3A_1194, %dma_wait3A_1193, %dma_wait3A_1195] : memref<4096x200x128xf32, #tpu.memory_space<any>> -> memref<4096x1x128xf32, #tpu.memory_space<any>>
    %dma_wait3A_1197 = tpu.memref_squeeze %dma_wait3A_1196 : memref<4096x1x128xf32, #tpu.memory_space<any>> -> memref<4096x128xf32, #tpu.memory_space<any>>
    tpu.wait_dma2 semaphore(%arg2 : memref<!tpu.dma_semaphore, #tpu.memory_space<semaphore_mem>>) src(%arg0 : memref<4096x128xf32, #tpu.memory_space<vmem>>) dst(%dma_wait3A_1197 : memref<4096x128xf32, #tpu.memory_space<any>>)
    %dma_start3A_1198 = arith.constant 128 : i32
    %dma_start3A_1199 = arith.constant 0 : i32
    %dma_start3A_1200 = arith.constant 0 : i32
    %dma_start3A_1201 = tpu.memref_slice %arg1[%dma_start3A_1199, %dma_start3A_1198, %dma_start3A_1200] : memref<4096x200x128xf32, #tpu.memory_space<any>> -> memref<4096x1x128xf32, #tpu.memory_space<any>>
    %dma_start3A_1202 = tpu.memref_squeeze %dma_start3A_1201 : memref<4096x1x128xf32, #tpu.memory_space<any>> -> memref<4096x128xf32, #tpu.memory_space<any>>
    tpu.enqueue_dma source(%arg0 : memref<4096x128xf32, #tpu.memory_space<vmem>>) target(%dma_start3A_1202 : memref<4096x128xf32, #tpu.memory_space<any>>) target_semaphore(%arg2 : memref<!tpu.dma_semaphore, #tpu.memory_space<semaphore_mem>>)
    %dma_wait3A_1203 = arith.constant 112 : i32
    %dma_wait3A_1204 = arith.constant 0 : i32
    %dma_wait3A_1205 = arith.constant 0 : i32
    %dma_wait3A_1206 = tpu.memref_slice %arg1[%dma_wait3A_1204, %dma_wait3A_1203, %dma_wait3A_1205] : memref<4096x200x128xf32, #tpu.memory_space<any>> -> memref<4096x1x128xf32, #tpu.memory_space<any>>
    %dma_wait3A_1207 = tpu.memref_squeeze %dma_wait3A_1206 : memref<4096x1x128xf32, #tpu.memory_space<any>> -> memref<4096x128xf32, #tpu.memory_space<any>>
    tpu.wait_dma2 semaphore(%arg2 : memref<!tpu.dma_semaphore, #tpu.memory_space<semaphore_mem>>) src(%arg0 : memref<4096x128xf32, #tpu.memory_space<vmem>>) dst(%dma_wait3A_1207 : memref<4096x128xf32, #tpu.memory_space<any>>)
    %dma_start3A_1208 = arith.constant 129 : i32
    %dma_start3A_1209 = arith.constant 0 : i32
    %dma_start3A_1210 = arith.constant 0 : i32
    %dma_start3A_1211 = tpu.memref_slice %arg1[%dma_start3A_1209, %dma_start3A_1208, %dma_start3A_1210] : memref<4096x200x128xf32, #tpu.memory_space<any>> -> memref<4096x1x128xf32, #tpu.memory_space<any>>
    %dma_start3A_1212 = tpu.memref_squeeze %dma_start3A_1211 : memref<4096x1x128xf32, #tpu.memory_space<any>> -> memref<4096x128xf32, #tpu.memory_space<any>>
    tpu.enqueue_dma source(%arg0 : memref<4096x128xf32, #tpu.memory_space<vmem>>) target(%dma_start3A_1212 : memref<4096x128xf32, #tpu.memory_space<any>>) target_semaphore(%arg2 : memref<!tpu.dma_semaphore, #tpu.memory_space<semaphore_mem>>)
    %dma_wait3A_1213 = arith.constant 113 : i32
    %dma_wait3A_1214 = arith.constant 0 : i32
    %dma_wait3A_1215 = arith.constant 0 : i32
    %dma_wait3A_1216 = tpu.memref_slice %arg1[%dma_wait3A_1214, %dma_wait3A_1213, %dma_wait3A_1215] : memref<4096x200x128xf32, #tpu.memory_space<any>> -> memref<4096x1x128xf32, #tpu.memory_space<any>>
    %dma_wait3A_1217 = tpu.memref_squeeze %dma_wait3A_1216 : memref<4096x1x128xf32, #tpu.memory_space<any>> -> memref<4096x128xf32, #tpu.memory_space<any>>
    tpu.wait_dma2 semaphore(%arg2 : memref<!tpu.dma_semaphore, #tpu.memory_space<semaphore_mem>>) src(%arg0 : memref<4096x128xf32, #tpu.memory_space<vmem>>) dst(%dma_wait3A_1217 : memref<4096x128xf32, #tpu.memory_space<any>>)
    %dma_start3A_1218 = arith.constant 130 : i32
    %dma_start3A_1219 = arith.constant 0 : i32
    %dma_start3A_1220 = arith.constant 0 : i32
    %dma_start3A_1221 = tpu.memref_slice %arg1[%dma_start3A_1219, %dma_start3A_1218, %dma_start3A_1220] : memref<4096x200x128xf32, #tpu.memory_space<any>> -> memref<4096x1x128xf32, #tpu.memory_space<any>>
    %dma_start3A_1222 = tpu.memref_squeeze %dma_start3A_1221 : memref<4096x1x128xf32, #tpu.memory_space<any>> -> memref<4096x128xf32, #tpu.memory_space<any>>
    tpu.enqueue_dma source(%arg0 : memref<4096x128xf32, #tpu.memory_space<vmem>>) target(%dma_start3A_1222 : memref<4096x128xf32, #tpu.memory_space<any>>) target_semaphore(%arg2 : memref<!tpu.dma_semaphore, #tpu.memory_space<semaphore_mem>>)
    %dma_wait3A_1223 = arith.constant 114 : i32
    %dma_wait3A_1224 = arith.constant 0 : i32
    %dma_wait3A_1225 = arith.constant 0 : i32
    %dma_wait3A_1226 = tpu.memref_slice %arg1[%dma_wait3A_1224, %dma_wait3A_1223, %dma_wait3A_1225] : memref<4096x200x128xf32, #tpu.memory_space<any>> -> memref<4096x1x128xf32, #tpu.memory_space<any>>
    %dma_wait3A_1227 = tpu.memref_squeeze %dma_wait3A_1226 : memref<4096x1x128xf32, #tpu.memory_space<any>> -> memref<4096x128xf32, #tpu.memory_space<any>>
    tpu.wait_dma2 semaphore(%arg2 : memref<!tpu.dma_semaphore, #tpu.memory_space<semaphore_mem>>) src(%arg0 : memref<4096x128xf32, #tpu.memory_space<vmem>>) dst(%dma_wait3A_1227 : memref<4096x128xf32, #tpu.memory_space<any>>)
    %dma_start3A_1228 = arith.constant 131 : i32
    %dma_start3A_1229 = arith.constant 0 : i32
    %dma_start3A_1230 = arith.constant 0 : i32
    %dma_start3A_1231 = tpu.memref_slice %arg1[%dma_start3A_1229, %dma_start3A_1228, %dma_start3A_1230] : memref<4096x200x128xf32, #tpu.memory_space<any>> -> memref<4096x1x128xf32, #tpu.memory_space<any>>
    %dma_start3A_1232 = tpu.memref_squeeze %dma_start3A_1231 : memref<4096x1x128xf32, #tpu.memory_space<any>> -> memref<4096x128xf32, #tpu.memory_space<any>>
    tpu.enqueue_dma source(%arg0 : memref<4096x128xf32, #tpu.memory_space<vmem>>) target(%dma_start3A_1232 : memref<4096x128xf32, #tpu.memory_space<any>>) target_semaphore(%arg2 : memref<!tpu.dma_semaphore, #tpu.memory_space<semaphore_mem>>)
    %dma_wait3A_1233 = arith.constant 115 : i32
    %dma_wait3A_1234 = arith.constant 0 : i32
    %dma_wait3A_1235 = arith.constant 0 : i32
    %dma_wait3A_1236 = tpu.memref_slice %arg1[%dma_wait3A_1234, %dma_wait3A_1233, %dma_wait3A_1235] : memref<4096x200x128xf32, #tpu.memory_space<any>> -> memref<4096x1x128xf32, #tpu.memory_space<any>>
    %dma_wait3A_1237 = tpu.memref_squeeze %dma_wait3A_1236 : memref<4096x1x128xf32, #tpu.memory_space<any>> -> memref<4096x128xf32, #tpu.memory_space<any>>
    tpu.wait_dma2 semaphore(%arg2 : memref<!tpu.dma_semaphore, #tpu.memory_space<semaphore_mem>>) src(%arg0 : memref<4096x128xf32, #tpu.memory_space<vmem>>) dst(%dma_wait3A_1237 : memref<4096x128xf32, #tpu.memory_space<any>>)
    %dma_start3A_1238 = arith.constant 132 : i32
    %dma_start3A_1239 = arith.constant 0 : i32
    %dma_start3A_1240 = arith.constant 0 : i32
    %dma_start3A_1241 = tpu.memref_slice %arg1[%dma_start3A_1239, %dma_start3A_1238, %dma_start3A_1240] : memref<4096x200x128xf32, #tpu.memory_space<any>> -> memref<4096x1x128xf32, #tpu.memory_space<any>>
    %dma_start3A_1242 = tpu.memref_squeeze %dma_start3A_1241 : memref<4096x1x128xf32, #tpu.memory_space<any>> -> memref<4096x128xf32, #tpu.memory_space<any>>
    tpu.enqueue_dma source(%arg0 : memref<4096x128xf32, #tpu.memory_space<vmem>>) target(%dma_start3A_1242 : memref<4096x128xf32, #tpu.memory_space<any>>) target_semaphore(%arg2 : memref<!tpu.dma_semaphore, #tpu.memory_space<semaphore_mem>>)
    %dma_wait3A_1243 = arith.constant 116 : i32
    %dma_wait3A_1244 = arith.constant 0 : i32
    %dma_wait3A_1245 = arith.constant 0 : i32
    %dma_wait3A_1246 = tpu.memref_slice %arg1[%dma_wait3A_1244, %dma_wait3A_1243, %dma_wait3A_1245] : memref<4096x200x128xf32, #tpu.memory_space<any>> -> memref<4096x1x128xf32, #tpu.memory_space<any>>
    %dma_wait3A_1247 = tpu.memref_squeeze %dma_wait3A_1246 : memref<4096x1x128xf32, #tpu.memory_space<any>> -> memref<4096x128xf32, #tpu.memory_space<any>>
    tpu.wait_dma2 semaphore(%arg2 : memref<!tpu.dma_semaphore, #tpu.memory_space<semaphore_mem>>) src(%arg0 : memref<4096x128xf32, #tpu.memory_space<vmem>>) dst(%dma_wait3A_1247 : memref<4096x128xf32, #tpu.memory_space<any>>)
    %dma_start3A_1248 = arith.constant 133 : i32
    %dma_start3A_1249 = arith.constant 0 : i32
    %dma_start3A_1250 = arith.constant 0 : i32
    %dma_start3A_1251 = tpu.memref_slice %arg1[%dma_start3A_1249, %dma_start3A_1248, %dma_start3A_1250] : memref<4096x200x128xf32, #tpu.memory_space<any>> -> memref<4096x1x128xf32, #tpu.memory_space<any>>
    %dma_start3A_1252 = tpu.memref_squeeze %dma_start3A_1251 : memref<4096x1x128xf32, #tpu.memory_space<any>> -> memref<4096x128xf32, #tpu.memory_space<any>>
    tpu.enqueue_dma source(%arg0 : memref<4096x128xf32, #tpu.memory_space<vmem>>) target(%dma_start3A_1252 : memref<4096x128xf32, #tpu.memory_space<any>>) target_semaphore(%arg2 : memref<!tpu.dma_semaphore, #tpu.memory_space<semaphore_mem>>)
    %dma_wait3A_1253 = arith.constant 117 : i32
    %dma_wait3A_1254 = arith.constant 0 : i32
    %dma_wait3A_1255 = arith.constant 0 : i32
    %dma_wait3A_1256 = tpu.memref_slice %arg1[%dma_wait3A_1254, %dma_wait3A_1253, %dma_wait3A_1255] : memref<4096x200x128xf32, #tpu.memory_space<any>> -> memref<4096x1x128xf32, #tpu.memory_space<any>>
    %dma_wait3A_1257 = tpu.memref_squeeze %dma_wait3A_1256 : memref<4096x1x128xf32, #tpu.memory_space<any>> -> memref<4096x128xf32, #tpu.memory_space<any>>
    tpu.wait_dma2 semaphore(%arg2 : memref<!tpu.dma_semaphore, #tpu.memory_space<semaphore_mem>>) src(%arg0 : memref<4096x128xf32, #tpu.memory_space<vmem>>) dst(%dma_wait3A_1257 : memref<4096x128xf32, #tpu.memory_space<any>>)
    %dma_start3A_1258 = arith.constant 134 : i32
    %dma_start3A_1259 = arith.constant 0 : i32
    %dma_start3A_1260 = arith.constant 0 : i32
    %dma_start3A_1261 = tpu.memref_slice %arg1[%dma_start3A_1259, %dma_start3A_1258, %dma_start3A_1260] : memref<4096x200x128xf32, #tpu.memory_space<any>> -> memref<4096x1x128xf32, #tpu.memory_space<any>>
    %dma_start3A_1262 = tpu.memref_squeeze %dma_start3A_1261 : memref<4096x1x128xf32, #tpu.memory_space<any>> -> memref<4096x128xf32, #tpu.memory_space<any>>
    tpu.enqueue_dma source(%arg0 : memref<4096x128xf32, #tpu.memory_space<vmem>>) target(%dma_start3A_1262 : memref<4096x128xf32, #tpu.memory_space<any>>) target_semaphore(%arg2 : memref<!tpu.dma_semaphore, #tpu.memory_space<semaphore_mem>>)
    %dma_wait3A_1263 = arith.constant 118 : i32
    %dma_wait3A_1264 = arith.constant 0 : i32
    %dma_wait3A_1265 = arith.constant 0 : i32
    %dma_wait3A_1266 = tpu.memref_slice %arg1[%dma_wait3A_1264, %dma_wait3A_1263, %dma_wait3A_1265] : memref<4096x200x128xf32, #tpu.memory_space<any>> -> memref<4096x1x128xf32, #tpu.memory_space<any>>
    %dma_wait3A_1267 = tpu.memref_squeeze %dma_wait3A_1266 : memref<4096x1x128xf32, #tpu.memory_space<any>> -> memref<4096x128xf32, #tpu.memory_space<any>>
    tpu.wait_dma2 semaphore(%arg2 : memref<!tpu.dma_semaphore, #tpu.memory_space<semaphore_mem>>) src(%arg0 : memref<4096x128xf32, #tpu.memory_space<vmem>>) dst(%dma_wait3A_1267 : memref<4096x128xf32, #tpu.memory_space<any>>)
    %dma_start3A_1268 = arith.constant 135 : i32
    %dma_start3A_1269 = arith.constant 0 : i32
    %dma_start3A_1270 = arith.constant 0 : i32
    %dma_start3A_1271 = tpu.memref_slice %arg1[%dma_start3A_1269, %dma_start3A_1268, %dma_start3A_1270] : memref<4096x200x128xf32, #tpu.memory_space<any>> -> memref<4096x1x128xf32, #tpu.memory_space<any>>
    %dma_start3A_1272 = tpu.memref_squeeze %dma_start3A_1271 : memref<4096x1x128xf32, #tpu.memory_space<any>> -> memref<4096x128xf32, #tpu.memory_space<any>>
    tpu.enqueue_dma source(%arg0 : memref<4096x128xf32, #tpu.memory_space<vmem>>) target(%dma_start3A_1272 : memref<4096x128xf32, #tpu.memory_space<any>>) target_semaphore(%arg2 : memref<!tpu.dma_semaphore, #tpu.memory_space<semaphore_mem>>)
    %dma_wait3A_1273 = arith.constant 119 : i32
    %dma_wait3A_1274 = arith.constant 0 : i32
    %dma_wait3A_1275 = arith.constant 0 : i32
    %dma_wait3A_1276 = tpu.memref_slice %arg1[%dma_wait3A_1274, %dma_wait3A_1273, %dma_wait3A_1275] : memref<4096x200x128xf32, #tpu.memory_space<any>> -> memref<4096x1x128xf32, #tpu.memory_space<any>>
    %dma_wait3A_1277 = tpu.memref_squeeze %dma_wait3A_1276 : memref<4096x1x128xf32, #tpu.memory_space<any>> -> memref<4096x128xf32, #tpu.memory_space<any>>
    tpu.wait_dma2 semaphore(%arg2 : memref<!tpu.dma_semaphore, #tpu.memory_space<semaphore_mem>>) src(%arg0 : memref<4096x128xf32, #tpu.memory_space<vmem>>) dst(%dma_wait3A_1277 : memref<4096x128xf32, #tpu.memory_space<any>>)
    %dma_start3A_1278 = arith.constant 136 : i32
    %dma_start3A_1279 = arith.constant 0 : i32
    %dma_start3A_1280 = arith.constant 0 : i32
    %dma_start3A_1281 = tpu.memref_slice %arg1[%dma_start3A_1279, %dma_start3A_1278, %dma_start3A_1280] : memref<4096x200x128xf32, #tpu.memory_space<any>> -> memref<4096x1x128xf32, #tpu.memory_space<any>>
    %dma_start3A_1282 = tpu.memref_squeeze %dma_start3A_1281 : memref<4096x1x128xf32, #tpu.memory_space<any>> -> memref<4096x128xf32, #tpu.memory_space<any>>
    tpu.enqueue_dma source(%arg0 : memref<4096x128xf32, #tpu.memory_space<vmem>>) target(%dma_start3A_1282 : memref<4096x128xf32, #tpu.memory_space<any>>) target_semaphore(%arg2 : memref<!tpu.dma_semaphore, #tpu.memory_space<semaphore_mem>>)
    %dma_wait3A_1283 = arith.constant 120 : i32
    %dma_wait3A_1284 = arith.constant 0 : i32
    %dma_wait3A_1285 = arith.constant 0 : i32
    %dma_wait3A_1286 = tpu.memref_slice %arg1[%dma_wait3A_1284, %dma_wait3A_1283, %dma_wait3A_1285] : memref<4096x200x128xf32, #tpu.memory_space<any>> -> memref<4096x1x128xf32, #tpu.memory_space<any>>
    %dma_wait3A_1287 = tpu.memref_squeeze %dma_wait3A_1286 : memref<4096x1x128xf32, #tpu.memory_space<any>> -> memref<4096x128xf32, #tpu.memory_space<any>>
    tpu.wait_dma2 semaphore(%arg2 : memref<!tpu.dma_semaphore, #tpu.memory_space<semaphore_mem>>) src(%arg0 : memref<4096x128xf32, #tpu.memory_space<vmem>>) dst(%dma_wait3A_1287 : memref<4096x128xf32, #tpu.memory_space<any>>)
    %dma_start3A_1288 = arith.constant 137 : i32
    %dma_start3A_1289 = arith.constant 0 : i32
    %dma_start3A_1290 = arith.constant 0 : i32
    %dma_start3A_1291 = tpu.memref_slice %arg1[%dma_start3A_1289, %dma_start3A_1288, %dma_start3A_1290] : memref<4096x200x128xf32, #tpu.memory_space<any>> -> memref<4096x1x128xf32, #tpu.memory_space<any>>
    %dma_start3A_1292 = tpu.memref_squeeze %dma_start3A_1291 : memref<4096x1x128xf32, #tpu.memory_space<any>> -> memref<4096x128xf32, #tpu.memory_space<any>>
    tpu.enqueue_dma source(%arg0 : memref<4096x128xf32, #tpu.memory_space<vmem>>) target(%dma_start3A_1292 : memref<4096x128xf32, #tpu.memory_space<any>>) target_semaphore(%arg2 : memref<!tpu.dma_semaphore, #tpu.memory_space<semaphore_mem>>)
    %dma_wait3A_1293 = arith.constant 121 : i32
    %dma_wait3A_1294 = arith.constant 0 : i32
    %dma_wait3A_1295 = arith.constant 0 : i32
    %dma_wait3A_1296 = tpu.memref_slice %arg1[%dma_wait3A_1294, %dma_wait3A_1293, %dma_wait3A_1295] : memref<4096x200x128xf32, #tpu.memory_space<any>> -> memref<4096x1x128xf32, #tpu.memory_space<any>>
    %dma_wait3A_1297 = tpu.memref_squeeze %dma_wait3A_1296 : memref<4096x1x128xf32, #tpu.memory_space<any>> -> memref<4096x128xf32, #tpu.memory_space<any>>
    tpu.wait_dma2 semaphore(%arg2 : memref<!tpu.dma_semaphore, #tpu.memory_space<semaphore_mem>>) src(%arg0 : memref<4096x128xf32, #tpu.memory_space<vmem>>) dst(%dma_wait3A_1297 : memref<4096x128xf32, #tpu.memory_space<any>>)
    %dma_start3A_1298 = arith.constant 138 : i32
    %dma_start3A_1299 = arith.constant 0 : i32
    %dma_start3A_1300 = arith.constant 0 : i32
    %dma_start3A_1301 = tpu.memref_slice %arg1[%dma_start3A_1299, %dma_start3A_1298, %dma_start3A_1300] : memref<4096x200x128xf32, #tpu.memory_space<any>> -> memref<4096x1x128xf32, #tpu.memory_space<any>>
    %dma_start3A_1302 = tpu.memref_squeeze %dma_start3A_1301 : memref<4096x1x128xf32, #tpu.memory_space<any>> -> memref<4096x128xf32, #tpu.memory_space<any>>
    tpu.enqueue_dma source(%arg0 : memref<4096x128xf32, #tpu.memory_space<vmem>>) target(%dma_start3A_1302 : memref<4096x128xf32, #tpu.memory_space<any>>) target_semaphore(%arg2 : memref<!tpu.dma_semaphore, #tpu.memory_space<semaphore_mem>>)
    %dma_wait3A_1303 = arith.constant 122 : i32
    %dma_wait3A_1304 = arith.constant 0 : i32
    %dma_wait3A_1305 = arith.constant 0 : i32
    %dma_wait3A_1306 = tpu.memref_slice %arg1[%dma_wait3A_1304, %dma_wait3A_1303, %dma_wait3A_1305] : memref<4096x200x128xf32, #tpu.memory_space<any>> -> memref<4096x1x128xf32, #tpu.memory_space<any>>
    %dma_wait3A_1307 = tpu.memref_squeeze %dma_wait3A_1306 : memref<4096x1x128xf32, #tpu.memory_space<any>> -> memref<4096x128xf32, #tpu.memory_space<any>>
    tpu.wait_dma2 semaphore(%arg2 : memref<!tpu.dma_semaphore, #tpu.memory_space<semaphore_mem>>) src(%arg0 : memref<4096x128xf32, #tpu.memory_space<vmem>>) dst(%dma_wait3A_1307 : memref<4096x128xf32, #tpu.memory_space<any>>)
    %dma_start3A_1308 = arith.constant 139 : i32
    %dma_start3A_1309 = arith.constant 0 : i32
    %dma_start3A_1310 = arith.constant 0 : i32
    %dma_start3A_1311 = tpu.memref_slice %arg1[%dma_start3A_1309, %dma_start3A_1308, %dma_start3A_1310] : memref<4096x200x128xf32, #tpu.memory_space<any>> -> memref<4096x1x128xf32, #tpu.memory_space<any>>
    %dma_start3A_1312 = tpu.memref_squeeze %dma_start3A_1311 : memref<4096x1x128xf32, #tpu.memory_space<any>> -> memref<4096x128xf32, #tpu.memory_space<any>>
    tpu.enqueue_dma source(%arg0 : memref<4096x128xf32, #tpu.memory_space<vmem>>) target(%dma_start3A_1312 : memref<4096x128xf32, #tpu.memory_space<any>>) target_semaphore(%arg2 : memref<!tpu.dma_semaphore, #tpu.memory_space<semaphore_mem>>)
    %dma_wait3A_1313 = arith.constant 123 : i32
    %dma_wait3A_1314 = arith.constant 0 : i32
    %dma_wait3A_1315 = arith.constant 0 : i32
    %dma_wait3A_1316 = tpu.memref_slice %arg1[%dma_wait3A_1314, %dma_wait3A_1313, %dma_wait3A_1315] : memref<4096x200x128xf32, #tpu.memory_space<any>> -> memref<4096x1x128xf32, #tpu.memory_space<any>>
    %dma_wait3A_1317 = tpu.memref_squeeze %dma_wait3A_1316 : memref<4096x1x128xf32, #tpu.memory_space<any>> -> memref<4096x128xf32, #tpu.memory_space<any>>
    tpu.wait_dma2 semaphore(%arg2 : memref<!tpu.dma_semaphore, #tpu.memory_space<semaphore_mem>>) src(%arg0 : memref<4096x128xf32, #tpu.memory_space<vmem>>) dst(%dma_wait3A_1317 : memref<4096x128xf32, #tpu.memory_space<any>>)
    %dma_start3A_1318 = arith.constant 140 : i32
    %dma_start3A_1319 = arith.constant 0 : i32
    %dma_start3A_1320 = arith.constant 0 : i32
    %dma_start3A_1321 = tpu.memref_slice %arg1[%dma_start3A_1319, %dma_start3A_1318, %dma_start3A_1320] : memref<4096x200x128xf32, #tpu.memory_space<any>> -> memref<4096x1x128xf32, #tpu.memory_space<any>>
    %dma_start3A_1322 = tpu.memref_squeeze %dma_start3A_1321 : memref<4096x1x128xf32, #tpu.memory_space<any>> -> memref<4096x128xf32, #tpu.memory_space<any>>
    tpu.enqueue_dma source(%arg0 : memref<4096x128xf32, #tpu.memory_space<vmem>>) target(%dma_start3A_1322 : memref<4096x128xf32, #tpu.memory_space<any>>) target_semaphore(%arg2 : memref<!tpu.dma_semaphore, #tpu.memory_space<semaphore_mem>>)
    %dma_wait3A_1323 = arith.constant 124 : i32
    %dma_wait3A_1324 = arith.constant 0 : i32
    %dma_wait3A_1325 = arith.constant 0 : i32
    %dma_wait3A_1326 = tpu.memref_slice %arg1[%dma_wait3A_1324, %dma_wait3A_1323, %dma_wait3A_1325] : memref<4096x200x128xf32, #tpu.memory_space<any>> -> memref<4096x1x128xf32, #tpu.memory_space<any>>
    %dma_wait3A_1327 = tpu.memref_squeeze %dma_wait3A_1326 : memref<4096x1x128xf32, #tpu.memory_space<any>> -> memref<4096x128xf32, #tpu.memory_space<any>>
    tpu.wait_dma2 semaphore(%arg2 : memref<!tpu.dma_semaphore, #tpu.memory_space<semaphore_mem>>) src(%arg0 : memref<4096x128xf32, #tpu.memory_space<vmem>>) dst(%dma_wait3A_1327 : memref<4096x128xf32, #tpu.memory_space<any>>)
    %dma_start3A_1328 = arith.constant 141 : i32
    %dma_start3A_1329 = arith.constant 0 : i32
    %dma_start3A_1330 = arith.constant 0 : i32
    %dma_start3A_1331 = tpu.memref_slice %arg1[%dma_start3A_1329, %dma_start3A_1328, %dma_start3A_1330] : memref<4096x200x128xf32, #tpu.memory_space<any>> -> memref<4096x1x128xf32, #tpu.memory_space<any>>
    %dma_start3A_1332 = tpu.memref_squeeze %dma_start3A_1331 : memref<4096x1x128xf32, #tpu.memory_space<any>> -> memref<4096x128xf32, #tpu.memory_space<any>>
    tpu.enqueue_dma source(%arg0 : memref<4096x128xf32, #tpu.memory_space<vmem>>) target(%dma_start3A_1332 : memref<4096x128xf32, #tpu.memory_space<any>>) target_semaphore(%arg2 : memref<!tpu.dma_semaphore, #tpu.memory_space<semaphore_mem>>)
    %dma_wait3A_1333 = arith.constant 125 : i32
    %dma_wait3A_1334 = arith.constant 0 : i32
    %dma_wait3A_1335 = arith.constant 0 : i32
    %dma_wait3A_1336 = tpu.memref_slice %arg1[%dma_wait3A_1334, %dma_wait3A_1333, %dma_wait3A_1335] : memref<4096x200x128xf32, #tpu.memory_space<any>> -> memref<4096x1x128xf32, #tpu.memory_space<any>>
    %dma_wait3A_1337 = tpu.memref_squeeze %dma_wait3A_1336 : memref<4096x1x128xf32, #tpu.memory_space<any>> -> memref<4096x128xf32, #tpu.memory_space<any>>
    tpu.wait_dma2 semaphore(%arg2 : memref<!tpu.dma_semaphore, #tpu.memory_space<semaphore_mem>>) src(%arg0 : memref<4096x128xf32, #tpu.memory_space<vmem>>) dst(%dma_wait3A_1337 : memref<4096x128xf32, #tpu.memory_space<any>>)
    %dma_start3A_1338 = arith.constant 142 : i32
    %dma_start3A_1339 = arith.constant 0 : i32
    %dma_start3A_1340 = arith.constant 0 : i32
    %dma_start3A_1341 = tpu.memref_slice %arg1[%dma_start3A_1339, %dma_start3A_1338, %dma_start3A_1340] : memref<4096x200x128xf32, #tpu.memory_space<any>> -> memref<4096x1x128xf32, #tpu.memory_space<any>>
    %dma_start3A_1342 = tpu.memref_squeeze %dma_start3A_1341 : memref<4096x1x128xf32, #tpu.memory_space<any>> -> memref<4096x128xf32, #tpu.memory_space<any>>
    tpu.enqueue_dma source(%arg0 : memref<4096x128xf32, #tpu.memory_space<vmem>>) target(%dma_start3A_1342 : memref<4096x128xf32, #tpu.memory_space<any>>) target_semaphore(%arg2 : memref<!tpu.dma_semaphore, #tpu.memory_space<semaphore_mem>>)
    %dma_wait3A_1343 = arith.constant 126 : i32
    %dma_wait3A_1344 = arith.constant 0 : i32
    %dma_wait3A_1345 = arith.constant 0 : i32
    %dma_wait3A_1346 = tpu.memref_slice %arg1[%dma_wait3A_1344, %dma_wait3A_1343, %dma_wait3A_1345] : memref<4096x200x128xf32, #tpu.memory_space<any>> -> memref<4096x1x128xf32, #tpu.memory_space<any>>
    %dma_wait3A_1347 = tpu.memref_squeeze %dma_wait3A_1346 : memref<4096x1x128xf32, #tpu.memory_space<any>> -> memref<4096x128xf32, #tpu.memory_space<any>>
    tpu.wait_dma2 semaphore(%arg2 : memref<!tpu.dma_semaphore, #tpu.memory_space<semaphore_mem>>) src(%arg0 : memref<4096x128xf32, #tpu.memory_space<vmem>>) dst(%dma_wait3A_1347 : memref<4096x128xf32, #tpu.memory_space<any>>)
    %dma_start3A_1348 = arith.constant 143 : i32
    %dma_start3A_1349 = arith.constant 0 : i32
    %dma_start3A_1350 = arith.constant 0 : i32
    %dma_start3A_1351 = tpu.memref_slice %arg1[%dma_start3A_1349, %dma_start3A_1348, %dma_start3A_1350] : memref<4096x200x128xf32, #tpu.memory_space<any>> -> memref<4096x1x128xf32, #tpu.memory_space<any>>
    %dma_start3A_1352 = tpu.memref_squeeze %dma_start3A_1351 : memref<4096x1x128xf32, #tpu.memory_space<any>> -> memref<4096x128xf32, #tpu.memory_space<any>>
    tpu.enqueue_dma source(%arg0 : memref<4096x128xf32, #tpu.memory_space<vmem>>) target(%dma_start3A_1352 : memref<4096x128xf32, #tpu.memory_space<any>>) target_semaphore(%arg2 : memref<!tpu.dma_semaphore, #tpu.memory_space<semaphore_mem>>)
    %dma_wait3A_1353 = arith.constant 127 : i32
    %dma_wait3A_1354 = arith.constant 0 : i32
    %dma_wait3A_1355 = arith.constant 0 : i32
    %dma_wait3A_1356 = tpu.memref_slice %arg1[%dma_wait3A_1354, %dma_wait3A_1353, %dma_wait3A_1355] : memref<4096x200x128xf32, #tpu.memory_space<any>> -> memref<4096x1x128xf32, #tpu.memory_space<any>>
    %dma_wait3A_1357 = tpu.memref_squeeze %dma_wait3A_1356 : memref<4096x1x128xf32, #tpu.memory_space<any>> -> memref<4096x128xf32, #tpu.memory_space<any>>
    tpu.wait_dma2 semaphore(%arg2 : memref<!tpu.dma_semaphore, #tpu.memory_space<semaphore_mem>>) src(%arg0 : memref<4096x128xf32, #tpu.memory_space<vmem>>) dst(%dma_wait3A_1357 : memref<4096x128xf32, #tpu.memory_space<any>>)
    %dma_start3A_1358 = arith.constant 144 : i32
    %dma_start3A_1359 = arith.constant 0 : i32
    %dma_start3A_1360 = arith.constant 0 : i32
    %dma_start3A_1361 = tpu.memref_slice %arg1[%dma_start3A_1359, %dma_start3A_1358, %dma_start3A_1360] : memref<4096x200x128xf32, #tpu.memory_space<any>> -> memref<4096x1x128xf32, #tpu.memory_space<any>>
    %dma_start3A_1362 = tpu.memref_squeeze %dma_start3A_1361 : memref<4096x1x128xf32, #tpu.memory_space<any>> -> memref<4096x128xf32, #tpu.memory_space<any>>
    tpu.enqueue_dma source(%arg0 : memref<4096x128xf32, #tpu.memory_space<vmem>>) target(%dma_start3A_1362 : memref<4096x128xf32, #tpu.memory_space<any>>) target_semaphore(%arg2 : memref<!tpu.dma_semaphore, #tpu.memory_space<semaphore_mem>>)
    %dma_wait3A_1363 = arith.constant 128 : i32
    %dma_wait3A_1364 = arith.constant 0 : i32
    %dma_wait3A_1365 = arith.constant 0 : i32
    %dma_wait3A_1366 = tpu.memref_slice %arg1[%dma_wait3A_1364, %dma_wait3A_1363, %dma_wait3A_1365] : memref<4096x200x128xf32, #tpu.memory_space<any>> -> memref<4096x1x128xf32, #tpu.memory_space<any>>
    %dma_wait3A_1367 = tpu.memref_squeeze %dma_wait3A_1366 : memref<4096x1x128xf32, #tpu.memory_space<any>> -> memref<4096x128xf32, #tpu.memory_space<any>>
    tpu.wait_dma2 semaphore(%arg2 : memref<!tpu.dma_semaphore, #tpu.memory_space<semaphore_mem>>) src(%arg0 : memref<4096x128xf32, #tpu.memory_space<vmem>>) dst(%dma_wait3A_1367 : memref<4096x128xf32, #tpu.memory_space<any>>)
    %dma_start3A_1368 = arith.constant 145 : i32
    %dma_start3A_1369 = arith.constant 0 : i32
    %dma_start3A_1370 = arith.constant 0 : i32
    %dma_start3A_1371 = tpu.memref_slice %arg1[%dma_start3A_1369, %dma_start3A_1368, %dma_start3A_1370] : memref<4096x200x128xf32, #tpu.memory_space<any>> -> memref<4096x1x128xf32, #tpu.memory_space<any>>
    %dma_start3A_1372 = tpu.memref_squeeze %dma_start3A_1371 : memref<4096x1x128xf32, #tpu.memory_space<any>> -> memref<4096x128xf32, #tpu.memory_space<any>>
    tpu.enqueue_dma source(%arg0 : memref<4096x128xf32, #tpu.memory_space<vmem>>) target(%dma_start3A_1372 : memref<4096x128xf32, #tpu.memory_space<any>>) target_semaphore(%arg2 : memref<!tpu.dma_semaphore, #tpu.memory_space<semaphore_mem>>)
    %dma_wait3A_1373 = arith.constant 129 : i32
    %dma_wait3A_1374 = arith.constant 0 : i32
    %dma_wait3A_1375 = arith.constant 0 : i32
    %dma_wait3A_1376 = tpu.memref_slice %arg1[%dma_wait3A_1374, %dma_wait3A_1373, %dma_wait3A_1375] : memref<4096x200x128xf32, #tpu.memory_space<any>> -> memref<4096x1x128xf32, #tpu.memory_space<any>>
    %dma_wait3A_1377 = tpu.memref_squeeze %dma_wait3A_1376 : memref<4096x1x128xf32, #tpu.memory_space<any>> -> memref<4096x128xf32, #tpu.memory_space<any>>
    tpu.wait_dma2 semaphore(%arg2 : memref<!tpu.dma_semaphore, #tpu.memory_space<semaphore_mem>>) src(%arg0 : memref<4096x128xf32, #tpu.memory_space<vmem>>) dst(%dma_wait3A_1377 : memref<4096x128xf32, #tpu.memory_space<any>>)
    %dma_start3A_1378 = arith.constant 146 : i32
    %dma_start3A_1379 = arith.constant 0 : i32
    %dma_start3A_1380 = arith.constant 0 : i32
    %dma_start3A_1381 = tpu.memref_slice %arg1[%dma_start3A_1379, %dma_start3A_1378, %dma_start3A_1380] : memref<4096x200x128xf32, #tpu.memory_space<any>> -> memref<4096x1x128xf32, #tpu.memory_space<any>>
    %dma_start3A_1382 = tpu.memref_squeeze %dma_start3A_1381 : memref<4096x1x128xf32, #tpu.memory_space<any>> -> memref<4096x128xf32, #tpu.memory_space<any>>
    tpu.enqueue_dma source(%arg0 : memref<4096x128xf32, #tpu.memory_space<vmem>>) target(%dma_start3A_1382 : memref<4096x128xf32, #tpu.memory_space<any>>) target_semaphore(%arg2 : memref<!tpu.dma_semaphore, #tpu.memory_space<semaphore_mem>>)
    %dma_wait3A_1383 = arith.constant 130 : i32
    %dma_wait3A_1384 = arith.constant 0 : i32
    %dma_wait3A_1385 = arith.constant 0 : i32
    %dma_wait3A_1386 = tpu.memref_slice %arg1[%dma_wait3A_1384, %dma_wait3A_1383, %dma_wait3A_1385] : memref<4096x200x128xf32, #tpu.memory_space<any>> -> memref<4096x1x128xf32, #tpu.memory_space<any>>
    %dma_wait3A_1387 = tpu.memref_squeeze %dma_wait3A_1386 : memref<4096x1x128xf32, #tpu.memory_space<any>> -> memref<4096x128xf32, #tpu.memory_space<any>>
    tpu.wait_dma2 semaphore(%arg2 : memref<!tpu.dma_semaphore, #tpu.memory_space<semaphore_mem>>) src(%arg0 : memref<4096x128xf32, #tpu.memory_space<vmem>>) dst(%dma_wait3A_1387 : memref<4096x128xf32, #tpu.memory_space<any>>)
    %dma_start3A_1388 = arith.constant 147 : i32
    %dma_start3A_1389 = arith.constant 0 : i32
    %dma_start3A_1390 = arith.constant 0 : i32
    %dma_start3A_1391 = tpu.memref_slice %arg1[%dma_start3A_1389, %dma_start3A_1388, %dma_start3A_1390] : memref<4096x200x128xf32, #tpu.memory_space<any>> -> memref<4096x1x128xf32, #tpu.memory_space<any>>
    %dma_start3A_1392 = tpu.memref_squeeze %dma_start3A_1391 : memref<4096x1x128xf32, #tpu.memory_space<any>> -> memref<4096x128xf32, #tpu.memory_space<any>>
    tpu.enqueue_dma source(%arg0 : memref<4096x128xf32, #tpu.memory_space<vmem>>) target(%dma_start3A_1392 : memref<4096x128xf32, #tpu.memory_space<any>>) target_semaphore(%arg2 : memref<!tpu.dma_semaphore, #tpu.memory_space<semaphore_mem>>)
    %dma_wait3A_1393 = arith.constant 131 : i32
    %dma_wait3A_1394 = arith.constant 0 : i32
    %dma_wait3A_1395 = arith.constant 0 : i32
    %dma_wait3A_1396 = tpu.memref_slice %arg1[%dma_wait3A_1394, %dma_wait3A_1393, %dma_wait3A_1395] : memref<4096x200x128xf32, #tpu.memory_space<any>> -> memref<4096x1x128xf32, #tpu.memory_space<any>>
    %dma_wait3A_1397 = tpu.memref_squeeze %dma_wait3A_1396 : memref<4096x1x128xf32, #tpu.memory_space<any>> -> memref<4096x128xf32, #tpu.memory_space<any>>
    tpu.wait_dma2 semaphore(%arg2 : memref<!tpu.dma_semaphore, #tpu.memory_space<semaphore_mem>>) src(%arg0 : memref<4096x128xf32, #tpu.memory_space<vmem>>) dst(%dma_wait3A_1397 : memref<4096x128xf32, #tpu.memory_space<any>>)
    %dma_start3A_1398 = arith.constant 148 : i32
    %dma_start3A_1399 = arith.constant 0 : i32
    %dma_start3A_1400 = arith.constant 0 : i32
    %dma_start3A_1401 = tpu.memref_slice %arg1[%dma_start3A_1399, %dma_start3A_1398, %dma_start3A_1400] : memref<4096x200x128xf32, #tpu.memory_space<any>> -> memref<4096x1x128xf32, #tpu.memory_space<any>>
    %dma_start3A_1402 = tpu.memref_squeeze %dma_start3A_1401 : memref<4096x1x128xf32, #tpu.memory_space<any>> -> memref<4096x128xf32, #tpu.memory_space<any>>
    tpu.enqueue_dma source(%arg0 : memref<4096x128xf32, #tpu.memory_space<vmem>>) target(%dma_start3A_1402 : memref<4096x128xf32, #tpu.memory_space<any>>) target_semaphore(%arg2 : memref<!tpu.dma_semaphore, #tpu.memory_space<semaphore_mem>>)
    %dma_wait3A_1403 = arith.constant 132 : i32
    %dma_wait3A_1404 = arith.constant 0 : i32
    %dma_wait3A_1405 = arith.constant 0 : i32
    %dma_wait3A_1406 = tpu.memref_slice %arg1[%dma_wait3A_1404, %dma_wait3A_1403, %dma_wait3A_1405] : memref<4096x200x128xf32, #tpu.memory_space<any>> -> memref<4096x1x128xf32, #tpu.memory_space<any>>
    %dma_wait3A_1407 = tpu.memref_squeeze %dma_wait3A_1406 : memref<4096x1x128xf32, #tpu.memory_space<any>> -> memref<4096x128xf32, #tpu.memory_space<any>>
    tpu.wait_dma2 semaphore(%arg2 : memref<!tpu.dma_semaphore, #tpu.memory_space<semaphore_mem>>) src(%arg0 : memref<4096x128xf32, #tpu.memory_space<vmem>>) dst(%dma_wait3A_1407 : memref<4096x128xf32, #tpu.memory_space<any>>)
    %dma_start3A_1408 = arith.constant 149 : i32
    %dma_start3A_1409 = arith.constant 0 : i32
    %dma_start3A_1410 = arith.constant 0 : i32
    %dma_start3A_1411 = tpu.memref_slice %arg1[%dma_start3A_1409, %dma_start3A_1408, %dma_start3A_1410] : memref<4096x200x128xf32, #tpu.memory_space<any>> -> memref<4096x1x128xf32, #tpu.memory_space<any>>
    %dma_start3A_1412 = tpu.memref_squeeze %dma_start3A_1411 : memref<4096x1x128xf32, #tpu.memory_space<any>> -> memref<4096x128xf32, #tpu.memory_space<any>>
    tpu.enqueue_dma source(%arg0 : memref<4096x128xf32, #tpu.memory_space<vmem>>) target(%dma_start3A_1412 : memref<4096x128xf32, #tpu.memory_space<any>>) target_semaphore(%arg2 : memref<!tpu.dma_semaphore, #tpu.memory_space<semaphore_mem>>)
    %dma_wait3A_1413 = arith.constant 133 : i32
    %dma_wait3A_1414 = arith.constant 0 : i32
    %dma_wait3A_1415 = arith.constant 0 : i32
    %dma_wait3A_1416 = tpu.memref_slice %arg1[%dma_wait3A_1414, %dma_wait3A_1413, %dma_wait3A_1415] : memref<4096x200x128xf32, #tpu.memory_space<any>> -> memref<4096x1x128xf32, #tpu.memory_space<any>>
    %dma_wait3A_1417 = tpu.memref_squeeze %dma_wait3A_1416 : memref<4096x1x128xf32, #tpu.memory_space<any>> -> memref<4096x128xf32, #tpu.memory_space<any>>
    tpu.wait_dma2 semaphore(%arg2 : memref<!tpu.dma_semaphore, #tpu.memory_space<semaphore_mem>>) src(%arg0 : memref<4096x128xf32, #tpu.memory_space<vmem>>) dst(%dma_wait3A_1417 : memref<4096x128xf32, #tpu.memory_space<any>>)
    %dma_start3A_1418 = arith.constant 150 : i32
    %dma_start3A_1419 = arith.constant 0 : i32
    %dma_start3A_1420 = arith.constant 0 : i32
    %dma_start3A_1421 = tpu.memref_slice %arg1[%dma_start3A_1419, %dma_start3A_1418, %dma_start3A_1420] : memref<4096x200x128xf32, #tpu.memory_space<any>> -> memref<4096x1x128xf32, #tpu.memory_space<any>>
    %dma_start3A_1422 = tpu.memref_squeeze %dma_start3A_1421 : memref<4096x1x128xf32, #tpu.memory_space<any>> -> memref<4096x128xf32, #tpu.memory_space<any>>
    tpu.enqueue_dma source(%arg0 : memref<4096x128xf32, #tpu.memory_space<vmem>>) target(%dma_start3A_1422 : memref<4096x128xf32, #tpu.memory_space<any>>) target_semaphore(%arg2 : memref<!tpu.dma_semaphore, #tpu.memory_space<semaphore_mem>>)
    %dma_wait3A_1423 = arith.constant 134 : i32
    %dma_wait3A_1424 = arith.constant 0 : i32
    %dma_wait3A_1425 = arith.constant 0 : i32
    %dma_wait3A_1426 = tpu.memref_slice %arg1[%dma_wait3A_1424, %dma_wait3A_1423, %dma_wait3A_1425] : memref<4096x200x128xf32, #tpu.memory_space<any>> -> memref<4096x1x128xf32, #tpu.memory_space<any>>
    %dma_wait3A_1427 = tpu.memref_squeeze %dma_wait3A_1426 : memref<4096x1x128xf32, #tpu.memory_space<any>> -> memref<4096x128xf32, #tpu.memory_space<any>>
    tpu.wait_dma2 semaphore(%arg2 : memref<!tpu.dma_semaphore, #tpu.memory_space<semaphore_mem>>) src(%arg0 : memref<4096x128xf32, #tpu.memory_space<vmem>>) dst(%dma_wait3A_1427 : memref<4096x128xf32, #tpu.memory_space<any>>)
    %dma_start3A_1428 = arith.constant 151 : i32
    %dma_start3A_1429 = arith.constant 0 : i32
    %dma_start3A_1430 = arith.constant 0 : i32
    %dma_start3A_1431 = tpu.memref_slice %arg1[%dma_start3A_1429, %dma_start3A_1428, %dma_start3A_1430] : memref<4096x200x128xf32, #tpu.memory_space<any>> -> memref<4096x1x128xf32, #tpu.memory_space<any>>
    %dma_start3A_1432 = tpu.memref_squeeze %dma_start3A_1431 : memref<4096x1x128xf32, #tpu.memory_space<any>> -> memref<4096x128xf32, #tpu.memory_space<any>>
    tpu.enqueue_dma source(%arg0 : memref<4096x128xf32, #tpu.memory_space<vmem>>) target(%dma_start3A_1432 : memref<4096x128xf32, #tpu.memory_space<any>>) target_semaphore(%arg2 : memref<!tpu.dma_semaphore, #tpu.memory_space<semaphore_mem>>)
    %dma_wait3A_1433 = arith.constant 135 : i32
    %dma_wait3A_1434 = arith.constant 0 : i32
    %dma_wait3A_1435 = arith.constant 0 : i32
    %dma_wait3A_1436 = tpu.memref_slice %arg1[%dma_wait3A_1434, %dma_wait3A_1433, %dma_wait3A_1435] : memref<4096x200x128xf32, #tpu.memory_space<any>> -> memref<4096x1x128xf32, #tpu.memory_space<any>>
    %dma_wait3A_1437 = tpu.memref_squeeze %dma_wait3A_1436 : memref<4096x1x128xf32, #tpu.memory_space<any>> -> memref<4096x128xf32, #tpu.memory_space<any>>
    tpu.wait_dma2 semaphore(%arg2 : memref<!tpu.dma_semaphore, #tpu.memory_space<semaphore_mem>>) src(%arg0 : memref<4096x128xf32, #tpu.memory_space<vmem>>) dst(%dma_wait3A_1437 : memref<4096x128xf32, #tpu.memory_space<any>>)
    %dma_start3A_1438 = arith.constant 152 : i32
    %dma_start3A_1439 = arith.constant 0 : i32
    %dma_start3A_1440 = arith.constant 0 : i32
    %dma_start3A_1441 = tpu.memref_slice %arg1[%dma_start3A_1439, %dma_start3A_1438, %dma_start3A_1440] : memref<4096x200x128xf32, #tpu.memory_space<any>> -> memref<4096x1x128xf32, #tpu.memory_space<any>>
    %dma_start3A_1442 = tpu.memref_squeeze %dma_start3A_1441 : memref<4096x1x128xf32, #tpu.memory_space<any>> -> memref<4096x128xf32, #tpu.memory_space<any>>
    tpu.enqueue_dma source(%arg0 : memref<4096x128xf32, #tpu.memory_space<vmem>>) target(%dma_start3A_1442 : memref<4096x128xf32, #tpu.memory_space<any>>) target_semaphore(%arg2 : memref<!tpu.dma_semaphore, #tpu.memory_space<semaphore_mem>>)
    %dma_wait3A_1443 = arith.constant 136 : i32
    %dma_wait3A_1444 = arith.constant 0 : i32
    %dma_wait3A_1445 = arith.constant 0 : i32
    %dma_wait3A_1446 = tpu.memref_slice %arg1[%dma_wait3A_1444, %dma_wait3A_1443, %dma_wait3A_1445] : memref<4096x200x128xf32, #tpu.memory_space<any>> -> memref<4096x1x128xf32, #tpu.memory_space<any>>
    %dma_wait3A_1447 = tpu.memref_squeeze %dma_wait3A_1446 : memref<4096x1x128xf32, #tpu.memory_space<any>> -> memref<4096x128xf32, #tpu.memory_space<any>>
    tpu.wait_dma2 semaphore(%arg2 : memref<!tpu.dma_semaphore, #tpu.memory_space<semaphore_mem>>) src(%arg0 : memref<4096x128xf32, #tpu.memory_space<vmem>>) dst(%dma_wait3A_1447 : memref<4096x128xf32, #tpu.memory_space<any>>)
    %dma_start3A_1448 = arith.constant 153 : i32
    %dma_start3A_1449 = arith.constant 0 : i32
    %dma_start3A_1450 = arith.constant 0 : i32
    %dma_start3A_1451 = tpu.memref_slice %arg1[%dma_start3A_1449, %dma_start3A_1448, %dma_start3A_1450] : memref<4096x200x128xf32, #tpu.memory_space<any>> -> memref<4096x1x128xf32, #tpu.memory_space<any>>
    %dma_start3A_1452 = tpu.memref_squeeze %dma_start3A_1451 : memref<4096x1x128xf32, #tpu.memory_space<any>> -> memref<4096x128xf32, #tpu.memory_space<any>>
    tpu.enqueue_dma source(%arg0 : memref<4096x128xf32, #tpu.memory_space<vmem>>) target(%dma_start3A_1452 : memref<4096x128xf32, #tpu.memory_space<any>>) target_semaphore(%arg2 : memref<!tpu.dma_semaphore, #tpu.memory_space<semaphore_mem>>)
    %dma_wait3A_1453 = arith.constant 137 : i32
    %dma_wait3A_1454 = arith.constant 0 : i32
    %dma_wait3A_1455 = arith.constant 0 : i32
    %dma_wait3A_1456 = tpu.memref_slice %arg1[%dma_wait3A_1454, %dma_wait3A_1453, %dma_wait3A_1455] : memref<4096x200x128xf32, #tpu.memory_space<any>> -> memref<4096x1x128xf32, #tpu.memory_space<any>>
    %dma_wait3A_1457 = tpu.memref_squeeze %dma_wait3A_1456 : memref<4096x1x128xf32, #tpu.memory_space<any>> -> memref<4096x128xf32, #tpu.memory_space<any>>
    tpu.wait_dma2 semaphore(%arg2 : memref<!tpu.dma_semaphore, #tpu.memory_space<semaphore_mem>>) src(%arg0 : memref<4096x128xf32, #tpu.memory_space<vmem>>) dst(%dma_wait3A_1457 : memref<4096x128xf32, #tpu.memory_space<any>>)
    %dma_start3A_1458 = arith.constant 154 : i32
    %dma_start3A_1459 = arith.constant 0 : i32
    %dma_start3A_1460 = arith.constant 0 : i32
    %dma_start3A_1461 = tpu.memref_slice %arg1[%dma_start3A_1459, %dma_start3A_1458, %dma_start3A_1460] : memref<4096x200x128xf32, #tpu.memory_space<any>> -> memref<4096x1x128xf32, #tpu.memory_space<any>>
    %dma_start3A_1462 = tpu.memref_squeeze %dma_start3A_1461 : memref<4096x1x128xf32, #tpu.memory_space<any>> -> memref<4096x128xf32, #tpu.memory_space<any>>
    tpu.enqueue_dma source(%arg0 : memref<4096x128xf32, #tpu.memory_space<vmem>>) target(%dma_start3A_1462 : memref<4096x128xf32, #tpu.memory_space<any>>) target_semaphore(%arg2 : memref<!tpu.dma_semaphore, #tpu.memory_space<semaphore_mem>>)
    %dma_wait3A_1463 = arith.constant 138 : i32
    %dma_wait3A_1464 = arith.constant 0 : i32
    %dma_wait3A_1465 = arith.constant 0 : i32
    %dma_wait3A_1466 = tpu.memref_slice %arg1[%dma_wait3A_1464, %dma_wait3A_1463, %dma_wait3A_1465] : memref<4096x200x128xf32, #tpu.memory_space<any>> -> memref<4096x1x128xf32, #tpu.memory_space<any>>
    %dma_wait3A_1467 = tpu.memref_squeeze %dma_wait3A_1466 : memref<4096x1x128xf32, #tpu.memory_space<any>> -> memref<4096x128xf32, #tpu.memory_space<any>>
    tpu.wait_dma2 semaphore(%arg2 : memref<!tpu.dma_semaphore, #tpu.memory_space<semaphore_mem>>) src(%arg0 : memref<4096x128xf32, #tpu.memory_space<vmem>>) dst(%dma_wait3A_1467 : memref<4096x128xf32, #tpu.memory_space<any>>)
    %dma_start3A_1468 = arith.constant 155 : i32
    %dma_start3A_1469 = arith.constant 0 : i32
    %dma_start3A_1470 = arith.constant 0 : i32
    %dma_start3A_1471 = tpu.memref_slice %arg1[%dma_start3A_1469, %dma_start3A_1468, %dma_start3A_1470] : memref<4096x200x128xf32, #tpu.memory_space<any>> -> memref<4096x1x128xf32, #tpu.memory_space<any>>
    %dma_start3A_1472 = tpu.memref_squeeze %dma_start3A_1471 : memref<4096x1x128xf32, #tpu.memory_space<any>> -> memref<4096x128xf32, #tpu.memory_space<any>>
    tpu.enqueue_dma source(%arg0 : memref<4096x128xf32, #tpu.memory_space<vmem>>) target(%dma_start3A_1472 : memref<4096x128xf32, #tpu.memory_space<any>>) target_semaphore(%arg2 : memref<!tpu.dma_semaphore, #tpu.memory_space<semaphore_mem>>)
    %dma_wait3A_1473 = arith.constant 139 : i32
    %dma_wait3A_1474 = arith.constant 0 : i32
    %dma_wait3A_1475 = arith.constant 0 : i32
    %dma_wait3A_1476 = tpu.memref_slice %arg1[%dma_wait3A_1474, %dma_wait3A_1473, %dma_wait3A_1475] : memref<4096x200x128xf32, #tpu.memory_space<any>> -> memref<4096x1x128xf32, #tpu.memory_space<any>>
    %dma_wait3A_1477 = tpu.memref_squeeze %dma_wait3A_1476 : memref<4096x1x128xf32, #tpu.memory_space<any>> -> memref<4096x128xf32, #tpu.memory_space<any>>
    tpu.wait_dma2 semaphore(%arg2 : memref<!tpu.dma_semaphore, #tpu.memory_space<semaphore_mem>>) src(%arg0 : memref<4096x128xf32, #tpu.memory_space<vmem>>) dst(%dma_wait3A_1477 : memref<4096x128xf32, #tpu.memory_space<any>>)
    %dma_start3A_1478 = arith.constant 156 : i32
    %dma_start3A_1479 = arith.constant 0 : i32
    %dma_start3A_1480 = arith.constant 0 : i32
    %dma_start3A_1481 = tpu.memref_slice %arg1[%dma_start3A_1479, %dma_start3A_1478, %dma_start3A_1480] : memref<4096x200x128xf32, #tpu.memory_space<any>> -> memref<4096x1x128xf32, #tpu.memory_space<any>>
    %dma_start3A_1482 = tpu.memref_squeeze %dma_start3A_1481 : memref<4096x1x128xf32, #tpu.memory_space<any>> -> memref<4096x128xf32, #tpu.memory_space<any>>
    tpu.enqueue_dma source(%arg0 : memref<4096x128xf32, #tpu.memory_space<vmem>>) target(%dma_start3A_1482 : memref<4096x128xf32, #tpu.memory_space<any>>) target_semaphore(%arg2 : memref<!tpu.dma_semaphore, #tpu.memory_space<semaphore_mem>>)
    %dma_wait3A_1483 = arith.constant 140 : i32
    %dma_wait3A_1484 = arith.constant 0 : i32
    %dma_wait3A_1485 = arith.constant 0 : i32
    %dma_wait3A_1486 = tpu.memref_slice %arg1[%dma_wait3A_1484, %dma_wait3A_1483, %dma_wait3A_1485] : memref<4096x200x128xf32, #tpu.memory_space<any>> -> memref<4096x1x128xf32, #tpu.memory_space<any>>
    %dma_wait3A_1487 = tpu.memref_squeeze %dma_wait3A_1486 : memref<4096x1x128xf32, #tpu.memory_space<any>> -> memref<4096x128xf32, #tpu.memory_space<any>>
    tpu.wait_dma2 semaphore(%arg2 : memref<!tpu.dma_semaphore, #tpu.memory_space<semaphore_mem>>) src(%arg0 : memref<4096x128xf32, #tpu.memory_space<vmem>>) dst(%dma_wait3A_1487 : memref<4096x128xf32, #tpu.memory_space<any>>)
    %dma_start3A_1488 = arith.constant 157 : i32
    %dma_start3A_1489 = arith.constant 0 : i32
    %dma_start3A_1490 = arith.constant 0 : i32
    %dma_start3A_1491 = tpu.memref_slice %arg1[%dma_start3A_1489, %dma_start3A_1488, %dma_start3A_1490] : memref<4096x200x128xf32, #tpu.memory_space<any>> -> memref<4096x1x128xf32, #tpu.memory_space<any>>
    %dma_start3A_1492 = tpu.memref_squeeze %dma_start3A_1491 : memref<4096x1x128xf32, #tpu.memory_space<any>> -> memref<4096x128xf32, #tpu.memory_space<any>>
    tpu.enqueue_dma source(%arg0 : memref<4096x128xf32, #tpu.memory_space<vmem>>) target(%dma_start3A_1492 : memref<4096x128xf32, #tpu.memory_space<any>>) target_semaphore(%arg2 : memref<!tpu.dma_semaphore, #tpu.memory_space<semaphore_mem>>)
    %dma_wait3A_1493 = arith.constant 141 : i32
    %dma_wait3A_1494 = arith.constant 0 : i32
    %dma_wait3A_1495 = arith.constant 0 : i32
    %dma_wait3A_1496 = tpu.memref_slice %arg1[%dma_wait3A_1494, %dma_wait3A_1493, %dma_wait3A_1495] : memref<4096x200x128xf32, #tpu.memory_space<any>> -> memref<4096x1x128xf32, #tpu.memory_space<any>>
    %dma_wait3A_1497 = tpu.memref_squeeze %dma_wait3A_1496 : memref<4096x1x128xf32, #tpu.memory_space<any>> -> memref<4096x128xf32, #tpu.memory_space<any>>
    tpu.wait_dma2 semaphore(%arg2 : memref<!tpu.dma_semaphore, #tpu.memory_space<semaphore_mem>>) src(%arg0 : memref<4096x128xf32, #tpu.memory_space<vmem>>) dst(%dma_wait3A_1497 : memref<4096x128xf32, #tpu.memory_space<any>>)
    %dma_start3A_1498 = arith.constant 158 : i32
    %dma_start3A_1499 = arith.constant 0 : i32
    %dma_start3A_1500 = arith.constant 0 : i32
    %dma_start3A_1501 = tpu.memref_slice %arg1[%dma_start3A_1499, %dma_start3A_1498, %dma_start3A_1500] : memref<4096x200x128xf32, #tpu.memory_space<any>> -> memref<4096x1x128xf32, #tpu.memory_space<any>>
    %dma_start3A_1502 = tpu.memref_squeeze %dma_start3A_1501 : memref<4096x1x128xf32, #tpu.memory_space<any>> -> memref<4096x128xf32, #tpu.memory_space<any>>
    tpu.enqueue_dma source(%arg0 : memref<4096x128xf32, #tpu.memory_space<vmem>>) target(%dma_start3A_1502 : memref<4096x128xf32, #tpu.memory_space<any>>) target_semaphore(%arg2 : memref<!tpu.dma_semaphore, #tpu.memory_space<semaphore_mem>>)
    %dma_wait3A_1503 = arith.constant 142 : i32
    %dma_wait3A_1504 = arith.constant 0 : i32
    %dma_wait3A_1505 = arith.constant 0 : i32
    %dma_wait3A_1506 = tpu.memref_slice %arg1[%dma_wait3A_1504, %dma_wait3A_1503, %dma_wait3A_1505] : memref<4096x200x128xf32, #tpu.memory_space<any>> -> memref<4096x1x128xf32, #tpu.memory_space<any>>
    %dma_wait3A_1507 = tpu.memref_squeeze %dma_wait3A_1506 : memref<4096x1x128xf32, #tpu.memory_space<any>> -> memref<4096x128xf32, #tpu.memory_space<any>>
    tpu.wait_dma2 semaphore(%arg2 : memref<!tpu.dma_semaphore, #tpu.memory_space<semaphore_mem>>) src(%arg0 : memref<4096x128xf32, #tpu.memory_space<vmem>>) dst(%dma_wait3A_1507 : memref<4096x128xf32, #tpu.memory_space<any>>)
    %dma_start3A_1508 = arith.constant 159 : i32
    %dma_start3A_1509 = arith.constant 0 : i32
    %dma_start3A_1510 = arith.constant 0 : i32
    %dma_start3A_1511 = tpu.memref_slice %arg1[%dma_start3A_1509, %dma_start3A_1508, %dma_start3A_1510] : memref<4096x200x128xf32, #tpu.memory_space<any>> -> memref<4096x1x128xf32, #tpu.memory_space<any>>
    %dma_start3A_1512 = tpu.memref_squeeze %dma_start3A_1511 : memref<4096x1x128xf32, #tpu.memory_space<any>> -> memref<4096x128xf32, #tpu.memory_space<any>>
    tpu.enqueue_dma source(%arg0 : memref<4096x128xf32, #tpu.memory_space<vmem>>) target(%dma_start3A_1512 : memref<4096x128xf32, #tpu.memory_space<any>>) target_semaphore(%arg2 : memref<!tpu.dma_semaphore, #tpu.memory_space<semaphore_mem>>)
    %dma_wait3A_1513 = arith.constant 143 : i32
    %dma_wait3A_1514 = arith.constant 0 : i32
    %dma_wait3A_1515 = arith.constant 0 : i32
    %dma_wait3A_1516 = tpu.memref_slice %arg1[%dma_wait3A_1514, %dma_wait3A_1513, %dma_wait3A_1515] : memref<4096x200x128xf32, #tpu.memory_space<any>> -> memref<4096x1x128xf32, #tpu.memory_space<any>>
    %dma_wait3A_1517 = tpu.memref_squeeze %dma_wait3A_1516 : memref<4096x1x128xf32, #tpu.memory_space<any>> -> memref<4096x128xf32, #tpu.memory_space<any>>
    tpu.wait_dma2 semaphore(%arg2 : memref<!tpu.dma_semaphore, #tpu.memory_space<semaphore_mem>>) src(%arg0 : memref<4096x128xf32, #tpu.memory_space<vmem>>) dst(%dma_wait3A_1517 : memref<4096x128xf32, #tpu.memory_space<any>>)
    %dma_start3A_1518 = arith.constant 160 : i32
    %dma_start3A_1519 = arith.constant 0 : i32
    %dma_start3A_1520 = arith.constant 0 : i32
    %dma_start3A_1521 = tpu.memref_slice %arg1[%dma_start3A_1519, %dma_start3A_1518, %dma_start3A_1520] : memref<4096x200x128xf32, #tpu.memory_space<any>> -> memref<4096x1x128xf32, #tpu.memory_space<any>>
    %dma_start3A_1522 = tpu.memref_squeeze %dma_start3A_1521 : memref<4096x1x128xf32, #tpu.memory_space<any>> -> memref<4096x128xf32, #tpu.memory_space<any>>
    tpu.enqueue_dma source(%arg0 : memref<4096x128xf32, #tpu.memory_space<vmem>>) target(%dma_start3A_1522 : memref<4096x128xf32, #tpu.memory_space<any>>) target_semaphore(%arg2 : memref<!tpu.dma_semaphore, #tpu.memory_space<semaphore_mem>>)
    %dma_wait3A_1523 = arith.constant 144 : i32
    %dma_wait3A_1524 = arith.constant 0 : i32
    %dma_wait3A_1525 = arith.constant 0 : i32
    %dma_wait3A_1526 = tpu.memref_slice %arg1[%dma_wait3A_1524, %dma_wait3A_1523, %dma_wait3A_1525] : memref<4096x200x128xf32, #tpu.memory_space<any>> -> memref<4096x1x128xf32, #tpu.memory_space<any>>
    %dma_wait3A_1527 = tpu.memref_squeeze %dma_wait3A_1526 : memref<4096x1x128xf32, #tpu.memory_space<any>> -> memref<4096x128xf32, #tpu.memory_space<any>>
    tpu.wait_dma2 semaphore(%arg2 : memref<!tpu.dma_semaphore, #tpu.memory_space<semaphore_mem>>) src(%arg0 : memref<4096x128xf32, #tpu.memory_space<vmem>>) dst(%dma_wait3A_1527 : memref<4096x128xf32, #tpu.memory_space<any>>)
    %dma_start3A_1528 = arith.constant 161 : i32
    %dma_start3A_1529 = arith.constant 0 : i32
    %dma_start3A_1530 = arith.constant 0 : i32
    %dma_start3A_1531 = tpu.memref_slice %arg1[%dma_start3A_1529, %dma_start3A_1528, %dma_start3A_1530] : memref<4096x200x128xf32, #tpu.memory_space<any>> -> memref<4096x1x128xf32, #tpu.memory_space<any>>
    %dma_start3A_1532 = tpu.memref_squeeze %dma_start3A_1531 : memref<4096x1x128xf32, #tpu.memory_space<any>> -> memref<4096x128xf32, #tpu.memory_space<any>>
    tpu.enqueue_dma source(%arg0 : memref<4096x128xf32, #tpu.memory_space<vmem>>) target(%dma_start3A_1532 : memref<4096x128xf32, #tpu.memory_space<any>>) target_semaphore(%arg2 : memref<!tpu.dma_semaphore, #tpu.memory_space<semaphore_mem>>)
    %dma_wait3A_1533 = arith.constant 145 : i32
    %dma_wait3A_1534 = arith.constant 0 : i32
    %dma_wait3A_1535 = arith.constant 0 : i32
    %dma_wait3A_1536 = tpu.memref_slice %arg1[%dma_wait3A_1534, %dma_wait3A_1533, %dma_wait3A_1535] : memref<4096x200x128xf32, #tpu.memory_space<any>> -> memref<4096x1x128xf32, #tpu.memory_space<any>>
    %dma_wait3A_1537 = tpu.memref_squeeze %dma_wait3A_1536 : memref<4096x1x128xf32, #tpu.memory_space<any>> -> memref<4096x128xf32, #tpu.memory_space<any>>
    tpu.wait_dma2 semaphore(%arg2 : memref<!tpu.dma_semaphore, #tpu.memory_space<semaphore_mem>>) src(%arg0 : memref<4096x128xf32, #tpu.memory_space<vmem>>) dst(%dma_wait3A_1537 : memref<4096x128xf32, #tpu.memory_space<any>>)
    %dma_start3A_1538 = arith.constant 162 : i32
    %dma_start3A_1539 = arith.constant 0 : i32
    %dma_start3A_1540 = arith.constant 0 : i32
    %dma_start3A_1541 = tpu.memref_slice %arg1[%dma_start3A_1539, %dma_start3A_1538, %dma_start3A_1540] : memref<4096x200x128xf32, #tpu.memory_space<any>> -> memref<4096x1x128xf32, #tpu.memory_space<any>>
    %dma_start3A_1542 = tpu.memref_squeeze %dma_start3A_1541 : memref<4096x1x128xf32, #tpu.memory_space<any>> -> memref<4096x128xf32, #tpu.memory_space<any>>
    tpu.enqueue_dma source(%arg0 : memref<4096x128xf32, #tpu.memory_space<vmem>>) target(%dma_start3A_1542 : memref<4096x128xf32, #tpu.memory_space<any>>) target_semaphore(%arg2 : memref<!tpu.dma_semaphore, #tpu.memory_space<semaphore_mem>>)
    %dma_wait3A_1543 = arith.constant 146 : i32
    %dma_wait3A_1544 = arith.constant 0 : i32
    %dma_wait3A_1545 = arith.constant 0 : i32
    %dma_wait3A_1546 = tpu.memref_slice %arg1[%dma_wait3A_1544, %dma_wait3A_1543, %dma_wait3A_1545] : memref<4096x200x128xf32, #tpu.memory_space<any>> -> memref<4096x1x128xf32, #tpu.memory_space<any>>
    %dma_wait3A_1547 = tpu.memref_squeeze %dma_wait3A_1546 : memref<4096x1x128xf32, #tpu.memory_space<any>> -> memref<4096x128xf32, #tpu.memory_space<any>>
    tpu.wait_dma2 semaphore(%arg2 : memref<!tpu.dma_semaphore, #tpu.memory_space<semaphore_mem>>) src(%arg0 : memref<4096x128xf32, #tpu.memory_space<vmem>>) dst(%dma_wait3A_1547 : memref<4096x128xf32, #tpu.memory_space<any>>)
    %dma_start3A_1548 = arith.constant 163 : i32
    %dma_start3A_1549 = arith.constant 0 : i32
    %dma_start3A_1550 = arith.constant 0 : i32
    %dma_start3A_1551 = tpu.memref_slice %arg1[%dma_start3A_1549, %dma_start3A_1548, %dma_start3A_1550] : memref<4096x200x128xf32, #tpu.memory_space<any>> -> memref<4096x1x128xf32, #tpu.memory_space<any>>
    %dma_start3A_1552 = tpu.memref_squeeze %dma_start3A_1551 : memref<4096x1x128xf32, #tpu.memory_space<any>> -> memref<4096x128xf32, #tpu.memory_space<any>>
    tpu.enqueue_dma source(%arg0 : memref<4096x128xf32, #tpu.memory_space<vmem>>) target(%dma_start3A_1552 : memref<4096x128xf32, #tpu.memory_space<any>>) target_semaphore(%arg2 : memref<!tpu.dma_semaphore, #tpu.memory_space<semaphore_mem>>)
    %dma_wait3A_1553 = arith.constant 147 : i32
    %dma_wait3A_1554 = arith.constant 0 : i32
    %dma_wait3A_1555 = arith.constant 0 : i32
    %dma_wait3A_1556 = tpu.memref_slice %arg1[%dma_wait3A_1554, %dma_wait3A_1553, %dma_wait3A_1555] : memref<4096x200x128xf32, #tpu.memory_space<any>> -> memref<4096x1x128xf32, #tpu.memory_space<any>>
    %dma_wait3A_1557 = tpu.memref_squeeze %dma_wait3A_1556 : memref<4096x1x128xf32, #tpu.memory_space<any>> -> memref<4096x128xf32, #tpu.memory_space<any>>
    tpu.wait_dma2 semaphore(%arg2 : memref<!tpu.dma_semaphore, #tpu.memory_space<semaphore_mem>>) src(%arg0 : memref<4096x128xf32, #tpu.memory_space<vmem>>) dst(%dma_wait3A_1557 : memref<4096x128xf32, #tpu.memory_space<any>>)
    %dma_start3A_1558 = arith.constant 164 : i32
    %dma_start3A_1559 = arith.constant 0 : i32
    %dma_start3A_1560 = arith.constant 0 : i32
    %dma_start3A_1561 = tpu.memref_slice %arg1[%dma_start3A_1559, %dma_start3A_1558, %dma_start3A_1560] : memref<4096x200x128xf32, #tpu.memory_space<any>> -> memref<4096x1x128xf32, #tpu.memory_space<any>>
    %dma_start3A_1562 = tpu.memref_squeeze %dma_start3A_1561 : memref<4096x1x128xf32, #tpu.memory_space<any>> -> memref<4096x128xf32, #tpu.memory_space<any>>
    tpu.enqueue_dma source(%arg0 : memref<4096x128xf32, #tpu.memory_space<vmem>>) target(%dma_start3A_1562 : memref<4096x128xf32, #tpu.memory_space<any>>) target_semaphore(%arg2 : memref<!tpu.dma_semaphore, #tpu.memory_space<semaphore_mem>>)
    %dma_wait3A_1563 = arith.constant 148 : i32
    %dma_wait3A_1564 = arith.constant 0 : i32
    %dma_wait3A_1565 = arith.constant 0 : i32
    %dma_wait3A_1566 = tpu.memref_slice %arg1[%dma_wait3A_1564, %dma_wait3A_1563, %dma_wait3A_1565] : memref<4096x200x128xf32, #tpu.memory_space<any>> -> memref<4096x1x128xf32, #tpu.memory_space<any>>
    %dma_wait3A_1567 = tpu.memref_squeeze %dma_wait3A_1566 : memref<4096x1x128xf32, #tpu.memory_space<any>> -> memref<4096x128xf32, #tpu.memory_space<any>>
    tpu.wait_dma2 semaphore(%arg2 : memref<!tpu.dma_semaphore, #tpu.memory_space<semaphore_mem>>) src(%arg0 : memref<4096x128xf32, #tpu.memory_space<vmem>>) dst(%dma_wait3A_1567 : memref<4096x128xf32, #tpu.memory_space<any>>)
    %dma_start3A_1568 = arith.constant 165 : i32
    %dma_start3A_1569 = arith.constant 0 : i32
    %dma_start3A_1570 = arith.constant 0 : i32
    %dma_start3A_1571 = tpu.memref_slice %arg1[%dma_start3A_1569, %dma_start3A_1568, %dma_start3A_1570] : memref<4096x200x128xf32, #tpu.memory_space<any>> -> memref<4096x1x128xf32, #tpu.memory_space<any>>
    %dma_start3A_1572 = tpu.memref_squeeze %dma_start3A_1571 : memref<4096x1x128xf32, #tpu.memory_space<any>> -> memref<4096x128xf32, #tpu.memory_space<any>>
    tpu.enqueue_dma source(%arg0 : memref<4096x128xf32, #tpu.memory_space<vmem>>) target(%dma_start3A_1572 : memref<4096x128xf32, #tpu.memory_space<any>>) target_semaphore(%arg2 : memref<!tpu.dma_semaphore, #tpu.memory_space<semaphore_mem>>)
    %dma_wait3A_1573 = arith.constant 149 : i32
    %dma_wait3A_1574 = arith.constant 0 : i32
    %dma_wait3A_1575 = arith.constant 0 : i32
    %dma_wait3A_1576 = tpu.memref_slice %arg1[%dma_wait3A_1574, %dma_wait3A_1573, %dma_wait3A_1575] : memref<4096x200x128xf32, #tpu.memory_space<any>> -> memref<4096x1x128xf32, #tpu.memory_space<any>>
    %dma_wait3A_1577 = tpu.memref_squeeze %dma_wait3A_1576 : memref<4096x1x128xf32, #tpu.memory_space<any>> -> memref<4096x128xf32, #tpu.memory_space<any>>
    tpu.wait_dma2 semaphore(%arg2 : memref<!tpu.dma_semaphore, #tpu.memory_space<semaphore_mem>>) src(%arg0 : memref<4096x128xf32, #tpu.memory_space<vmem>>) dst(%dma_wait3A_1577 : memref<4096x128xf32, #tpu.memory_space<any>>)
    %dma_start3A_1578 = arith.constant 166 : i32
    %dma_start3A_1579 = arith.constant 0 : i32
    %dma_start3A_1580 = arith.constant 0 : i32
    %dma_start3A_1581 = tpu.memref_slice %arg1[%dma_start3A_1579, %dma_start3A_1578, %dma_start3A_1580] : memref<4096x200x128xf32, #tpu.memory_space<any>> -> memref<4096x1x128xf32, #tpu.memory_space<any>>
    %dma_start3A_1582 = tpu.memref_squeeze %dma_start3A_1581 : memref<4096x1x128xf32, #tpu.memory_space<any>> -> memref<4096x128xf32, #tpu.memory_space<any>>
    tpu.enqueue_dma source(%arg0 : memref<4096x128xf32, #tpu.memory_space<vmem>>) target(%dma_start3A_1582 : memref<4096x128xf32, #tpu.memory_space<any>>) target_semaphore(%arg2 : memref<!tpu.dma_semaphore, #tpu.memory_space<semaphore_mem>>)
    %dma_wait3A_1583 = arith.constant 150 : i32
    %dma_wait3A_1584 = arith.constant 0 : i32
    %dma_wait3A_1585 = arith.constant 0 : i32
    %dma_wait3A_1586 = tpu.memref_slice %arg1[%dma_wait3A_1584, %dma_wait3A_1583, %dma_wait3A_1585] : memref<4096x200x128xf32, #tpu.memory_space<any>> -> memref<4096x1x128xf32, #tpu.memory_space<any>>
    %dma_wait3A_1587 = tpu.memref_squeeze %dma_wait3A_1586 : memref<4096x1x128xf32, #tpu.memory_space<any>> -> memref<4096x128xf32, #tpu.memory_space<any>>
    tpu.wait_dma2 semaphore(%arg2 : memref<!tpu.dma_semaphore, #tpu.memory_space<semaphore_mem>>) src(%arg0 : memref<4096x128xf32, #tpu.memory_space<vmem>>) dst(%dma_wait3A_1587 : memref<4096x128xf32, #tpu.memory_space<any>>)
    %dma_start3A_1588 = arith.constant 167 : i32
    %dma_start3A_1589 = arith.constant 0 : i32
    %dma_start3A_1590 = arith.constant 0 : i32
    %dma_start3A_1591 = tpu.memref_slice %arg1[%dma_start3A_1589, %dma_start3A_1588, %dma_start3A_1590] : memref<4096x200x128xf32, #tpu.memory_space<any>> -> memref<4096x1x128xf32, #tpu.memory_space<any>>
    %dma_start3A_1592 = tpu.memref_squeeze %dma_start3A_1591 : memref<4096x1x128xf32, #tpu.memory_space<any>> -> memref<4096x128xf32, #tpu.memory_space<any>>
    tpu.enqueue_dma source(%arg0 : memref<4096x128xf32, #tpu.memory_space<vmem>>) target(%dma_start3A_1592 : memref<4096x128xf32, #tpu.memory_space<any>>) target_semaphore(%arg2 : memref<!tpu.dma_semaphore, #tpu.memory_space<semaphore_mem>>)
    %dma_wait3A_1593 = arith.constant 151 : i32
    %dma_wait3A_1594 = arith.constant 0 : i32
    %dma_wait3A_1595 = arith.constant 0 : i32
    %dma_wait3A_1596 = tpu.memref_slice %arg1[%dma_wait3A_1594, %dma_wait3A_1593, %dma_wait3A_1595] : memref<4096x200x128xf32, #tpu.memory_space<any>> -> memref<4096x1x128xf32, #tpu.memory_space<any>>
    %dma_wait3A_1597 = tpu.memref_squeeze %dma_wait3A_1596 : memref<4096x1x128xf32, #tpu.memory_space<any>> -> memref<4096x128xf32, #tpu.memory_space<any>>
    tpu.wait_dma2 semaphore(%arg2 : memref<!tpu.dma_semaphore, #tpu.memory_space<semaphore_mem>>) src(%arg0 : memref<4096x128xf32, #tpu.memory_space<vmem>>) dst(%dma_wait3A_1597 : memref<4096x128xf32, #tpu.memory_space<any>>)
    %dma_start3A_1598 = arith.constant 168 : i32
    %dma_start3A_1599 = arith.constant 0 : i32
    %dma_start3A_1600 = arith.constant 0 : i32
    %dma_start3A_1601 = tpu.memref_slice %arg1[%dma_start3A_1599, %dma_start3A_1598, %dma_start3A_1600] : memref<4096x200x128xf32, #tpu.memory_space<any>> -> memref<4096x1x128xf32, #tpu.memory_space<any>>
    %dma_start3A_1602 = tpu.memref_squeeze %dma_start3A_1601 : memref<4096x1x128xf32, #tpu.memory_space<any>> -> memref<4096x128xf32, #tpu.memory_space<any>>
    tpu.enqueue_dma source(%arg0 : memref<4096x128xf32, #tpu.memory_space<vmem>>) target(%dma_start3A_1602 : memref<4096x128xf32, #tpu.memory_space<any>>) target_semaphore(%arg2 : memref<!tpu.dma_semaphore, #tpu.memory_space<semaphore_mem>>)
    %dma_wait3A_1603 = arith.constant 152 : i32
    %dma_wait3A_1604 = arith.constant 0 : i32
    %dma_wait3A_1605 = arith.constant 0 : i32
    %dma_wait3A_1606 = tpu.memref_slice %arg1[%dma_wait3A_1604, %dma_wait3A_1603, %dma_wait3A_1605] : memref<4096x200x128xf32, #tpu.memory_space<any>> -> memref<4096x1x128xf32, #tpu.memory_space<any>>
    %dma_wait3A_1607 = tpu.memref_squeeze %dma_wait3A_1606 : memref<4096x1x128xf32, #tpu.memory_space<any>> -> memref<4096x128xf32, #tpu.memory_space<any>>
    tpu.wait_dma2 semaphore(%arg2 : memref<!tpu.dma_semaphore, #tpu.memory_space<semaphore_mem>>) src(%arg0 : memref<4096x128xf32, #tpu.memory_space<vmem>>) dst(%dma_wait3A_1607 : memref<4096x128xf32, #tpu.memory_space<any>>)
    %dma_start3A_1608 = arith.constant 169 : i32
    %dma_start3A_1609 = arith.constant 0 : i32
    %dma_start3A_1610 = arith.constant 0 : i32
    %dma_start3A_1611 = tpu.memref_slice %arg1[%dma_start3A_1609, %dma_start3A_1608, %dma_start3A_1610] : memref<4096x200x128xf32, #tpu.memory_space<any>> -> memref<4096x1x128xf32, #tpu.memory_space<any>>
    %dma_start3A_1612 = tpu.memref_squeeze %dma_start3A_1611 : memref<4096x1x128xf32, #tpu.memory_space<any>> -> memref<4096x128xf32, #tpu.memory_space<any>>
    tpu.enqueue_dma source(%arg0 : memref<4096x128xf32, #tpu.memory_space<vmem>>) target(%dma_start3A_1612 : memref<4096x128xf32, #tpu.memory_space<any>>) target_semaphore(%arg2 : memref<!tpu.dma_semaphore, #tpu.memory_space<semaphore_mem>>)
    %dma_wait3A_1613 = arith.constant 153 : i32
    %dma_wait3A_1614 = arith.constant 0 : i32
    %dma_wait3A_1615 = arith.constant 0 : i32
    %dma_wait3A_1616 = tpu.memref_slice %arg1[%dma_wait3A_1614, %dma_wait3A_1613, %dma_wait3A_1615] : memref<4096x200x128xf32, #tpu.memory_space<any>> -> memref<4096x1x128xf32, #tpu.memory_space<any>>
    %dma_wait3A_1617 = tpu.memref_squeeze %dma_wait3A_1616 : memref<4096x1x128xf32, #tpu.memory_space<any>> -> memref<4096x128xf32, #tpu.memory_space<any>>
    tpu.wait_dma2 semaphore(%arg2 : memref<!tpu.dma_semaphore, #tpu.memory_space<semaphore_mem>>) src(%arg0 : memref<4096x128xf32, #tpu.memory_space<vmem>>) dst(%dma_wait3A_1617 : memref<4096x128xf32, #tpu.memory_space<any>>)
    %dma_start3A_1618 = arith.constant 170 : i32
    %dma_start3A_1619 = arith.constant 0 : i32
    %dma_start3A_1620 = arith.constant 0 : i32
    %dma_start3A_1621 = tpu.memref_slice %arg1[%dma_start3A_1619, %dma_start3A_1618, %dma_start3A_1620] : memref<4096x200x128xf32, #tpu.memory_space<any>> -> memref<4096x1x128xf32, #tpu.memory_space<any>>
    %dma_start3A_1622 = tpu.memref_squeeze %dma_start3A_1621 : memref<4096x1x128xf32, #tpu.memory_space<any>> -> memref<4096x128xf32, #tpu.memory_space<any>>
    tpu.enqueue_dma source(%arg0 : memref<4096x128xf32, #tpu.memory_space<vmem>>) target(%dma_start3A_1622 : memref<4096x128xf32, #tpu.memory_space<any>>) target_semaphore(%arg2 : memref<!tpu.dma_semaphore, #tpu.memory_space<semaphore_mem>>)
    %dma_wait3A_1623 = arith.constant 154 : i32
    %dma_wait3A_1624 = arith.constant 0 : i32
    %dma_wait3A_1625 = arith.constant 0 : i32
    %dma_wait3A_1626 = tpu.memref_slice %arg1[%dma_wait3A_1624, %dma_wait3A_1623, %dma_wait3A_1625] : memref<4096x200x128xf32, #tpu.memory_space<any>> -> memref<4096x1x128xf32, #tpu.memory_space<any>>
    %dma_wait3A_1627 = tpu.memref_squeeze %dma_wait3A_1626 : memref<4096x1x128xf32, #tpu.memory_space<any>> -> memref<4096x128xf32, #tpu.memory_space<any>>
    tpu.wait_dma2 semaphore(%arg2 : memref<!tpu.dma_semaphore, #tpu.memory_space<semaphore_mem>>) src(%arg0 : memref<4096x128xf32, #tpu.memory_space<vmem>>) dst(%dma_wait3A_1627 : memref<4096x128xf32, #tpu.memory_space<any>>)
    %dma_start3A_1628 = arith.constant 171 : i32
    %dma_start3A_1629 = arith.constant 0 : i32
    %dma_start3A_1630 = arith.constant 0 : i32
    %dma_start3A_1631 = tpu.memref_slice %arg1[%dma_start3A_1629, %dma_start3A_1628, %dma_start3A_1630] : memref<4096x200x128xf32, #tpu.memory_space<any>> -> memref<4096x1x128xf32, #tpu.memory_space<any>>
    %dma_start3A_1632 = tpu.memref_squeeze %dma_start3A_1631 : memref<4096x1x128xf32, #tpu.memory_space<any>> -> memref<4096x128xf32, #tpu.memory_space<any>>
    tpu.enqueue_dma source(%arg0 : memref<4096x128xf32, #tpu.memory_space<vmem>>) target(%dma_start3A_1632 : memref<4096x128xf32, #tpu.memory_space<any>>) target_semaphore(%arg2 : memref<!tpu.dma_semaphore, #tpu.memory_space<semaphore_mem>>)
    %dma_wait3A_1633 = arith.constant 155 : i32
    %dma_wait3A_1634 = arith.constant 0 : i32
    %dma_wait3A_1635 = arith.constant 0 : i32
    %dma_wait3A_1636 = tpu.memref_slice %arg1[%dma_wait3A_1634, %dma_wait3A_1633, %dma_wait3A_1635] : memref<4096x200x128xf32, #tpu.memory_space<any>> -> memref<4096x1x128xf32, #tpu.memory_space<any>>
    %dma_wait3A_1637 = tpu.memref_squeeze %dma_wait3A_1636 : memref<4096x1x128xf32, #tpu.memory_space<any>> -> memref<4096x128xf32, #tpu.memory_space<any>>
    tpu.wait_dma2 semaphore(%arg2 : memref<!tpu.dma_semaphore, #tpu.memory_space<semaphore_mem>>) src(%arg0 : memref<4096x128xf32, #tpu.memory_space<vmem>>) dst(%dma_wait3A_1637 : memref<4096x128xf32, #tpu.memory_space<any>>)
    %dma_start3A_1638 = arith.constant 172 : i32
    %dma_start3A_1639 = arith.constant 0 : i32
    %dma_start3A_1640 = arith.constant 0 : i32
    %dma_start3A_1641 = tpu.memref_slice %arg1[%dma_start3A_1639, %dma_start3A_1638, %dma_start3A_1640] : memref<4096x200x128xf32, #tpu.memory_space<any>> -> memref<4096x1x128xf32, #tpu.memory_space<any>>
    %dma_start3A_1642 = tpu.memref_squeeze %dma_start3A_1641 : memref<4096x1x128xf32, #tpu.memory_space<any>> -> memref<4096x128xf32, #tpu.memory_space<any>>
    tpu.enqueue_dma source(%arg0 : memref<4096x128xf32, #tpu.memory_space<vmem>>) target(%dma_start3A_1642 : memref<4096x128xf32, #tpu.memory_space<any>>) target_semaphore(%arg2 : memref<!tpu.dma_semaphore, #tpu.memory_space<semaphore_mem>>)
    %dma_wait3A_1643 = arith.constant 156 : i32
    %dma_wait3A_1644 = arith.constant 0 : i32
    %dma_wait3A_1645 = arith.constant 0 : i32
    %dma_wait3A_1646 = tpu.memref_slice %arg1[%dma_wait3A_1644, %dma_wait3A_1643, %dma_wait3A_1645] : memref<4096x200x128xf32, #tpu.memory_space<any>> -> memref<4096x1x128xf32, #tpu.memory_space<any>>
    %dma_wait3A_1647 = tpu.memref_squeeze %dma_wait3A_1646 : memref<4096x1x128xf32, #tpu.memory_space<any>> -> memref<4096x128xf32, #tpu.memory_space<any>>
    tpu.wait_dma2 semaphore(%arg2 : memref<!tpu.dma_semaphore, #tpu.memory_space<semaphore_mem>>) src(%arg0 : memref<4096x128xf32, #tpu.memory_space<vmem>>) dst(%dma_wait3A_1647 : memref<4096x128xf32, #tpu.memory_space<any>>)
    %dma_start3A_1648 = arith.constant 173 : i32
    %dma_start3A_1649 = arith.constant 0 : i32
    %dma_start3A_1650 = arith.constant 0 : i32
    %dma_start3A_1651 = tpu.memref_slice %arg1[%dma_start3A_1649, %dma_start3A_1648, %dma_start3A_1650] : memref<4096x200x128xf32, #tpu.memory_space<any>> -> memref<4096x1x128xf32, #tpu.memory_space<any>>
    %dma_start3A_1652 = tpu.memref_squeeze %dma_start3A_1651 : memref<4096x1x128xf32, #tpu.memory_space<any>> -> memref<4096x128xf32, #tpu.memory_space<any>>
    tpu.enqueue_dma source(%arg0 : memref<4096x128xf32, #tpu.memory_space<vmem>>) target(%dma_start3A_1652 : memref<4096x128xf32, #tpu.memory_space<any>>) target_semaphore(%arg2 : memref<!tpu.dma_semaphore, #tpu.memory_space<semaphore_mem>>)
    %dma_wait3A_1653 = arith.constant 157 : i32
    %dma_wait3A_1654 = arith.constant 0 : i32
    %dma_wait3A_1655 = arith.constant 0 : i32
    %dma_wait3A_1656 = tpu.memref_slice %arg1[%dma_wait3A_1654, %dma_wait3A_1653, %dma_wait3A_1655] : memref<4096x200x128xf32, #tpu.memory_space<any>> -> memref<4096x1x128xf32, #tpu.memory_space<any>>
    %dma_wait3A_1657 = tpu.memref_squeeze %dma_wait3A_1656 : memref<4096x1x128xf32, #tpu.memory_space<any>> -> memref<4096x128xf32, #tpu.memory_space<any>>
    tpu.wait_dma2 semaphore(%arg2 : memref<!tpu.dma_semaphore, #tpu.memory_space<semaphore_mem>>) src(%arg0 : memref<4096x128xf32, #tpu.memory_space<vmem>>) dst(%dma_wait3A_1657 : memref<4096x128xf32, #tpu.memory_space<any>>)
    %dma_start3A_1658 = arith.constant 174 : i32
    %dma_start3A_1659 = arith.constant 0 : i32
    %dma_start3A_1660 = arith.constant 0 : i32
    %dma_start3A_1661 = tpu.memref_slice %arg1[%dma_start3A_1659, %dma_start3A_1658, %dma_start3A_1660] : memref<4096x200x128xf32, #tpu.memory_space<any>> -> memref<4096x1x128xf32, #tpu.memory_space<any>>
    %dma_start3A_1662 = tpu.memref_squeeze %dma_start3A_1661 : memref<4096x1x128xf32, #tpu.memory_space<any>> -> memref<4096x128xf32, #tpu.memory_space<any>>
    tpu.enqueue_dma source(%arg0 : memref<4096x128xf32, #tpu.memory_space<vmem>>) target(%dma_start3A_1662 : memref<4096x128xf32, #tpu.memory_space<any>>) target_semaphore(%arg2 : memref<!tpu.dma_semaphore, #tpu.memory_space<semaphore_mem>>)
    %dma_wait3A_1663 = arith.constant 158 : i32
    %dma_wait3A_1664 = arith.constant 0 : i32
    %dma_wait3A_1665 = arith.constant 0 : i32
    %dma_wait3A_1666 = tpu.memref_slice %arg1[%dma_wait3A_1664, %dma_wait3A_1663, %dma_wait3A_1665] : memref<4096x200x128xf32, #tpu.memory_space<any>> -> memref<4096x1x128xf32, #tpu.memory_space<any>>
    %dma_wait3A_1667 = tpu.memref_squeeze %dma_wait3A_1666 : memref<4096x1x128xf32, #tpu.memory_space<any>> -> memref<4096x128xf32, #tpu.memory_space<any>>
    tpu.wait_dma2 semaphore(%arg2 : memref<!tpu.dma_semaphore, #tpu.memory_space<semaphore_mem>>) src(%arg0 : memref<4096x128xf32, #tpu.memory_space<vmem>>) dst(%dma_wait3A_1667 : memref<4096x128xf32, #tpu.memory_space<any>>)
    %dma_start3A_1668 = arith.constant 175 : i32
    %dma_start3A_1669 = arith.constant 0 : i32
    %dma_start3A_1670 = arith.constant 0 : i32
    %dma_start3A_1671 = tpu.memref_slice %arg1[%dma_start3A_1669, %dma_start3A_1668, %dma_start3A_1670] : memref<4096x200x128xf32, #tpu.memory_space<any>> -> memref<4096x1x128xf32, #tpu.memory_space<any>>
    %dma_start3A_1672 = tpu.memref_squeeze %dma_start3A_1671 : memref<4096x1x128xf32, #tpu.memory_space<any>> -> memref<4096x128xf32, #tpu.memory_space<any>>
    tpu.enqueue_dma source(%arg0 : memref<4096x128xf32, #tpu.memory_space<vmem>>) target(%dma_start3A_1672 : memref<4096x128xf32, #tpu.memory_space<any>>) target_semaphore(%arg2 : memref<!tpu.dma_semaphore, #tpu.memory_space<semaphore_mem>>)
    %dma_wait3A_1673 = arith.constant 159 : i32
    %dma_wait3A_1674 = arith.constant 0 : i32
    %dma_wait3A_1675 = arith.constant 0 : i32
    %dma_wait3A_1676 = tpu.memref_slice %arg1[%dma_wait3A_1674, %dma_wait3A_1673, %dma_wait3A_1675] : memref<4096x200x128xf32, #tpu.memory_space<any>> -> memref<4096x1x128xf32, #tpu.memory_space<any>>
    %dma_wait3A_1677 = tpu.memref_squeeze %dma_wait3A_1676 : memref<4096x1x128xf32, #tpu.memory_space<any>> -> memref<4096x128xf32, #tpu.memory_space<any>>
    tpu.wait_dma2 semaphore(%arg2 : memref<!tpu.dma_semaphore, #tpu.memory_space<semaphore_mem>>) src(%arg0 : memref<4096x128xf32, #tpu.memory_space<vmem>>) dst(%dma_wait3A_1677 : memref<4096x128xf32, #tpu.memory_space<any>>)
    %dma_start3A_1678 = arith.constant 176 : i32
    %dma_start3A_1679 = arith.constant 0 : i32
    %dma_start3A_1680 = arith.constant 0 : i32
    %dma_start3A_1681 = tpu.memref_slice %arg1[%dma_start3A_1679, %dma_start3A_1678, %dma_start3A_1680] : memref<4096x200x128xf32, #tpu.memory_space<any>> -> memref<4096x1x128xf32, #tpu.memory_space<any>>
    %dma_start3A_1682 = tpu.memref_squeeze %dma_start3A_1681 : memref<4096x1x128xf32, #tpu.memory_space<any>> -> memref<4096x128xf32, #tpu.memory_space<any>>
    tpu.enqueue_dma source(%arg0 : memref<4096x128xf32, #tpu.memory_space<vmem>>) target(%dma_start3A_1682 : memref<4096x128xf32, #tpu.memory_space<any>>) target_semaphore(%arg2 : memref<!tpu.dma_semaphore, #tpu.memory_space<semaphore_mem>>)
    %dma_wait3A_1683 = arith.constant 160 : i32
    %dma_wait3A_1684 = arith.constant 0 : i32
    %dma_wait3A_1685 = arith.constant 0 : i32
    %dma_wait3A_1686 = tpu.memref_slice %arg1[%dma_wait3A_1684, %dma_wait3A_1683, %dma_wait3A_1685] : memref<4096x200x128xf32, #tpu.memory_space<any>> -> memref<4096x1x128xf32, #tpu.memory_space<any>>
    %dma_wait3A_1687 = tpu.memref_squeeze %dma_wait3A_1686 : memref<4096x1x128xf32, #tpu.memory_space<any>> -> memref<4096x128xf32, #tpu.memory_space<any>>
    tpu.wait_dma2 semaphore(%arg2 : memref<!tpu.dma_semaphore, #tpu.memory_space<semaphore_mem>>) src(%arg0 : memref<4096x128xf32, #tpu.memory_space<vmem>>) dst(%dma_wait3A_1687 : memref<4096x128xf32, #tpu.memory_space<any>>)
    %dma_start3A_1688 = arith.constant 177 : i32
    %dma_start3A_1689 = arith.constant 0 : i32
    %dma_start3A_1690 = arith.constant 0 : i32
    %dma_start3A_1691 = tpu.memref_slice %arg1[%dma_start3A_1689, %dma_start3A_1688, %dma_start3A_1690] : memref<4096x200x128xf32, #tpu.memory_space<any>> -> memref<4096x1x128xf32, #tpu.memory_space<any>>
    %dma_start3A_1692 = tpu.memref_squeeze %dma_start3A_1691 : memref<4096x1x128xf32, #tpu.memory_space<any>> -> memref<4096x128xf32, #tpu.memory_space<any>>
    tpu.enqueue_dma source(%arg0 : memref<4096x128xf32, #tpu.memory_space<vmem>>) target(%dma_start3A_1692 : memref<4096x128xf32, #tpu.memory_space<any>>) target_semaphore(%arg2 : memref<!tpu.dma_semaphore, #tpu.memory_space<semaphore_mem>>)
    %dma_wait3A_1693 = arith.constant 161 : i32
    %dma_wait3A_1694 = arith.constant 0 : i32
    %dma_wait3A_1695 = arith.constant 0 : i32
    %dma_wait3A_1696 = tpu.memref_slice %arg1[%dma_wait3A_1694, %dma_wait3A_1693, %dma_wait3A_1695] : memref<4096x200x128xf32, #tpu.memory_space<any>> -> memref<4096x1x128xf32, #tpu.memory_space<any>>
    %dma_wait3A_1697 = tpu.memref_squeeze %dma_wait3A_1696 : memref<4096x1x128xf32, #tpu.memory_space<any>> -> memref<4096x128xf32, #tpu.memory_space<any>>
    tpu.wait_dma2 semaphore(%arg2 : memref<!tpu.dma_semaphore, #tpu.memory_space<semaphore_mem>>) src(%arg0 : memref<4096x128xf32, #tpu.memory_space<vmem>>) dst(%dma_wait3A_1697 : memref<4096x128xf32, #tpu.memory_space<any>>)
    %dma_start3A_1698 = arith.constant 178 : i32
    %dma_start3A_1699 = arith.constant 0 : i32
    %dma_start3A_1700 = arith.constant 0 : i32
    %dma_start3A_1701 = tpu.memref_slice %arg1[%dma_start3A_1699, %dma_start3A_1698, %dma_start3A_1700] : memref<4096x200x128xf32, #tpu.memory_space<any>> -> memref<4096x1x128xf32, #tpu.memory_space<any>>
    %dma_start3A_1702 = tpu.memref_squeeze %dma_start3A_1701 : memref<4096x1x128xf32, #tpu.memory_space<any>> -> memref<4096x128xf32, #tpu.memory_space<any>>
    tpu.enqueue_dma source(%arg0 : memref<4096x128xf32, #tpu.memory_space<vmem>>) target(%dma_start3A_1702 : memref<4096x128xf32, #tpu.memory_space<any>>) target_semaphore(%arg2 : memref<!tpu.dma_semaphore, #tpu.memory_space<semaphore_mem>>)
    %dma_wait3A_1703 = arith.constant 162 : i32
    %dma_wait3A_1704 = arith.constant 0 : i32
    %dma_wait3A_1705 = arith.constant 0 : i32
    %dma_wait3A_1706 = tpu.memref_slice %arg1[%dma_wait3A_1704, %dma_wait3A_1703, %dma_wait3A_1705] : memref<4096x200x128xf32, #tpu.memory_space<any>> -> memref<4096x1x128xf32, #tpu.memory_space<any>>
    %dma_wait3A_1707 = tpu.memref_squeeze %dma_wait3A_1706 : memref<4096x1x128xf32, #tpu.memory_space<any>> -> memref<4096x128xf32, #tpu.memory_space<any>>
    tpu.wait_dma2 semaphore(%arg2 : memref<!tpu.dma_semaphore, #tpu.memory_space<semaphore_mem>>) src(%arg0 : memref<4096x128xf32, #tpu.memory_space<vmem>>) dst(%dma_wait3A_1707 : memref<4096x128xf32, #tpu.memory_space<any>>)
    %dma_start3A_1708 = arith.constant 179 : i32
    %dma_start3A_1709 = arith.constant 0 : i32
    %dma_start3A_1710 = arith.constant 0 : i32
    %dma_start3A_1711 = tpu.memref_slice %arg1[%dma_start3A_1709, %dma_start3A_1708, %dma_start3A_1710] : memref<4096x200x128xf32, #tpu.memory_space<any>> -> memref<4096x1x128xf32, #tpu.memory_space<any>>
    %dma_start3A_1712 = tpu.memref_squeeze %dma_start3A_1711 : memref<4096x1x128xf32, #tpu.memory_space<any>> -> memref<4096x128xf32, #tpu.memory_space<any>>
    tpu.enqueue_dma source(%arg0 : memref<4096x128xf32, #tpu.memory_space<vmem>>) target(%dma_start3A_1712 : memref<4096x128xf32, #tpu.memory_space<any>>) target_semaphore(%arg2 : memref<!tpu.dma_semaphore, #tpu.memory_space<semaphore_mem>>)
    %dma_wait3A_1713 = arith.constant 163 : i32
    %dma_wait3A_1714 = arith.constant 0 : i32
    %dma_wait3A_1715 = arith.constant 0 : i32
    %dma_wait3A_1716 = tpu.memref_slice %arg1[%dma_wait3A_1714, %dma_wait3A_1713, %dma_wait3A_1715] : memref<4096x200x128xf32, #tpu.memory_space<any>> -> memref<4096x1x128xf32, #tpu.memory_space<any>>
    %dma_wait3A_1717 = tpu.memref_squeeze %dma_wait3A_1716 : memref<4096x1x128xf32, #tpu.memory_space<any>> -> memref<4096x128xf32, #tpu.memory_space<any>>
    tpu.wait_dma2 semaphore(%arg2 : memref<!tpu.dma_semaphore, #tpu.memory_space<semaphore_mem>>) src(%arg0 : memref<4096x128xf32, #tpu.memory_space<vmem>>) dst(%dma_wait3A_1717 : memref<4096x128xf32, #tpu.memory_space<any>>)
    %dma_start3A_1718 = arith.constant 180 : i32
    %dma_start3A_1719 = arith.constant 0 : i32
    %dma_start3A_1720 = arith.constant 0 : i32
    %dma_start3A_1721 = tpu.memref_slice %arg1[%dma_start3A_1719, %dma_start3A_1718, %dma_start3A_1720] : memref<4096x200x128xf32, #tpu.memory_space<any>> -> memref<4096x1x128xf32, #tpu.memory_space<any>>
    %dma_start3A_1722 = tpu.memref_squeeze %dma_start3A_1721 : memref<4096x1x128xf32, #tpu.memory_space<any>> -> memref<4096x128xf32, #tpu.memory_space<any>>
    tpu.enqueue_dma source(%arg0 : memref<4096x128xf32, #tpu.memory_space<vmem>>) target(%dma_start3A_1722 : memref<4096x128xf32, #tpu.memory_space<any>>) target_semaphore(%arg2 : memref<!tpu.dma_semaphore, #tpu.memory_space<semaphore_mem>>)
    %dma_wait3A_1723 = arith.constant 164 : i32
    %dma_wait3A_1724 = arith.constant 0 : i32
    %dma_wait3A_1725 = arith.constant 0 : i32
    %dma_wait3A_1726 = tpu.memref_slice %arg1[%dma_wait3A_1724, %dma_wait3A_1723, %dma_wait3A_1725] : memref<4096x200x128xf32, #tpu.memory_space<any>> -> memref<4096x1x128xf32, #tpu.memory_space<any>>
    %dma_wait3A_1727 = tpu.memref_squeeze %dma_wait3A_1726 : memref<4096x1x128xf32, #tpu.memory_space<any>> -> memref<4096x128xf32, #tpu.memory_space<any>>
    tpu.wait_dma2 semaphore(%arg2 : memref<!tpu.dma_semaphore, #tpu.memory_space<semaphore_mem>>) src(%arg0 : memref<4096x128xf32, #tpu.memory_space<vmem>>) dst(%dma_wait3A_1727 : memref<4096x128xf32, #tpu.memory_space<any>>)
    %dma_start3A_1728 = arith.constant 181 : i32
    %dma_start3A_1729 = arith.constant 0 : i32
    %dma_start3A_1730 = arith.constant 0 : i32
    %dma_start3A_1731 = tpu.memref_slice %arg1[%dma_start3A_1729, %dma_start3A_1728, %dma_start3A_1730] : memref<4096x200x128xf32, #tpu.memory_space<any>> -> memref<4096x1x128xf32, #tpu.memory_space<any>>
    %dma_start3A_1732 = tpu.memref_squeeze %dma_start3A_1731 : memref<4096x1x128xf32, #tpu.memory_space<any>> -> memref<4096x128xf32, #tpu.memory_space<any>>
    tpu.enqueue_dma source(%arg0 : memref<4096x128xf32, #tpu.memory_space<vmem>>) target(%dma_start3A_1732 : memref<4096x128xf32, #tpu.memory_space<any>>) target_semaphore(%arg2 : memref<!tpu.dma_semaphore, #tpu.memory_space<semaphore_mem>>)
    %dma_wait3A_1733 = arith.constant 165 : i32
    %dma_wait3A_1734 = arith.constant 0 : i32
    %dma_wait3A_1735 = arith.constant 0 : i32
    %dma_wait3A_1736 = tpu.memref_slice %arg1[%dma_wait3A_1734, %dma_wait3A_1733, %dma_wait3A_1735] : memref<4096x200x128xf32, #tpu.memory_space<any>> -> memref<4096x1x128xf32, #tpu.memory_space<any>>
    %dma_wait3A_1737 = tpu.memref_squeeze %dma_wait3A_1736 : memref<4096x1x128xf32, #tpu.memory_space<any>> -> memref<4096x128xf32, #tpu.memory_space<any>>
    tpu.wait_dma2 semaphore(%arg2 : memref<!tpu.dma_semaphore, #tpu.memory_space<semaphore_mem>>) src(%arg0 : memref<4096x128xf32, #tpu.memory_space<vmem>>) dst(%dma_wait3A_1737 : memref<4096x128xf32, #tpu.memory_space<any>>)
    %dma_start3A_1738 = arith.constant 182 : i32
    %dma_start3A_1739 = arith.constant 0 : i32
    %dma_start3A_1740 = arith.constant 0 : i32
    %dma_start3A_1741 = tpu.memref_slice %arg1[%dma_start3A_1739, %dma_start3A_1738, %dma_start3A_1740] : memref<4096x200x128xf32, #tpu.memory_space<any>> -> memref<4096x1x128xf32, #tpu.memory_space<any>>
    %dma_start3A_1742 = tpu.memref_squeeze %dma_start3A_1741 : memref<4096x1x128xf32, #tpu.memory_space<any>> -> memref<4096x128xf32, #tpu.memory_space<any>>
    tpu.enqueue_dma source(%arg0 : memref<4096x128xf32, #tpu.memory_space<vmem>>) target(%dma_start3A_1742 : memref<4096x128xf32, #tpu.memory_space<any>>) target_semaphore(%arg2 : memref<!tpu.dma_semaphore, #tpu.memory_space<semaphore_mem>>)
    %dma_wait3A_1743 = arith.constant 166 : i32
    %dma_wait3A_1744 = arith.constant 0 : i32
    %dma_wait3A_1745 = arith.constant 0 : i32
    %dma_wait3A_1746 = tpu.memref_slice %arg1[%dma_wait3A_1744, %dma_wait3A_1743, %dma_wait3A_1745] : memref<4096x200x128xf32, #tpu.memory_space<any>> -> memref<4096x1x128xf32, #tpu.memory_space<any>>
    %dma_wait3A_1747 = tpu.memref_squeeze %dma_wait3A_1746 : memref<4096x1x128xf32, #tpu.memory_space<any>> -> memref<4096x128xf32, #tpu.memory_space<any>>
    tpu.wait_dma2 semaphore(%arg2 : memref<!tpu.dma_semaphore, #tpu.memory_space<semaphore_mem>>) src(%arg0 : memref<4096x128xf32, #tpu.memory_space<vmem>>) dst(%dma_wait3A_1747 : memref<4096x128xf32, #tpu.memory_space<any>>)
    %dma_start3A_1748 = arith.constant 183 : i32
    %dma_start3A_1749 = arith.constant 0 : i32
    %dma_start3A_1750 = arith.constant 0 : i32
    %dma_start3A_1751 = tpu.memref_slice %arg1[%dma_start3A_1749, %dma_start3A_1748, %dma_start3A_1750] : memref<4096x200x128xf32, #tpu.memory_space<any>> -> memref<4096x1x128xf32, #tpu.memory_space<any>>
    %dma_start3A_1752 = tpu.memref_squeeze %dma_start3A_1751 : memref<4096x1x128xf32, #tpu.memory_space<any>> -> memref<4096x128xf32, #tpu.memory_space<any>>
    tpu.enqueue_dma source(%arg0 : memref<4096x128xf32, #tpu.memory_space<vmem>>) target(%dma_start3A_1752 : memref<4096x128xf32, #tpu.memory_space<any>>) target_semaphore(%arg2 : memref<!tpu.dma_semaphore, #tpu.memory_space<semaphore_mem>>)
    %dma_wait3A_1753 = arith.constant 167 : i32
    %dma_wait3A_1754 = arith.constant 0 : i32
    %dma_wait3A_1755 = arith.constant 0 : i32
    %dma_wait3A_1756 = tpu.memref_slice %arg1[%dma_wait3A_1754, %dma_wait3A_1753, %dma_wait3A_1755] : memref<4096x200x128xf32, #tpu.memory_space<any>> -> memref<4096x1x128xf32, #tpu.memory_space<any>>
    %dma_wait3A_1757 = tpu.memref_squeeze %dma_wait3A_1756 : memref<4096x1x128xf32, #tpu.memory_space<any>> -> memref<4096x128xf32, #tpu.memory_space<any>>
    tpu.wait_dma2 semaphore(%arg2 : memref<!tpu.dma_semaphore, #tpu.memory_space<semaphore_mem>>) src(%arg0 : memref<4096x128xf32, #tpu.memory_space<vmem>>) dst(%dma_wait3A_1757 : memref<4096x128xf32, #tpu.memory_space<any>>)
    %dma_start3A_1758 = arith.constant 184 : i32
    %dma_start3A_1759 = arith.constant 0 : i32
    %dma_start3A_1760 = arith.constant 0 : i32
    %dma_start3A_1761 = tpu.memref_slice %arg1[%dma_start3A_1759, %dma_start3A_1758, %dma_start3A_1760] : memref<4096x200x128xf32, #tpu.memory_space<any>> -> memref<4096x1x128xf32, #tpu.memory_space<any>>
    %dma_start3A_1762 = tpu.memref_squeeze %dma_start3A_1761 : memref<4096x1x128xf32, #tpu.memory_space<any>> -> memref<4096x128xf32, #tpu.memory_space<any>>
    tpu.enqueue_dma source(%arg0 : memref<4096x128xf32, #tpu.memory_space<vmem>>) target(%dma_start3A_1762 : memref<4096x128xf32, #tpu.memory_space<any>>) target_semaphore(%arg2 : memref<!tpu.dma_semaphore, #tpu.memory_space<semaphore_mem>>)
    %dma_wait3A_1763 = arith.constant 168 : i32
    %dma_wait3A_1764 = arith.constant 0 : i32
    %dma_wait3A_1765 = arith.constant 0 : i32
    %dma_wait3A_1766 = tpu.memref_slice %arg1[%dma_wait3A_1764, %dma_wait3A_1763, %dma_wait3A_1765] : memref<4096x200x128xf32, #tpu.memory_space<any>> -> memref<4096x1x128xf32, #tpu.memory_space<any>>
    %dma_wait3A_1767 = tpu.memref_squeeze %dma_wait3A_1766 : memref<4096x1x128xf32, #tpu.memory_space<any>> -> memref<4096x128xf32, #tpu.memory_space<any>>
    tpu.wait_dma2 semaphore(%arg2 : memref<!tpu.dma_semaphore, #tpu.memory_space<semaphore_mem>>) src(%arg0 : memref<4096x128xf32, #tpu.memory_space<vmem>>) dst(%dma_wait3A_1767 : memref<4096x128xf32, #tpu.memory_space<any>>)
    %dma_start3A_1768 = arith.constant 185 : i32
    %dma_start3A_1769 = arith.constant 0 : i32
    %dma_start3A_1770 = arith.constant 0 : i32
    %dma_start3A_1771 = tpu.memref_slice %arg1[%dma_start3A_1769, %dma_start3A_1768, %dma_start3A_1770] : memref<4096x200x128xf32, #tpu.memory_space<any>> -> memref<4096x1x128xf32, #tpu.memory_space<any>>
    %dma_start3A_1772 = tpu.memref_squeeze %dma_start3A_1771 : memref<4096x1x128xf32, #tpu.memory_space<any>> -> memref<4096x128xf32, #tpu.memory_space<any>>
    tpu.enqueue_dma source(%arg0 : memref<4096x128xf32, #tpu.memory_space<vmem>>) target(%dma_start3A_1772 : memref<4096x128xf32, #tpu.memory_space<any>>) target_semaphore(%arg2 : memref<!tpu.dma_semaphore, #tpu.memory_space<semaphore_mem>>)
    %dma_wait3A_1773 = arith.constant 169 : i32
    %dma_wait3A_1774 = arith.constant 0 : i32
    %dma_wait3A_1775 = arith.constant 0 : i32
    %dma_wait3A_1776 = tpu.memref_slice %arg1[%dma_wait3A_1774, %dma_wait3A_1773, %dma_wait3A_1775] : memref<4096x200x128xf32, #tpu.memory_space<any>> -> memref<4096x1x128xf32, #tpu.memory_space<any>>
    %dma_wait3A_1777 = tpu.memref_squeeze %dma_wait3A_1776 : memref<4096x1x128xf32, #tpu.memory_space<any>> -> memref<4096x128xf32, #tpu.memory_space<any>>
    tpu.wait_dma2 semaphore(%arg2 : memref<!tpu.dma_semaphore, #tpu.memory_space<semaphore_mem>>) src(%arg0 : memref<4096x128xf32, #tpu.memory_space<vmem>>) dst(%dma_wait3A_1777 : memref<4096x128xf32, #tpu.memory_space<any>>)
    %dma_start3A_1778 = arith.constant 186 : i32
    %dma_start3A_1779 = arith.constant 0 : i32
    %dma_start3A_1780 = arith.constant 0 : i32
    %dma_start3A_1781 = tpu.memref_slice %arg1[%dma_start3A_1779, %dma_start3A_1778, %dma_start3A_1780] : memref<4096x200x128xf32, #tpu.memory_space<any>> -> memref<4096x1x128xf32, #tpu.memory_space<any>>
    %dma_start3A_1782 = tpu.memref_squeeze %dma_start3A_1781 : memref<4096x1x128xf32, #tpu.memory_space<any>> -> memref<4096x128xf32, #tpu.memory_space<any>>
    tpu.enqueue_dma source(%arg0 : memref<4096x128xf32, #tpu.memory_space<vmem>>) target(%dma_start3A_1782 : memref<4096x128xf32, #tpu.memory_space<any>>) target_semaphore(%arg2 : memref<!tpu.dma_semaphore, #tpu.memory_space<semaphore_mem>>)
    %dma_wait3A_1783 = arith.constant 170 : i32
    %dma_wait3A_1784 = arith.constant 0 : i32
    %dma_wait3A_1785 = arith.constant 0 : i32
    %dma_wait3A_1786 = tpu.memref_slice %arg1[%dma_wait3A_1784, %dma_wait3A_1783, %dma_wait3A_1785] : memref<4096x200x128xf32, #tpu.memory_space<any>> -> memref<4096x1x128xf32, #tpu.memory_space<any>>
    %dma_wait3A_1787 = tpu.memref_squeeze %dma_wait3A_1786 : memref<4096x1x128xf32, #tpu.memory_space<any>> -> memref<4096x128xf32, #tpu.memory_space<any>>
    tpu.wait_dma2 semaphore(%arg2 : memref<!tpu.dma_semaphore, #tpu.memory_space<semaphore_mem>>) src(%arg0 : memref<4096x128xf32, #tpu.memory_space<vmem>>) dst(%dma_wait3A_1787 : memref<4096x128xf32, #tpu.memory_space<any>>)
    %dma_start3A_1788 = arith.constant 187 : i32
    %dma_start3A_1789 = arith.constant 0 : i32
    %dma_start3A_1790 = arith.constant 0 : i32
    %dma_start3A_1791 = tpu.memref_slice %arg1[%dma_start3A_1789, %dma_start3A_1788, %dma_start3A_1790] : memref<4096x200x128xf32, #tpu.memory_space<any>> -> memref<4096x1x128xf32, #tpu.memory_space<any>>
    %dma_start3A_1792 = tpu.memref_squeeze %dma_start3A_1791 : memref<4096x1x128xf32, #tpu.memory_space<any>> -> memref<4096x128xf32, #tpu.memory_space<any>>
    tpu.enqueue_dma source(%arg0 : memref<4096x128xf32, #tpu.memory_space<vmem>>) target(%dma_start3A_1792 : memref<4096x128xf32, #tpu.memory_space<any>>) target_semaphore(%arg2 : memref<!tpu.dma_semaphore, #tpu.memory_space<semaphore_mem>>)
    %dma_wait3A_1793 = arith.constant 171 : i32
    %dma_wait3A_1794 = arith.constant 0 : i32
    %dma_wait3A_1795 = arith.constant 0 : i32
    %dma_wait3A_1796 = tpu.memref_slice %arg1[%dma_wait3A_1794, %dma_wait3A_1793, %dma_wait3A_1795] : memref<4096x200x128xf32, #tpu.memory_space<any>> -> memref<4096x1x128xf32, #tpu.memory_space<any>>
    %dma_wait3A_1797 = tpu.memref_squeeze %dma_wait3A_1796 : memref<4096x1x128xf32, #tpu.memory_space<any>> -> memref<4096x128xf32, #tpu.memory_space<any>>
    tpu.wait_dma2 semaphore(%arg2 : memref<!tpu.dma_semaphore, #tpu.memory_space<semaphore_mem>>) src(%arg0 : memref<4096x128xf32, #tpu.memory_space<vmem>>) dst(%dma_wait3A_1797 : memref<4096x128xf32, #tpu.memory_space<any>>)
    %dma_start3A_1798 = arith.constant 188 : i32
    %dma_start3A_1799 = arith.constant 0 : i32
    %dma_start3A_1800 = arith.constant 0 : i32
    %dma_start3A_1801 = tpu.memref_slice %arg1[%dma_start3A_1799, %dma_start3A_1798, %dma_start3A_1800] : memref<4096x200x128xf32, #tpu.memory_space<any>> -> memref<4096x1x128xf32, #tpu.memory_space<any>>
    %dma_start3A_1802 = tpu.memref_squeeze %dma_start3A_1801 : memref<4096x1x128xf32, #tpu.memory_space<any>> -> memref<4096x128xf32, #tpu.memory_space<any>>
    tpu.enqueue_dma source(%arg0 : memref<4096x128xf32, #tpu.memory_space<vmem>>) target(%dma_start3A_1802 : memref<4096x128xf32, #tpu.memory_space<any>>) target_semaphore(%arg2 : memref<!tpu.dma_semaphore, #tpu.memory_space<semaphore_mem>>)
    %dma_wait3A_1803 = arith.constant 172 : i32
    %dma_wait3A_1804 = arith.constant 0 : i32
    %dma_wait3A_1805 = arith.constant 0 : i32
    %dma_wait3A_1806 = tpu.memref_slice %arg1[%dma_wait3A_1804, %dma_wait3A_1803, %dma_wait3A_1805] : memref<4096x200x128xf32, #tpu.memory_space<any>> -> memref<4096x1x128xf32, #tpu.memory_space<any>>
    %dma_wait3A_1807 = tpu.memref_squeeze %dma_wait3A_1806 : memref<4096x1x128xf32, #tpu.memory_space<any>> -> memref<4096x128xf32, #tpu.memory_space<any>>
    tpu.wait_dma2 semaphore(%arg2 : memref<!tpu.dma_semaphore, #tpu.memory_space<semaphore_mem>>) src(%arg0 : memref<4096x128xf32, #tpu.memory_space<vmem>>) dst(%dma_wait3A_1807 : memref<4096x128xf32, #tpu.memory_space<any>>)
    %dma_start3A_1808 = arith.constant 189 : i32
    %dma_start3A_1809 = arith.constant 0 : i32
    %dma_start3A_1810 = arith.constant 0 : i32
    %dma_start3A_1811 = tpu.memref_slice %arg1[%dma_start3A_1809, %dma_start3A_1808, %dma_start3A_1810] : memref<4096x200x128xf32, #tpu.memory_space<any>> -> memref<4096x1x128xf32, #tpu.memory_space<any>>
    %dma_start3A_1812 = tpu.memref_squeeze %dma_start3A_1811 : memref<4096x1x128xf32, #tpu.memory_space<any>> -> memref<4096x128xf32, #tpu.memory_space<any>>
    tpu.enqueue_dma source(%arg0 : memref<4096x128xf32, #tpu.memory_space<vmem>>) target(%dma_start3A_1812 : memref<4096x128xf32, #tpu.memory_space<any>>) target_semaphore(%arg2 : memref<!tpu.dma_semaphore, #tpu.memory_space<semaphore_mem>>)
    %dma_wait3A_1813 = arith.constant 173 : i32
    %dma_wait3A_1814 = arith.constant 0 : i32
    %dma_wait3A_1815 = arith.constant 0 : i32
    %dma_wait3A_1816 = tpu.memref_slice %arg1[%dma_wait3A_1814, %dma_wait3A_1813, %dma_wait3A_1815] : memref<4096x200x128xf32, #tpu.memory_space<any>> -> memref<4096x1x128xf32, #tpu.memory_space<any>>
    %dma_wait3A_1817 = tpu.memref_squeeze %dma_wait3A_1816 : memref<4096x1x128xf32, #tpu.memory_space<any>> -> memref<4096x128xf32, #tpu.memory_space<any>>
    tpu.wait_dma2 semaphore(%arg2 : memref<!tpu.dma_semaphore, #tpu.memory_space<semaphore_mem>>) src(%arg0 : memref<4096x128xf32, #tpu.memory_space<vmem>>) dst(%dma_wait3A_1817 : memref<4096x128xf32, #tpu.memory_space<any>>)
    %dma_start3A_1818 = arith.constant 190 : i32
    %dma_start3A_1819 = arith.constant 0 : i32
    %dma_start3A_1820 = arith.constant 0 : i32
    %dma_start3A_1821 = tpu.memref_slice %arg1[%dma_start3A_1819, %dma_start3A_1818, %dma_start3A_1820] : memref<4096x200x128xf32, #tpu.memory_space<any>> -> memref<4096x1x128xf32, #tpu.memory_space<any>>
    %dma_start3A_1822 = tpu.memref_squeeze %dma_start3A_1821 : memref<4096x1x128xf32, #tpu.memory_space<any>> -> memref<4096x128xf32, #tpu.memory_space<any>>
    tpu.enqueue_dma source(%arg0 : memref<4096x128xf32, #tpu.memory_space<vmem>>) target(%dma_start3A_1822 : memref<4096x128xf32, #tpu.memory_space<any>>) target_semaphore(%arg2 : memref<!tpu.dma_semaphore, #tpu.memory_space<semaphore_mem>>)
    %dma_wait3A_1823 = arith.constant 174 : i32
    %dma_wait3A_1824 = arith.constant 0 : i32
    %dma_wait3A_1825 = arith.constant 0 : i32
    %dma_wait3A_1826 = tpu.memref_slice %arg1[%dma_wait3A_1824, %dma_wait3A_1823, %dma_wait3A_1825] : memref<4096x200x128xf32, #tpu.memory_space<any>> -> memref<4096x1x128xf32, #tpu.memory_space<any>>
    %dma_wait3A_1827 = tpu.memref_squeeze %dma_wait3A_1826 : memref<4096x1x128xf32, #tpu.memory_space<any>> -> memref<4096x128xf32, #tpu.memory_space<any>>
    tpu.wait_dma2 semaphore(%arg2 : memref<!tpu.dma_semaphore, #tpu.memory_space<semaphore_mem>>) src(%arg0 : memref<4096x128xf32, #tpu.memory_space<vmem>>) dst(%dma_wait3A_1827 : memref<4096x128xf32, #tpu.memory_space<any>>)
    %dma_start3A_1828 = arith.constant 191 : i32
    %dma_start3A_1829 = arith.constant 0 : i32
    %dma_start3A_1830 = arith.constant 0 : i32
    %dma_start3A_1831 = tpu.memref_slice %arg1[%dma_start3A_1829, %dma_start3A_1828, %dma_start3A_1830] : memref<4096x200x128xf32, #tpu.memory_space<any>> -> memref<4096x1x128xf32, #tpu.memory_space<any>>
    %dma_start3A_1832 = tpu.memref_squeeze %dma_start3A_1831 : memref<4096x1x128xf32, #tpu.memory_space<any>> -> memref<4096x128xf32, #tpu.memory_space<any>>
    tpu.enqueue_dma source(%arg0 : memref<4096x128xf32, #tpu.memory_space<vmem>>) target(%dma_start3A_1832 : memref<4096x128xf32, #tpu.memory_space<any>>) target_semaphore(%arg2 : memref<!tpu.dma_semaphore, #tpu.memory_space<semaphore_mem>>)
    %dma_wait3A_1833 = arith.constant 175 : i32
    %dma_wait3A_1834 = arith.constant 0 : i32
    %dma_wait3A_1835 = arith.constant 0 : i32
    %dma_wait3A_1836 = tpu.memref_slice %arg1[%dma_wait3A_1834, %dma_wait3A_1833, %dma_wait3A_1835] : memref<4096x200x128xf32, #tpu.memory_space<any>> -> memref<4096x1x128xf32, #tpu.memory_space<any>>
    %dma_wait3A_1837 = tpu.memref_squeeze %dma_wait3A_1836 : memref<4096x1x128xf32, #tpu.memory_space<any>> -> memref<4096x128xf32, #tpu.memory_space<any>>
    tpu.wait_dma2 semaphore(%arg2 : memref<!tpu.dma_semaphore, #tpu.memory_space<semaphore_mem>>) src(%arg0 : memref<4096x128xf32, #tpu.memory_space<vmem>>) dst(%dma_wait3A_1837 : memref<4096x128xf32, #tpu.memory_space<any>>)
    %dma_start3A_1838 = arith.constant 192 : i32
    %dma_start3A_1839 = arith.constant 0 : i32
    %dma_start3A_1840 = arith.constant 0 : i32
    %dma_start3A_1841 = tpu.memref_slice %arg1[%dma_start3A_1839, %dma_start3A_1838, %dma_start3A_1840] : memref<4096x200x128xf32, #tpu.memory_space<any>> -> memref<4096x1x128xf32, #tpu.memory_space<any>>
    %dma_start3A_1842 = tpu.memref_squeeze %dma_start3A_1841 : memref<4096x1x128xf32, #tpu.memory_space<any>> -> memref<4096x128xf32, #tpu.memory_space<any>>
    tpu.enqueue_dma source(%arg0 : memref<4096x128xf32, #tpu.memory_space<vmem>>) target(%dma_start3A_1842 : memref<4096x128xf32, #tpu.memory_space<any>>) target_semaphore(%arg2 : memref<!tpu.dma_semaphore, #tpu.memory_space<semaphore_mem>>)
    %dma_wait3A_1843 = arith.constant 176 : i32
    %dma_wait3A_1844 = arith.constant 0 : i32
    %dma_wait3A_1845 = arith.constant 0 : i32
    %dma_wait3A_1846 = tpu.memref_slice %arg1[%dma_wait3A_1844, %dma_wait3A_1843, %dma_wait3A_1845] : memref<4096x200x128xf32, #tpu.memory_space<any>> -> memref<4096x1x128xf32, #tpu.memory_space<any>>
    %dma_wait3A_1847 = tpu.memref_squeeze %dma_wait3A_1846 : memref<4096x1x128xf32, #tpu.memory_space<any>> -> memref<4096x128xf32, #tpu.memory_space<any>>
    tpu.wait_dma2 semaphore(%arg2 : memref<!tpu.dma_semaphore, #tpu.memory_space<semaphore_mem>>) src(%arg0 : memref<4096x128xf32, #tpu.memory_space<vmem>>) dst(%dma_wait3A_1847 : memref<4096x128xf32, #tpu.memory_space<any>>)
    %dma_start3A_1848 = arith.constant 193 : i32
    %dma_start3A_1849 = arith.constant 0 : i32
    %dma_start3A_1850 = arith.constant 0 : i32
    %dma_start3A_1851 = tpu.memref_slice %arg1[%dma_start3A_1849, %dma_start3A_1848, %dma_start3A_1850] : memref<4096x200x128xf32, #tpu.memory_space<any>> -> memref<4096x1x128xf32, #tpu.memory_space<any>>
    %dma_start3A_1852 = tpu.memref_squeeze %dma_start3A_1851 : memref<4096x1x128xf32, #tpu.memory_space<any>> -> memref<4096x128xf32, #tpu.memory_space<any>>
    tpu.enqueue_dma source(%arg0 : memref<4096x128xf32, #tpu.memory_space<vmem>>) target(%dma_start3A_1852 : memref<4096x128xf32, #tpu.memory_space<any>>) target_semaphore(%arg2 : memref<!tpu.dma_semaphore, #tpu.memory_space<semaphore_mem>>)
    %dma_wait3A_1853 = arith.constant 177 : i32
    %dma_wait3A_1854 = arith.constant 0 : i32
    %dma_wait3A_1855 = arith.constant 0 : i32
    %dma_wait3A_1856 = tpu.memref_slice %arg1[%dma_wait3A_1854, %dma_wait3A_1853, %dma_wait3A_1855] : memref<4096x200x128xf32, #tpu.memory_space<any>> -> memref<4096x1x128xf32, #tpu.memory_space<any>>
    %dma_wait3A_1857 = tpu.memref_squeeze %dma_wait3A_1856 : memref<4096x1x128xf32, #tpu.memory_space<any>> -> memref<4096x128xf32, #tpu.memory_space<any>>
    tpu.wait_dma2 semaphore(%arg2 : memref<!tpu.dma_semaphore, #tpu.memory_space<semaphore_mem>>) src(%arg0 : memref<4096x128xf32, #tpu.memory_space<vmem>>) dst(%dma_wait3A_1857 : memref<4096x128xf32, #tpu.memory_space<any>>)
    %dma_start3A_1858 = arith.constant 194 : i32
    %dma_start3A_1859 = arith.constant 0 : i32
    %dma_start3A_1860 = arith.constant 0 : i32
    %dma_start3A_1861 = tpu.memref_slice %arg1[%dma_start3A_1859, %dma_start3A_1858, %dma_start3A_1860] : memref<4096x200x128xf32, #tpu.memory_space<any>> -> memref<4096x1x128xf32, #tpu.memory_space<any>>
    %dma_start3A_1862 = tpu.memref_squeeze %dma_start3A_1861 : memref<4096x1x128xf32, #tpu.memory_space<any>> -> memref<4096x128xf32, #tpu.memory_space<any>>
    tpu.enqueue_dma source(%arg0 : memref<4096x128xf32, #tpu.memory_space<vmem>>) target(%dma_start3A_1862 : memref<4096x128xf32, #tpu.memory_space<any>>) target_semaphore(%arg2 : memref<!tpu.dma_semaphore, #tpu.memory_space<semaphore_mem>>)
    %dma_wait3A_1863 = arith.constant 178 : i32
    %dma_wait3A_1864 = arith.constant 0 : i32
    %dma_wait3A_1865 = arith.constant 0 : i32
    %dma_wait3A_1866 = tpu.memref_slice %arg1[%dma_wait3A_1864, %dma_wait3A_1863, %dma_wait3A_1865] : memref<4096x200x128xf32, #tpu.memory_space<any>> -> memref<4096x1x128xf32, #tpu.memory_space<any>>
    %dma_wait3A_1867 = tpu.memref_squeeze %dma_wait3A_1866 : memref<4096x1x128xf32, #tpu.memory_space<any>> -> memref<4096x128xf32, #tpu.memory_space<any>>
    tpu.wait_dma2 semaphore(%arg2 : memref<!tpu.dma_semaphore, #tpu.memory_space<semaphore_mem>>) src(%arg0 : memref<4096x128xf32, #tpu.memory_space<vmem>>) dst(%dma_wait3A_1867 : memref<4096x128xf32, #tpu.memory_space<any>>)
    %dma_start3A_1868 = arith.constant 195 : i32
    %dma_start3A_1869 = arith.constant 0 : i32
    %dma_start3A_1870 = arith.constant 0 : i32
    %dma_start3A_1871 = tpu.memref_slice %arg1[%dma_start3A_1869, %dma_start3A_1868, %dma_start3A_1870] : memref<4096x200x128xf32, #tpu.memory_space<any>> -> memref<4096x1x128xf32, #tpu.memory_space<any>>
    %dma_start3A_1872 = tpu.memref_squeeze %dma_start3A_1871 : memref<4096x1x128xf32, #tpu.memory_space<any>> -> memref<4096x128xf32, #tpu.memory_space<any>>
    tpu.enqueue_dma source(%arg0 : memref<4096x128xf32, #tpu.memory_space<vmem>>) target(%dma_start3A_1872 : memref<4096x128xf32, #tpu.memory_space<any>>) target_semaphore(%arg2 : memref<!tpu.dma_semaphore, #tpu.memory_space<semaphore_mem>>)
    %dma_wait3A_1873 = arith.constant 179 : i32
    %dma_wait3A_1874 = arith.constant 0 : i32
    %dma_wait3A_1875 = arith.constant 0 : i32
    %dma_wait3A_1876 = tpu.memref_slice %arg1[%dma_wait3A_1874, %dma_wait3A_1873, %dma_wait3A_1875] : memref<4096x200x128xf32, #tpu.memory_space<any>> -> memref<4096x1x128xf32, #tpu.memory_space<any>>
    %dma_wait3A_1877 = tpu.memref_squeeze %dma_wait3A_1876 : memref<4096x1x128xf32, #tpu.memory_space<any>> -> memref<4096x128xf32, #tpu.memory_space<any>>
    tpu.wait_dma2 semaphore(%arg2 : memref<!tpu.dma_semaphore, #tpu.memory_space<semaphore_mem>>) src(%arg0 : memref<4096x128xf32, #tpu.memory_space<vmem>>) dst(%dma_wait3A_1877 : memref<4096x128xf32, #tpu.memory_space<any>>)
    %dma_start3A_1878 = arith.constant 196 : i32
    %dma_start3A_1879 = arith.constant 0 : i32
    %dma_start3A_1880 = arith.constant 0 : i32
    %dma_start3A_1881 = tpu.memref_slice %arg1[%dma_start3A_1879, %dma_start3A_1878, %dma_start3A_1880] : memref<4096x200x128xf32, #tpu.memory_space<any>> -> memref<4096x1x128xf32, #tpu.memory_space<any>>
    %dma_start3A_1882 = tpu.memref_squeeze %dma_start3A_1881 : memref<4096x1x128xf32, #tpu.memory_space<any>> -> memref<4096x128xf32, #tpu.memory_space<any>>
    tpu.enqueue_dma source(%arg0 : memref<4096x128xf32, #tpu.memory_space<vmem>>) target(%dma_start3A_1882 : memref<4096x128xf32, #tpu.memory_space<any>>) target_semaphore(%arg2 : memref<!tpu.dma_semaphore, #tpu.memory_space<semaphore_mem>>)
    %dma_wait3A_1883 = arith.constant 180 : i32
    %dma_wait3A_1884 = arith.constant 0 : i32
    %dma_wait3A_1885 = arith.constant 0 : i32
    %dma_wait3A_1886 = tpu.memref_slice %arg1[%dma_wait3A_1884, %dma_wait3A_1883, %dma_wait3A_1885] : memref<4096x200x128xf32, #tpu.memory_space<any>> -> memref<4096x1x128xf32, #tpu.memory_space<any>>
    %dma_wait3A_1887 = tpu.memref_squeeze %dma_wait3A_1886 : memref<4096x1x128xf32, #tpu.memory_space<any>> -> memref<4096x128xf32, #tpu.memory_space<any>>
    tpu.wait_dma2 semaphore(%arg2 : memref<!tpu.dma_semaphore, #tpu.memory_space<semaphore_mem>>) src(%arg0 : memref<4096x128xf32, #tpu.memory_space<vmem>>) dst(%dma_wait3A_1887 : memref<4096x128xf32, #tpu.memory_space<any>>)
    %dma_start3A_1888 = arith.constant 197 : i32
    %dma_start3A_1889 = arith.constant 0 : i32
    %dma_start3A_1890 = arith.constant 0 : i32
    %dma_start3A_1891 = tpu.memref_slice %arg1[%dma_start3A_1889, %dma_start3A_1888, %dma_start3A_1890] : memref<4096x200x128xf32, #tpu.memory_space<any>> -> memref<4096x1x128xf32, #tpu.memory_space<any>>
    %dma_start3A_1892 = tpu.memref_squeeze %dma_start3A_1891 : memref<4096x1x128xf32, #tpu.memory_space<any>> -> memref<4096x128xf32, #tpu.memory_space<any>>
    tpu.enqueue_dma source(%arg0 : memref<4096x128xf32, #tpu.memory_space<vmem>>) target(%dma_start3A_1892 : memref<4096x128xf32, #tpu.memory_space<any>>) target_semaphore(%arg2 : memref<!tpu.dma_semaphore, #tpu.memory_space<semaphore_mem>>)
    %dma_wait3A_1893 = arith.constant 181 : i32
    %dma_wait3A_1894 = arith.constant 0 : i32
    %dma_wait3A_1895 = arith.constant 0 : i32
    %dma_wait3A_1896 = tpu.memref_slice %arg1[%dma_wait3A_1894, %dma_wait3A_1893, %dma_wait3A_1895] : memref<4096x200x128xf32, #tpu.memory_space<any>> -> memref<4096x1x128xf32, #tpu.memory_space<any>>
    %dma_wait3A_1897 = tpu.memref_squeeze %dma_wait3A_1896 : memref<4096x1x128xf32, #tpu.memory_space<any>> -> memref<4096x128xf32, #tpu.memory_space<any>>
    tpu.wait_dma2 semaphore(%arg2 : memref<!tpu.dma_semaphore, #tpu.memory_space<semaphore_mem>>) src(%arg0 : memref<4096x128xf32, #tpu.memory_space<vmem>>) dst(%dma_wait3A_1897 : memref<4096x128xf32, #tpu.memory_space<any>>)
    %dma_start3A_1898 = arith.constant 198 : i32
    %dma_start3A_1899 = arith.constant 0 : i32
    %dma_start3A_1900 = arith.constant 0 : i32
    %dma_start3A_1901 = tpu.memref_slice %arg1[%dma_start3A_1899, %dma_start3A_1898, %dma_start3A_1900] : memref<4096x200x128xf32, #tpu.memory_space<any>> -> memref<4096x1x128xf32, #tpu.memory_space<any>>
    %dma_start3A_1902 = tpu.memref_squeeze %dma_start3A_1901 : memref<4096x1x128xf32, #tpu.memory_space<any>> -> memref<4096x128xf32, #tpu.memory_space<any>>
    tpu.enqueue_dma source(%arg0 : memref<4096x128xf32, #tpu.memory_space<vmem>>) target(%dma_start3A_1902 : memref<4096x128xf32, #tpu.memory_space<any>>) target_semaphore(%arg2 : memref<!tpu.dma_semaphore, #tpu.memory_space<semaphore_mem>>)
    %dma_wait3A_1903 = arith.constant 182 : i32
    %dma_wait3A_1904 = arith.constant 0 : i32
    %dma_wait3A_1905 = arith.constant 0 : i32
    %dma_wait3A_1906 = tpu.memref_slice %arg1[%dma_wait3A_1904, %dma_wait3A_1903, %dma_wait3A_1905] : memref<4096x200x128xf32, #tpu.memory_space<any>> -> memref<4096x1x128xf32, #tpu.memory_space<any>>
    %dma_wait3A_1907 = tpu.memref_squeeze %dma_wait3A_1906 : memref<4096x1x128xf32, #tpu.memory_space<any>> -> memref<4096x128xf32, #tpu.memory_space<any>>
    tpu.wait_dma2 semaphore(%arg2 : memref<!tpu.dma_semaphore, #tpu.memory_space<semaphore_mem>>) src(%arg0 : memref<4096x128xf32, #tpu.memory_space<vmem>>) dst(%dma_wait3A_1907 : memref<4096x128xf32, #tpu.memory_space<any>>)
    %dma_start3A_1908 = arith.constant 199 : i32
    %dma_start3A_1909 = arith.constant 0 : i32
    %dma_start3A_1910 = arith.constant 0 : i32
    %dma_start3A_1911 = tpu.memref_slice %arg1[%dma_start3A_1909, %dma_start3A_1908, %dma_start3A_1910] : memref<4096x200x128xf32, #tpu.memory_space<any>> -> memref<4096x1x128xf32, #tpu.memory_space<any>>
    %dma_start3A_1912 = tpu.memref_squeeze %dma_start3A_1911 : memref<4096x1x128xf32, #tpu.memory_space<any>> -> memref<4096x128xf32, #tpu.memory_space<any>>
    tpu.enqueue_dma source(%arg0 : memref<4096x128xf32, #tpu.memory_space<vmem>>) target(%dma_start3A_1912 : memref<4096x128xf32, #tpu.memory_space<any>>) target_semaphore(%arg2 : memref<!tpu.dma_semaphore, #tpu.memory_space<semaphore_mem>>)
    %dma_wait3A_1913 = arith.constant 183 : i32
    %dma_wait3A_1914 = arith.constant 0 : i32
    %dma_wait3A_1915 = arith.constant 0 : i32
    %dma_wait3A_1916 = tpu.memref_slice %arg1[%dma_wait3A_1914, %dma_wait3A_1913, %dma_wait3A_1915] : memref<4096x200x128xf32, #tpu.memory_space<any>> -> memref<4096x1x128xf32, #tpu.memory_space<any>>
    %dma_wait3A_1917 = tpu.memref_squeeze %dma_wait3A_1916 : memref<4096x1x128xf32, #tpu.memory_space<any>> -> memref<4096x128xf32, #tpu.memory_space<any>>
    tpu.wait_dma2 semaphore(%arg2 : memref<!tpu.dma_semaphore, #tpu.memory_space<semaphore_mem>>) src(%arg0 : memref<4096x128xf32, #tpu.memory_space<vmem>>) dst(%dma_wait3A_1917 : memref<4096x128xf32, #tpu.memory_space<any>>)
    %dma_wait3A_1918 = arith.constant 184 : i32
    %dma_wait3A_1919 = arith.constant 0 : i32
    %dma_wait3A_1920 = arith.constant 0 : i32
    %dma_wait3A_1921 = tpu.memref_slice %arg1[%dma_wait3A_1919, %dma_wait3A_1918, %dma_wait3A_1920] : memref<4096x200x128xf32, #tpu.memory_space<any>> -> memref<4096x1x128xf32, #tpu.memory_space<any>>
    %dma_wait3A_1922 = tpu.memref_squeeze %dma_wait3A_1921 : memref<4096x1x128xf32, #tpu.memory_space<any>> -> memref<4096x128xf32, #tpu.memory_space<any>>
    tpu.wait_dma2 semaphore(%arg2 : memref<!tpu.dma_semaphore, #tpu.memory_space<semaphore_mem>>) src(%arg0 : memref<4096x128xf32, #tpu.memory_space<vmem>>) dst(%dma_wait3A_1922 : memref<4096x128xf32, #tpu.memory_space<any>>)
    %dma_wait3A_1923 = arith.constant 185 : i32
    %dma_wait3A_1924 = arith.constant 0 : i32
    %dma_wait3A_1925 = arith.constant 0 : i32
    %dma_wait3A_1926 = tpu.memref_slice %arg1[%dma_wait3A_1924, %dma_wait3A_1923, %dma_wait3A_1925] : memref<4096x200x128xf32, #tpu.memory_space<any>> -> memref<4096x1x128xf32, #tpu.memory_space<any>>
    %dma_wait3A_1927 = tpu.memref_squeeze %dma_wait3A_1926 : memref<4096x1x128xf32, #tpu.memory_space<any>> -> memref<4096x128xf32, #tpu.memory_space<any>>
    tpu.wait_dma2 semaphore(%arg2 : memref<!tpu.dma_semaphore, #tpu.memory_space<semaphore_mem>>) src(%arg0 : memref<4096x128xf32, #tpu.memory_space<vmem>>) dst(%dma_wait3A_1927 : memref<4096x128xf32, #tpu.memory_space<any>>)
    %dma_wait3A_1928 = arith.constant 186 : i32
    %dma_wait3A_1929 = arith.constant 0 : i32
    %dma_wait3A_1930 = arith.constant 0 : i32
    %dma_wait3A_1931 = tpu.memref_slice %arg1[%dma_wait3A_1929, %dma_wait3A_1928, %dma_wait3A_1930] : memref<4096x200x128xf32, #tpu.memory_space<any>> -> memref<4096x1x128xf32, #tpu.memory_space<any>>
    %dma_wait3A_1932 = tpu.memref_squeeze %dma_wait3A_1931 : memref<4096x1x128xf32, #tpu.memory_space<any>> -> memref<4096x128xf32, #tpu.memory_space<any>>
    tpu.wait_dma2 semaphore(%arg2 : memref<!tpu.dma_semaphore, #tpu.memory_space<semaphore_mem>>) src(%arg0 : memref<4096x128xf32, #tpu.memory_space<vmem>>) dst(%dma_wait3A_1932 : memref<4096x128xf32, #tpu.memory_space<any>>)
    %dma_wait3A_1933 = arith.constant 187 : i32
    %dma_wait3A_1934 = arith.constant 0 : i32
    %dma_wait3A_1935 = arith.constant 0 : i32
    %dma_wait3A_1936 = tpu.memref_slice %arg1[%dma_wait3A_1934, %dma_wait3A_1933, %dma_wait3A_1935] : memref<4096x200x128xf32, #tpu.memory_space<any>> -> memref<4096x1x128xf32, #tpu.memory_space<any>>
    %dma_wait3A_1937 = tpu.memref_squeeze %dma_wait3A_1936 : memref<4096x1x128xf32, #tpu.memory_space<any>> -> memref<4096x128xf32, #tpu.memory_space<any>>
    tpu.wait_dma2 semaphore(%arg2 : memref<!tpu.dma_semaphore, #tpu.memory_space<semaphore_mem>>) src(%arg0 : memref<4096x128xf32, #tpu.memory_space<vmem>>) dst(%dma_wait3A_1937 : memref<4096x128xf32, #tpu.memory_space<any>>)
    %dma_wait3A_1938 = arith.constant 188 : i32
    %dma_wait3A_1939 = arith.constant 0 : i32
    %dma_wait3A_1940 = arith.constant 0 : i32
    %dma_wait3A_1941 = tpu.memref_slice %arg1[%dma_wait3A_1939, %dma_wait3A_1938, %dma_wait3A_1940] : memref<4096x200x128xf32, #tpu.memory_space<any>> -> memref<4096x1x128xf32, #tpu.memory_space<any>>
    %dma_wait3A_1942 = tpu.memref_squeeze %dma_wait3A_1941 : memref<4096x1x128xf32, #tpu.memory_space<any>> -> memref<4096x128xf32, #tpu.memory_space<any>>
    tpu.wait_dma2 semaphore(%arg2 : memref<!tpu.dma_semaphore, #tpu.memory_space<semaphore_mem>>) src(%arg0 : memref<4096x128xf32, #tpu.memory_space<vmem>>) dst(%dma_wait3A_1942 : memref<4096x128xf32, #tpu.memory_space<any>>)
    %dma_wait3A_1943 = arith.constant 189 : i32
    %dma_wait3A_1944 = arith.constant 0 : i32
    %dma_wait3A_1945 = arith.constant 0 : i32
    %dma_wait3A_1946 = tpu.memref_slice %arg1[%dma_wait3A_1944, %dma_wait3A_1943, %dma_wait3A_1945] : memref<4096x200x128xf32, #tpu.memory_space<any>> -> memref<4096x1x128xf32, #tpu.memory_space<any>>
    %dma_wait3A_1947 = tpu.memref_squeeze %dma_wait3A_1946 : memref<4096x1x128xf32, #tpu.memory_space<any>> -> memref<4096x128xf32, #tpu.memory_space<any>>
    tpu.wait_dma2 semaphore(%arg2 : memref<!tpu.dma_semaphore, #tpu.memory_space<semaphore_mem>>) src(%arg0 : memref<4096x128xf32, #tpu.memory_space<vmem>>) dst(%dma_wait3A_1947 : memref<4096x128xf32, #tpu.memory_space<any>>)
    %dma_wait3A_1948 = arith.constant 190 : i32
    %dma_wait3A_1949 = arith.constant 0 : i32
    %dma_wait3A_1950 = arith.constant 0 : i32
    %dma_wait3A_1951 = tpu.memref_slice %arg1[%dma_wait3A_1949, %dma_wait3A_1948, %dma_wait3A_1950] : memref<4096x200x128xf32, #tpu.memory_space<any>> -> memref<4096x1x128xf32, #tpu.memory_space<any>>
    %dma_wait3A_1952 = tpu.memref_squeeze %dma_wait3A_1951 : memref<4096x1x128xf32, #tpu.memory_space<any>> -> memref<4096x128xf32, #tpu.memory_space<any>>
    tpu.wait_dma2 semaphore(%arg2 : memref<!tpu.dma_semaphore, #tpu.memory_space<semaphore_mem>>) src(%arg0 : memref<4096x128xf32, #tpu.memory_space<vmem>>) dst(%dma_wait3A_1952 : memref<4096x128xf32, #tpu.memory_space<any>>)
    %dma_wait3A_1953 = arith.constant 191 : i32
    %dma_wait3A_1954 = arith.constant 0 : i32
    %dma_wait3A_1955 = arith.constant 0 : i32
    %dma_wait3A_1956 = tpu.memref_slice %arg1[%dma_wait3A_1954, %dma_wait3A_1953, %dma_wait3A_1955] : memref<4096x200x128xf32, #tpu.memory_space<any>> -> memref<4096x1x128xf32, #tpu.memory_space<any>>
    %dma_wait3A_1957 = tpu.memref_squeeze %dma_wait3A_1956 : memref<4096x1x128xf32, #tpu.memory_space<any>> -> memref<4096x128xf32, #tpu.memory_space<any>>
    tpu.wait_dma2 semaphore(%arg2 : memref<!tpu.dma_semaphore, #tpu.memory_space<semaphore_mem>>) src(%arg0 : memref<4096x128xf32, #tpu.memory_space<vmem>>) dst(%dma_wait3A_1957 : memref<4096x128xf32, #tpu.memory_space<any>>)
    %dma_wait3A_1958 = arith.constant 192 : i32
    %dma_wait3A_1959 = arith.constant 0 : i32
    %dma_wait3A_1960 = arith.constant 0 : i32
    %dma_wait3A_1961 = tpu.memref_slice %arg1[%dma_wait3A_1959, %dma_wait3A_1958, %dma_wait3A_1960] : memref<4096x200x128xf32, #tpu.memory_space<any>> -> memref<4096x1x128xf32, #tpu.memory_space<any>>
    %dma_wait3A_1962 = tpu.memref_squeeze %dma_wait3A_1961 : memref<4096x1x128xf32, #tpu.memory_space<any>> -> memref<4096x128xf32, #tpu.memory_space<any>>
    tpu.wait_dma2 semaphore(%arg2 : memref<!tpu.dma_semaphore, #tpu.memory_space<semaphore_mem>>) src(%arg0 : memref<4096x128xf32, #tpu.memory_space<vmem>>) dst(%dma_wait3A_1962 : memref<4096x128xf32, #tpu.memory_space<any>>)
    %dma_wait3A_1963 = arith.constant 193 : i32
    %dma_wait3A_1964 = arith.constant 0 : i32
    %dma_wait3A_1965 = arith.constant 0 : i32
    %dma_wait3A_1966 = tpu.memref_slice %arg1[%dma_wait3A_1964, %dma_wait3A_1963, %dma_wait3A_1965] : memref<4096x200x128xf32, #tpu.memory_space<any>> -> memref<4096x1x128xf32, #tpu.memory_space<any>>
    %dma_wait3A_1967 = tpu.memref_squeeze %dma_wait3A_1966 : memref<4096x1x128xf32, #tpu.memory_space<any>> -> memref<4096x128xf32, #tpu.memory_space<any>>
    tpu.wait_dma2 semaphore(%arg2 : memref<!tpu.dma_semaphore, #tpu.memory_space<semaphore_mem>>) src(%arg0 : memref<4096x128xf32, #tpu.memory_space<vmem>>) dst(%dma_wait3A_1967 : memref<4096x128xf32, #tpu.memory_space<any>>)
    %dma_wait3A_1968 = arith.constant 194 : i32
    %dma_wait3A_1969 = arith.constant 0 : i32
    %dma_wait3A_1970 = arith.constant 0 : i32
    %dma_wait3A_1971 = tpu.memref_slice %arg1[%dma_wait3A_1969, %dma_wait3A_1968, %dma_wait3A_1970] : memref<4096x200x128xf32, #tpu.memory_space<any>> -> memref<4096x1x128xf32, #tpu.memory_space<any>>
    %dma_wait3A_1972 = tpu.memref_squeeze %dma_wait3A_1971 : memref<4096x1x128xf32, #tpu.memory_space<any>> -> memref<4096x128xf32, #tpu.memory_space<any>>
    tpu.wait_dma2 semaphore(%arg2 : memref<!tpu.dma_semaphore, #tpu.memory_space<semaphore_mem>>) src(%arg0 : memref<4096x128xf32, #tpu.memory_space<vmem>>) dst(%dma_wait3A_1972 : memref<4096x128xf32, #tpu.memory_space<any>>)
    %dma_wait3A_1973 = arith.constant 195 : i32
    %dma_wait3A_1974 = arith.constant 0 : i32
    %dma_wait3A_1975 = arith.constant 0 : i32
    %dma_wait3A_1976 = tpu.memref_slice %arg1[%dma_wait3A_1974, %dma_wait3A_1973, %dma_wait3A_1975] : memref<4096x200x128xf32, #tpu.memory_space<any>> -> memref<4096x1x128xf32, #tpu.memory_space<any>>
    %dma_wait3A_1977 = tpu.memref_squeeze %dma_wait3A_1976 : memref<4096x1x128xf32, #tpu.memory_space<any>> -> memref<4096x128xf32, #tpu.memory_space<any>>
    tpu.wait_dma2 semaphore(%arg2 : memref<!tpu.dma_semaphore, #tpu.memory_space<semaphore_mem>>) src(%arg0 : memref<4096x128xf32, #tpu.memory_space<vmem>>) dst(%dma_wait3A_1977 : memref<4096x128xf32, #tpu.memory_space<any>>)
    %dma_wait3A_1978 = arith.constant 196 : i32
    %dma_wait3A_1979 = arith.constant 0 : i32
    %dma_wait3A_1980 = arith.constant 0 : i32
    %dma_wait3A_1981 = tpu.memref_slice %arg1[%dma_wait3A_1979, %dma_wait3A_1978, %dma_wait3A_1980] : memref<4096x200x128xf32, #tpu.memory_space<any>> -> memref<4096x1x128xf32, #tpu.memory_space<any>>
    %dma_wait3A_1982 = tpu.memref_squeeze %dma_wait3A_1981 : memref<4096x1x128xf32, #tpu.memory_space<any>> -> memref<4096x128xf32, #tpu.memory_space<any>>
    tpu.wait_dma2 semaphore(%arg2 : memref<!tpu.dma_semaphore, #tpu.memory_space<semaphore_mem>>) src(%arg0 : memref<4096x128xf32, #tpu.memory_space<vmem>>) dst(%dma_wait3A_1982 : memref<4096x128xf32, #tpu.memory_space<any>>)
    %dma_wait3A_1983 = arith.constant 197 : i32
    %dma_wait3A_1984 = arith.constant 0 : i32
    %dma_wait3A_1985 = arith.constant 0 : i32
    %dma_wait3A_1986 = tpu.memref_slice %arg1[%dma_wait3A_1984, %dma_wait3A_1983, %dma_wait3A_1985] : memref<4096x200x128xf32, #tpu.memory_space<any>> -> memref<4096x1x128xf32, #tpu.memory_space<any>>
    %dma_wait3A_1987 = tpu.memref_squeeze %dma_wait3A_1986 : memref<4096x1x128xf32, #tpu.memory_space<any>> -> memref<4096x128xf32, #tpu.memory_space<any>>
    tpu.wait_dma2 semaphore(%arg2 : memref<!tpu.dma_semaphore, #tpu.memory_space<semaphore_mem>>) src(%arg0 : memref<4096x128xf32, #tpu.memory_space<vmem>>) dst(%dma_wait3A_1987 : memref<4096x128xf32, #tpu.memory_space<any>>)
    %dma_wait3A_1988 = arith.constant 198 : i32
    %dma_wait3A_1989 = arith.constant 0 : i32
    %dma_wait3A_1990 = arith.constant 0 : i32
    %dma_wait3A_1991 = tpu.memref_slice %arg1[%dma_wait3A_1989, %dma_wait3A_1988, %dma_wait3A_1990] : memref<4096x200x128xf32, #tpu.memory_space<any>> -> memref<4096x1x128xf32, #tpu.memory_space<any>>
    %dma_wait3A_1992 = tpu.memref_squeeze %dma_wait3A_1991 : memref<4096x1x128xf32, #tpu.memory_space<any>> -> memref<4096x128xf32, #tpu.memory_space<any>>
    tpu.wait_dma2 semaphore(%arg2 : memref<!tpu.dma_semaphore, #tpu.memory_space<semaphore_mem>>) src(%arg0 : memref<4096x128xf32, #tpu.memory_space<vmem>>) dst(%dma_wait3A_1992 : memref<4096x128xf32, #tpu.memory_space<any>>)
    %dma_wait3A_1993 = arith.constant 199 : i32
    %dma_wait3A_1994 = arith.constant 0 : i32
    %dma_wait3A_1995 = arith.constant 0 : i32
    %dma_wait3A_1996 = tpu.memref_slice %arg1[%dma_wait3A_1994, %dma_wait3A_1993, %dma_wait3A_1995] : memref<4096x200x128xf32, #tpu.memory_space<any>> -> memref<4096x1x128xf32, #tpu.memory_space<any>>
    %dma_wait3A_1997 = tpu.memref_squeeze %dma_wait3A_1996 : memref<4096x1x128xf32, #tpu.memory_space<any>> -> memref<4096x128xf32, #tpu.memory_space<any>>
    tpu.wait_dma2 semaphore(%arg2 : memref<!tpu.dma_semaphore, #tpu.memory_space<semaphore_mem>>) src(%arg0 : memref<4096x128xf32, #tpu.memory_space<vmem>>) dst(%dma_wait3A_1997 : memref<4096x128xf32, #tpu.memory_space<any>>)
    return
  }
}

</mosaic_0001>

<sc_bundles>
// kernel: kernel.4.cloned.1.call-start
scs
__scs_entry_jumppad:
0x0: {  	(pc) =	sbr.rel $0x88, $3  }
0x1: {  	(tag) =	ssettag $0x0;
	lr =	simm.s32 $0x1  }
0x2: {  	[smem:$0x3F9F] =	sst lr;
	_ =	strace $0xD0000000  }
0x3: {  	_ = 	snop  }
0x4: {  	_ = 	snop  }
0x5: {  	_ = 	snop  }
0x6: {  	_ = 	snop  }
0x7: {  	_ = 	snop  }
__scs_overlays_trampoline_lowered:
0x8: {  	[smem:$0x3FAE] =	sst s0  }
0x9: {  	[smem:$0x3FAF] =	sst s1  }
0xa: {  	[smem:$0x3FB0] =	sst s2  }
0xb: {  	[smem:$0x3FB1] =	sst s3  }
0xc: {  	[smem:$0x3FB2] =	sst s4  }
0xd: {  	[smem:$0x3FB3] =	sst s5  }
0xe: {  	[smem:$0x3FB4] =	sst s6  }
0xf: {  	[smem:$0x3FB5] =	sst s7  }
0x10: {  	[smem:$0x3FB6] =	sst s8  }
0x11: {  	[smem:$0x3FB7] =	sst s9;
	s0 =	simm.s32 @!p0 $0x0  }
0x12: {  	s1 =	sld [smem:$0x3F9D];
	s0 =	simm.s32 @p0 $0x1  }
0x13: {  	[smem:$0x3FB8] =	sst s0;
	s0 =	simm.s32 @!p1 $0x0  }
0x14: {  	s2 =	sld [smem:$0x3F9C];
	s0 =	simm.s32 @p1 $0x1  }
0x15: {  	[smem:$0x3FB9] =	sst s0;
	s0 =	simm.s32 @!p2 $0x0  }
0x16: {  	s3 =	sld [smem:$0x3FDB];
	s0 =	simm.s32 @p2 $0x1  }
0x17: {  	s4 =	simm.s32 $0x1BF5;
	[smem:$0x3FBB] =	sst s0  }
0x18: {  	s0 =	sld [smem:$0x3F9E];
	_ =	swait.ge [sflag:s4], $0x0  }
0x19: {  	s7 =	sld [smem:$0x3F9F]  }
0x1a: {  	s8 =	sadd.s32 $0xFFFFE003, lr  }
0x1b: {  	s9 =	sadd.s32 $0xFFFFFEF7, lr;
	s5 =	simm.s32 $0xFFFFFFFF;
	p2 =	slt.u32 s8, $0xFFFFF086  }
0x1c: {  	p1 =	slt.u32 s9, $0xF7A;
	s5 =	simm.s32 @!p2 $0x0  }
0x1d: {  	s5 =	simm.s32 @p1 $0x1;
	p0 =	seq.s32 s7, s2  }
0x1e: {  	s7 =	smul.u32 @!p0 $0xF7A, s2;
	p2 =	seq.s32 @!p0 s5, $0x0  }
0x1f: {  	s9 =	smul.u32 $0xF7A, s1;
	s8 =	simm.s32 @!p0 $0x1BF5;
	p2 =	por !p2, p0  }
0x20: {  	[sflag:s8] =	ssyncset.s32 @!p0 $0xFFFFF086;
	s6 =	sadd.s32 @!p0 s3, s7;
	s7 =	simm.s32 @!p0 $0x108  }
0x21: {  	s3 =	sadd.s32 s3, s9;
	s6 =	sadd.s32 @!p0 $0x88, s6;
	s7 =	simm.s32 @p2 $0x1082  }
0x22: {  	[simem:s7], [sflag:s8] =	dma.local @!p0 [hbm:s6], $0xF7A  }
0x23: {  	s9 =	sor.u32 $0xD0000000, s2;
	s6 =	simm.s32 $0x108;
	_ =	swait.ge @!p0 [sflag:s8], $0x0  }
0x24: {  	s3 =	sadd.s32 $0x88, s3;
	s6 =	simm.s32 @!p1 $0x1082;
	[sflag:s4] =	ssyncset.s32 $0xFFFFF086  }
0x25: {  	[simem:s6], [sflag:s4] =	dma.local [hbm:s3], $0xF7A  }
0x26: {  	[smem:$0x3F9F] =	sst s1;
	(tag) =	ssettag s2;
	_ =	strace s9  }
0x27: {  	s1 =	sld [smem:$0x3FAF]  }
0x28: {  	s2 =	sld [smem:$0x3FB0]  }
0x29: {  	s4 =	sld [smem:$0x3FB2]  }
0x2a: {  	p0 =	seq.s32 s5, $0x0;
	s5 =	sld [smem:$0x3FB3]  }
0x2b: {  	s6 =	sld [smem:$0x3FB4]  }
0x2c: {  	s7 =	sld [smem:$0x3FB5]  }
0x2d: {  	s3 =	simm.s32 $0x108;
	s8 =	sld [smem:$0x3FB6]  }
0x2e: {  	s3 =	simm.s32 @!p0 $0x1082;
	s9 =	sld [smem:$0x3FB7]  }
0x2f: {  	lr =	sadd.s32 s0, s3;
	s0 =	sld [smem:$0x3FAE]  }
0x30: {  	s3 =	sld [smem:$0x3FB1]  }
0x31: {  	[smem:$0x3FBA] =	sst s10  }
0x32: {  	s10 =	sld [smem:$0x3FB8];
	_ =	sdelay $0x3  }
0x33: {  	p0 =	seq.s32 s10, $0x1;
	s10 =	sld [smem:$0x3FBA];
	_ =	sdelay $0x3  }
0x34: {  	[smem:$0x3FBA] =	sst s10  }
0x35: {  	s10 =	sld [smem:$0x3FB9];
	_ =	sdelay $0x3  }
0x36: {  	p1 =	seq.s32 s10, $0x1;
	s10 =	sld [smem:$0x3FBA];
	_ =	sdelay $0x3  }
0x37: {  	[smem:$0x3FBA] =	sst s10  }
0x38: {  	s10 =	sld [smem:$0x3FBB]  }
0x39: {  	_ = 	snop;
	(pc) =	sbr.ind lr, $3  }
0x3a: {  	_ = 	snop  }
0x3b: {  	_ = 	snop  }
0x3c: {  	p2 =	seq.s32 s10, $0x1;
	s10 =	sld [smem:$0x3FBA]  }
0x3d: {  	_ =	shalt  }
0x3e: {  	_ =	shalt  }
0x3f: {  	_ =	shalt  }
0x40: {  	_ =	shalt  }
0x41: {  	_ =	shalt  }
0x42: {  	_ =	shalt  }
0x43: {  	_ =	shalt  }
0x44: {  	_ =	shalt  }
0x45: {  	_ =	shalt  }
0x46: {  	_ =	shalt  }
0x47: {  	_ =	shalt  }
0x48: {  	_ =	shalt  }
0x49: {  	_ =	shalt  }
0x4a: {  	_ =	shalt  }
0x4b: {  	_ =	shalt  }
0x4c: {  	_ =	shalt  }
0x4d: {  	_ =	shalt  }
0x4e: {  	_ =	shalt  }
0x4f: {  	_ =	shalt  }
0x50: {  	_ =	shalt  }
0x51: {  	_ =	shalt  }
0x52: {  	_ =	shalt  }
0x53: {  	_ =	shalt  }
0x54: {  	_ =	shalt  }
0x55: {  	_ =	shalt  }
0x56: {  	_ =	shalt  }
0x57: {  	_ =	shalt  }
0x58: {  	_ =	shalt  }
0x59: {  	_ =	shalt  }
0x5a: {  	_ =	shalt  }
0x5b: {  	_ =	shalt  }
0x5c: {  	_ =	shalt  }
0x5d: {  	_ =	shalt  }
0x5e: {  	_ =	shalt  }
0x5f: {  	_ =	shalt  }
0x60: {  	_ =	shalt  }
0x61: {  	_ =	shalt  }
0x62: {  	_ =	shalt  }
0x63: {  	_ =	shalt  }
0x64: {  	_ =	shalt  }
0x65: {  	_ =	shalt  }
0x66: {  	_ =	shalt  }
0x67: {  	_ =	shalt  }
0x68: {  	_ =	shalt  }
0x69: {  	_ =	shalt  }
0x6a: {  	_ =	shalt  }
0x6b: {  	_ =	shalt  }
0x6c: {  	_ =	shalt  }
0x6d: {  	_ =	shalt  }
0x6e: {  	_ =	shalt  }
0x6f: {  	_ =	shalt  }
0x70: {  	_ =	shalt  }
0x71: {  	_ =	shalt  }
0x72: {  	_ =	shalt  }
0x73: {  	_ =	shalt  }
0x74: {  	_ =	shalt  }
0x75: {  	_ =	shalt  }
0x76: {  	_ =	shalt  }
0x77: {  	_ =	shalt  }
0x78: {  	_ =	shalt  }
0x79: {  	_ =	shalt  }
0x7a: {  	_ =	shalt  }
0x7b: {  	_ =	shalt  }
0x7c: {  	_ =	shalt  }
0x7d: {  	_ =	shalt  }
0x7e: {  	_ =	shalt  }
0x7f: {  	_ =	shalt  }
0x80: {  	_ =	shalt  }
0x81: {  	_ =	shalt  }
0x82: {  	_ =	shalt  }
0x83: {  	_ =	shalt  }
0x84: {  	_ =	shalt  }
0x85: {  	_ =	shalt  }
0x86: {  	_ =	shalt  }
0x87: {  	_ =	shalt  }
.Lfunc_end0:
.L_simem_size_0:
called_computation_lowered:
.L_overlay_start_0:
0x88: {  	s2 =	sld [smem:$0x3FD9]  }
0x89: {  	s3 =	sld [smem:$0x3FFE];
	_ =	sdelay $0x1  }
0x8a: {  	s1 =	srdreg.scid  }
0x8b: {  	s0 =	sand.u32 $0x1, s1  }
0x8c: {  	s18 =	sshll.u32 s0, $0xA;
	s2 =	sadd.s32 s3, s2  }
0x8d: {  	s2 =	sadd.s32 s2, s18  }
0x8e: {  	[smem:$0x3FC6] =	sst s2  }
0x8f: {  	_ = 	snop  }
0x90: {  	s2 =	sld [smem:$0x3FC9]  }
0x91: {  	s19 =	sld [smem:$0x3FC8]  }
0x92: {  	s4 =	sld [smem:$0x3FD0];
	(tm) =	ssettm $0x1  }
0x93: {  	s5 =	sld [smem:$0x3FFB];
	_ =	sdelay $0x3  }
0x94: {  	_ =	strace s5  }
0x95: {  	s5 =	sld [smem:$0x3FFC];
	_ =	sdelay $0x3  }
0x96: {  	_ =	strace s5  }
0x97: {  	s5 =	sld [smem:$0x3FFD];
	_ =	sdelay $0x3  }
0x98: {  	_ =	strace s5  }
0x99: {  	_ =	strace $0x8FFFFFFF  }
0x9a: {  	s20 =	sld [smem:$0x3FDB];
	_ =	sdelay $0x1  }
0x9b: {  	s6 =	simm.s32 $_scs_section_size  }
0x9c: {  	s7 =	simm.s32 $_size__tile_overlayer_lowered;
	s8 =	simm.s32 $_tile_overlayer_lowered  }
0x9d: {  	s23 =	simm.s32 $0x1BFF;
	s22 =	sshll.u32 s8, $0x1;
	s5 =	sadd.s32 s6, s20  }
0x9e: {  	s9 =	simm.s32 $0x0;
	s21 =	sshll.u32 s7, $0x1;
	s7 =	sadd.s32 s22, s5  }
0x9f: {  	[timem:s9], [sflag:s23] =	dma.local [hbm:s7], s21  }
0xa0: {  	_ =	swait.ge [sflag:s23], s21  }
0xa1: {  	s6 =	ssub.s32 $0x0, s21;
	[sflag:s23] =	ssyncset.done $0x0  }
0xa2: {  	[sflag:s23] =	ssyncadd.s32 s6;
	_ =	sdelay $0x1  }
0xa3: {  	s24 =	simm.s32 $0x1B8B  }
0xa4: {  	_ =	swait.ge [sflag:s24], $0x1  }
0xa5: {  	[sflag:s24] =	ssyncset.done $0x0  }
0xa6: {  	s25 =	simm.s32 $0x1B8E;
	[sflag:s24] =	ssyncadd.s32 $0xFFFFFFFF  }
0xa7: {  	s26 =	simm.s32 $execute0_lowered;
	[smem:$0x3FD2] =	sst s25  }
0xa8: {  	s6 =	sshll.u32 s26, $0x1;
	_ =	strace $0x80000046;
	[dreg:$0x1] =	wrdreg $0xFFFFFFFF  }
0xa9: {  	s28 =	simm.s32 $_size_execute0_lowered;
	s5 =	sadd.s32 s5, s6;
	[dreg:$0x0] =	wrdreg $0x0  }
0xaa: {  	s6 =	sshll.u32 s28, $0x1;
	[dreg:$0x2] =	wrdreg s5  }
0xab: {  	[dreg:$0x3] =	wrdreg s6  }
0xac: {  	[dreg:$0x4] =	wrdreg $0xC0  }
0xad: {  	_ =	task [dreg:s9], $0x5FFFF  }
0xae: {  	[dreg:$0x1] =	wrdreg $0xFFFFFFFF  }
0xaf: {  	[dreg:$0x0] =	wrdreg $0x60  }
0xb0: {  	[dreg:$0x2] =	wrdreg s2  }
0xb1: {  	[dreg:$0x3] =	wrdreg s19  }
0xb2: {  	[dreg:$0x4] =	wrdreg s4  }
0xb3: {  	[dreg:$0x5] =	wrdreg $0x9  }
0xb4: {  	_ =	task.clear_ibuf [dreg:s9], $0x6FFFF;
	_ =	strace $0x90000046  }
0xb5: {  	s29 =	simm.s32 $0x9;
	_ =	strace $0x80000048  }
0xb6: {  	_ =	swait.ge [sflag:s29], $0x1  }
0xb7: {  	[sflag:s29] =	ssyncadd.s32 $0xFFFFFFFF  }
0xb8: {  	_ =	strace $0x90000048  }
0xb9: {  	_ =	sfence  }
0xba: {  	s30 =	sld [smem:$0x0];
	_ =	sdelay $0x2  }
0xbb: {  	s31 =	sshll.u32 s1, $0xD;
	s1 =	sshrl.u32 s1, $0x2  }
0xbc: {  	s3 =	sand.u32 $0x4000, s31;
	s1 =	sadd.s32 s1, s30  }
0xbd: {  	s0 =	sor.u32 s3, s0;
	s1 =	sshll.u32 s1, $0x11  }
0xbe: {  	s0 =	sor.u32 s1, s0  }
0xbf: {  	s0 =	sadd.s32 $0x8F2B, s0  }
0xc0: {  	[sflag:s0] =	ssyncadd.remote.s32 $0x1  }
0xc1: {  	_ =	sfence.sel $0xFFFF  }
0xc2: {  	[dreg:$0x0] =	wrdreg $0xFFFFFFFF;
	(pc) =	sbr.abs _section_cstart, $3  }
0xc3: {  	[dreg:$0x1] =	wrdreg $0xFFFFFFFF  }
0xc4: {  	_ =	task.clear_ibuf [dreg:s9], $0x2FFFF;
	_ =	strace $0x9FFFFFFF  }
0xc5: {  	(tm) =	ssettm $0x7FFFFFFF  }
tec
execute0_lowered:
.L_overlay_start_1:
0x0: {  	(tag) =	ssettag $0x1  }
0x1: {  	s4 =	rddreg [dreg:$0x0];
	s1 =	srdreg.scid  }
0x2: {  	s2 =	rddreg [dreg:$0x1];
	s0 =	stileid.u32;
	s12 =	sand.u32 $0x1, s1  }
0x3: {  	s10 =	rddreg [dreg:$0x2];
	s5 =	sshll.u32 s0, $0x8;
	s6 =	sshll.u32 s12, $0x7  }
0x4: {  	s3 =	simm.s32 $0x0;
	s1 =	rddreg [dreg:$0x3];
	s11 =	sor.u32 s6, s5  }
0x5: {  	[smem:$0x7FF] =	sst s3;
	s5 =	sshrl.u32 s11, $0x3  }
0x6: {  	_ =	strace $0x80000047;
	s4 =	sadd.s32 s4, s5;
	s5 =	simm.s32 $0x3  }
0x7: {  	[tilespmem:s3], [sflag:$0x3] =	stream.linear.gather [hbm4b:s4+s3], $0x80, $0x38;
	[tilespmem:$0x4080] =	vst v63  }
0x8: {  	_ =	swait.ge [sflag:s5], $0x80  }
0x9: {  	[sflag:s5] =	ssyncset.done $0x0  }
0xa: {  	s7 =	simm.s32 $0x80;
	s6 =	simm.s32 $0x40;
	[sflag:s5] =	ssyncadd.s32 $0xFFFFFF80  }
0xb: {  	[tilespmem:s7], [sflag:$0x1] =	stream.indirect.gather [hbm4b:s2+s6], $0x80, s3, s6, $0xb8;
	[tilespmem:$0x4080] =	vst v63  }
0xc: {  	s8 =	simm.s32 $0x2080;
	s9 =	simm.s32 $0x1  }
0xd: {  	[tilespmem:s8], [sflag:$0x2] =	stream.indirect.gather [hbm4b:s2+s6], $0x80, s6, s6, $0xb8;
	[tilespmem:$0x4080] =	vst v63  }
0xe: {  	s13 =	ssub.s32 $0x2, s12;
	_ =	swait.ge [sflag:s9], $0x2000  }
0xf: {  	s14 =	sshrl.u32 s13, $0x1;
	s11 =	sshll.u32 s11, $0x4;
	[sflag:s9] =	ssyncset.done $0x0  }
0x10: {  	s11 =	sadd.s32 s10, s11;
	s10 =	simm.s32 $0x2;
	[sflag:s9] =	ssyncadd.s32 $0xFFFFE000  }
0x11: {  	[hbm4b:s11+s3] =	stream.linear.scatter [tilespmem:s7], [sflag:$0x1], $0x2000, $0x38;
	[tilespmem:$0x4080] =	vst v63  }
0x12: {  	s13 =	ssub.s32 s13, s14;
	_ =	swait.ge [sflag:s10], $0x2000  }
0x13: {  	s13 =	smax.u32 s13, $0x1;
	[sflag:s10] =	ssyncset.done $0x0  }
0x14: {  	s12 =	sadd.s32 $0x400, s11;
	p0 =	sne.s32 s13, $0x1;
	[sflag:s10] =	ssyncadd.s32 $0xFFFFE000  }
0x15: {  	[hbm4b:s12+s3] =	stream.linear.scatter [tilespmem:s8], [sflag:$0x2], $0x2000, $0x38;
	[tilespmem:$0x4080] =	vst v63  }
.Ltmp0:
0x16: {  	_ =	swait.ge [sflag:s9], $0x2000;
	(pc) =	sbr.rel @!p0 .LBB2_2-.Ltmp0, $4  }
0x17: {  	[sflag:s9] =	ssyncset.done $0x0  }
0x18: {  	[sflag:s9] =	ssyncadd.s32 $0xFFFFE000  }
0x19: {  	_ =	swait.ge [sflag:s10], $0x2000  }
0x1a: {  	s13 =	sadd.s32 $0xFFFFFFFF, s13;
	[sflag:s10] =	ssyncset.done $0x0  }
.LBB2_1:
0x1b: {  	p0 =	sne.s32 s13, $0x1;
	s13 =	sadd.s32 $0xFFFFFFFF, s13;
	[sflag:s10] =	ssyncadd.s32 $0xFFFFE000  }
0x1c: {  	[tilespmem:s3], [sflag:$0x3] =	stream.linear.gather [hbm4b:s4+s3], $0x80, $0x38;
	[tilespmem:$0x4080] =	vst v63  }
0x1d: {  	_ =	swait.ge [sflag:s5], $0x80  }
0x1e: {  	[sflag:s5] =	ssyncset.done $0x0  }
0x1f: {  	[sflag:s5] =	ssyncadd.s32 $0xFFFFFF80  }
0x20: {  	[tilespmem:s7], [sflag:$0x1] =	stream.indirect.gather [hbm4b:s2+s6], $0x80, s3, s6, $0xb8;
	[tilespmem:$0x4080] =	vst v63  }
0x21: {  	_ = 	snop  }
0x22: {  	[tilespmem:s8], [sflag:$0x2] =	stream.indirect.gather [hbm4b:s2+s6], $0x80, s6, s6, $0xb8;
	[tilespmem:$0x4080] =	vst v63  }
0x23: {  	_ =	swait.ge [sflag:s9], $0x2000  }
0x24: {  	[sflag:s9] =	ssyncset.done $0x0  }
0x25: {  	[sflag:s9] =	ssyncadd.s32 $0xFFFFE000  }
0x26: {  	[hbm4b:s11+s3] =	stream.linear.scatter [tilespmem:s7], [sflag:$0x1], $0x2000, $0x38;
	[tilespmem:$0x4080] =	vst v63  }
0x27: {  	_ =	swait.ge [sflag:s10], $0x2000  }
0x28: {  	[sflag:s10] =	ssyncset.done $0x0  }
0x29: {  	[sflag:s10] =	ssyncadd.s32 $0xFFFFE000  }
0x2a: {  	[hbm4b:s12+s3] =	stream.linear.scatter [tilespmem:s8], [sflag:$0x2], $0x2000, $0x38;
	[tilespmem:$0x4080] =	vst v63  }
.Ltmp1:
0x2b: {  	_ =	swait.ge [sflag:s9], $0x2000;
	(pc) =	sbr.rel @p0 .LBB2_1-.Ltmp1, $4  }
0x2c: {  	[sflag:s9] =	ssyncset.done $0x0  }
0x2d: {  	[sflag:s9] =	ssyncadd.s32 $0xFFFFE000  }
0x2e: {  	_ =	swait.ge [sflag:s10], $0x2000  }
0x2f: {  	[sflag:s10] =	ssyncset.done $0x0  }
.LBB2_2:
0x30: {  	[sflag:s10] =	ssyncadd.s32 $0xFFFFE000  }
0x31: {  	_ =	sfence.sel $0x180000  }
0x32: {  	[bflag:$0x0] =	sbarrier.arrive $0xFFFF  }
0x33: {  	p0 =	sne.s32 s0, $0x0;
	_ =	strace $0x90000047  }
0x34: {  	s0 =	sadd.s32 @!p0 $0x100000, s1;
	[bflag:$0x2] =	sbarrier.arrive $0xFFFF  }
0x35: {  	[sflag:s0] =	ssyncadd.tile.s32 @!p0 $0x1;
	_ =	shalt  }
.Lfunc_end2:
_tile_overlayer_lowered:
.L_overlay_start_2:
0x36: {  	(tag) =	ssettag $0x2  }
0x37: {  	s0 =	rddreg [dreg:$0x0];
	s2 =	stileid.u32  }
0x38: {  	s1 =	rddreg [dreg:$0x1];
	p0 =	sne.s32 s2, $0x0  }
0x39: {  	s3 =	rddreg [dreg:$0x2];
	[bflag:$0x3] =	sbarrier.arrive $0xFFFF;
	s2 =	simm.s32 @!p0 $0x1C03  }
0x3a: {  	[timem:s3], [sflag:s2] =	dma.local @!p0 [hbm:s0], s1  }
0x3b: {  	s0 =	simm.s32 @!p0 $0x3  }
0x3c: {  	_ =	swait.ge @!p0 [sflag:s0], s1  }
0x3d: {  	s1 =	ssub.s32 @!p0 $0x0, s1;
	[sflag:s0] =	ssyncset.done @!p0 $0x0  }
0x3e: {  	[sflag:s0] =	ssyncadd.s32 @!p0 s1  }
0x3f: {  	[bflag:$0x3] =	sbarrier.arrive $0xFFFF  }
0x40: {  	_ =	shalt  }

</sc_bundles>
